<compile_context>
chip_gen: v7x
topology: tpu7x:2x2x1
jax: 0.10.2.dev20260603
libtpu: 0.0.44.dev20260713+nightly
codegen_flags: <defaults>
</compile_context>

<pallas_src>
import functools

import jax
import jax.numpy as jnp
import numpy as np
from jax import lax
from jax.experimental import pallas as pl
from jax.experimental.pallas import tpu as pltpu
from jax.experimental.pallas import tpu_sc as plsc


def _square_distance(src, dst):
    return jnp.sum(src ** 2, -1)[:, :, None] + jnp.sum(dst ** 2, -1)[:, None, :] - 2.0 * jnp.einsum('bnc,bmc->bnm', src, dst)


def _index_points(points, idx):
    B = points.shape[0]
    batch = jnp.arange(B).reshape((B,) + (1,) * (idx.ndim - 1))
    return points[batch, idx]


def _fps_kernel(npoint, xyz_ref, cent_ref):
    B, _, N = xyz_ref.shape
    x = xyz_ref[:, 0, :]
    y = xyz_ref[:, 1, :]
    z = xyz_ref[:, 2, :]
    zn = (x * 0.0).astype(jnp.int32)
    iota_n = jax.lax.broadcasted_iota(jnp.int32, (B, N), 1) + zn

    def body(i, state):
        distance, farthest = state
        sel = iota_n == farthest
        cx = jnp.sum(jnp.where(sel, x, 0.0), axis=1, keepdims=True)
        cy = jnp.sum(jnp.where(sel, y, 0.0), axis=1, keepdims=True)
        cz = jnp.sum(jnp.where(sel, z, 0.0), axis=1, keepdims=True)
        row = jnp.concatenate([farthest.astype(jnp.float32), cx, cy, cz],
                              axis=1)
        cent_ref[pl.ds(i, 1)] = row.reshape(1, B, 4)
        d = (x - cx) ** 2 + (y - cy) ** 2 + (z - cz) ** 2
        distance = jnp.minimum(distance, d)
        maxv = jnp.max(distance, axis=1, keepdims=True)
        farthest = jnp.min(jnp.where(distance == maxv, iota_n, N), axis=1,
                           keepdims=True)
        return distance, farthest

    distance = x * 0.0 + 1e10
    farthest = jnp.min(iota_n, axis=1, keepdims=True) * 0
    jax.lax.fori_loop(0, npoint, body, (distance, farthest))


def _fps(xyz_bcn, npoint):
    B, _, N = xyz_bcn.shape
    cent = pl.pallas_call(
        functools.partial(_fps_kernel, npoint),
        out_shape=jax.ShapeDtypeStruct((npoint, B, 4), jnp.float32),
    )(xyz_bcn)
    return jnp.transpose(cent[:, :, 1:4], (1, 0, 2))


def _query_ball(radius, nsample, xyz, new_xyz):
    B, N, C = xyz.shape
    S = new_xyz.shape[1]
    sqrdists = _square_distance(new_xyz, xyz)
    group_idx = jnp.broadcast_to(jnp.arange(N, dtype=jnp.int32), (B, S, N))
    group_idx = jnp.where(sqrdists > radius ** 2, jnp.int32(N), group_idx)
    group_idx = jnp.sort(group_idx, axis=-1)[:, :, :nsample]
    group_first = jnp.broadcast_to(group_idx[:, :, :1], group_idx.shape)
    group_idx = jnp.where(group_idx == N, group_first, group_idx)
    return jnp.clip(group_idx, 0, N - 1)


def _conv_bn_relu(x, p, eps=1e-5):
    shape = (1, -1) + (1,) * (x.ndim - 2)
    y = jnp.einsum('oi,bi...->bo...', p['W'], x) + p['b'].reshape(shape)
    y = (y - p['mean'].reshape(shape)) / jnp.sqrt(p['var'].reshape(shape) + eps) * p['gamma'].reshape(shape) + p['beta'].reshape(shape)
    return jax.nn.relu(y)


def _set_abstraction(xyz, points, npoint, radius, nsample, layers):
    xyz_t = jnp.transpose(xyz, (0, 2, 1))
    points_t = jnp.transpose(points, (0, 2, 1)) if points is not None else None
    fps_idx = _fps(xyz_t, npoint)
    new_xyz = _index_points(xyz_t, fps_idx)
    idx = _query_ball(radius, nsample, xyz_t, new_xyz)
    grouped_xyz = _index_points(xyz_t, idx) - new_xyz[:, :, None, :]
    if points_t is not None:
        grouped_points = _index_points(points_t, idx)
        new_points = jnp.concatenate([grouped_xyz, grouped_points], axis=-1)
    else:
        new_points = grouped_xyz
    new_points = jnp.transpose(new_points, (0, 3, 2, 1))
    for p in layers:
        new_points = _conv_bn_relu(new_points, p)
    new_points = jnp.max(new_points, axis=2)
    return jnp.transpose(new_xyz, (0, 2, 1)), new_points


def _feature_propagation(xyz1, xyz2, points1, points2, layers):
    xyz1_t = jnp.transpose(xyz1, (0, 2, 1))
    xyz2_t = jnp.transpose(xyz2, (0, 2, 1))
    points2_t = jnp.transpose(points2, (0, 2, 1))
    B, N, _ = xyz1_t.shape
    dists = _square_distance(xyz1_t, xyz2_t)
    idx = jnp.argsort(dists, axis=-1)[:, :, :3]
    d = jnp.take_along_axis(dists, idx, axis=-1)
    dist_recip = 1.0 / (d + 1e-8)
    norm = jnp.sum(dist_recip, axis=2, keepdims=True)
    weight = dist_recip / norm
    interpolated = jnp.sum(_index_points(points2_t, idx) * weight[..., None], axis=2)
    if points1 is not None:
        points1_t = jnp.transpose(points1, (0, 2, 1))
        new_points = jnp.concatenate([points1_t, interpolated], axis=-1)
    else:
        new_points = interpolated
    new_points = jnp.transpose(new_points, (0, 2, 1))
    for p in layers:
        new_points = _conv_bn_relu(new_points, p)
    return new_points


def _sa_dist_kernel(x_ref, nx_ref, d_ref):
    qx = x_ref[0]
    nxr = nx_ref[0]
    pn = jnp.sum(qx * qx, axis=0, keepdims=True)
    sn = jnp.sum(nxr * nxr, axis=1, keepdims=True)
    dot = jax.lax.dot_general(nxr, qx, (((1,), (0,)), ((), ())),
                              preferred_element_type=jnp.float32)
    d_ref[0] = (sn + pn) - 2.0 * dot


def _sa_dist(xyz_bcn, nxyz_rows):
    B, _, N = xyz_bcn.shape
    S = nxyz_rows.shape[1]
    return pl.pallas_call(
        _sa_dist_kernel,
        grid=(B,),
        in_specs=[pl.BlockSpec((1, 3, N), lambda i: (i, 0, 0)),
                  pl.BlockSpec((1, S, 3), lambda i: (i, 0, 0))],
        out_specs=pl.BlockSpec((1, S, N), lambda i: (i, 0, 0)),
        out_shape=jax.ShapeDtypeStruct((B, S, N), jnp.float32),
    )(xyz_bcn, nxyz_rows)


def _select_gather_jnp(D, r2, nsample, tab):
    B, S, N = D.shape
    gi = jnp.broadcast_to(jnp.arange(N, dtype=jnp.int32), (B, S, N))
    gi = jnp.where(D > r2, jnp.int32(N), gi)
    gi = jnp.sort(gi, axis=-1)[:, :, :nsample]
    first = jnp.broadcast_to(gi[:, :, :1], gi.shape)
    gi = jnp.where(gi == N, first, gi)
    gi = jnp.clip(gi, 0, N - 1)
    bidx = jnp.arange(B).reshape(B, 1, 1)
    g = tab[bidx, :, gi]
    return g.reshape(B, S, -1)


def _sa_mlp_kernel(nlayers, S, ns, x_ref, nx_ref, *rest):
    wb = rest[:6 * nlayers]
    out_ref = rest[6 * nlayers]
    F = x_ref[0]
    NX = nx_ref[0]
    rel = F[:, 0:3] - NX
    pts = F if F.shape[1] == 3 else F[:, 3:]
    X = jnp.concatenate([rel, pts], axis=1)
    for l in range(nlayers):
        X = _layer_fwd(X, wb[6 * l:6 * l + 6])
    C = X.shape[1]
    out_ref[0] = jnp.max(X.reshape(S, ns, C), axis=1)


def _sa_mlp(feats, nxyz_rows, layers, nsample):
    B, SK, Cf = feats.shape
    S = SK // nsample
    nxe = jnp.repeat(nxyz_rows, nsample, axis=1)
    wbs = []
    for p in layers:
        wbs += _layer_args(p)
    Cout = wbs[-6].shape[1]
    specs = [pl.BlockSpec((1, SK, Cf), lambda i: (i, 0, 0)),
             pl.BlockSpec((1, SK, 3), lambda i: (i, 0, 0))]
    for a in wbs:
        specs.append(pl.BlockSpec(a.shape, lambda i: (0,) * a.ndim))
    return pl.pallas_call(
        functools.partial(_sa_mlp_kernel, len(layers), S, nsample),
        grid=(B,),
        in_specs=specs,
        out_specs=pl.BlockSpec((1, S, Cout), lambda i: (i, 0, 0)),
        out_shape=jax.ShapeDtypeStruct((B, S, Cout), jnp.float32),
    )(feats, nxe, *wbs)


def _sa_stage(xyz_bcn, tab_bcn, npoint, radius, nsample, layers):
    B, _, N = xyz_bcn.shape
    nxyz_rows = _fps(xyz_bcn, npoint)
    D = _sa_dist(xyz_bcn, nxyz_rows)
    feats = _select_gather_jnp(D, radius ** 2, nsample, tab_bcn)
    SK = npoint * nsample
    Cf = tab_bcn.shape[1]
    feats = feats.reshape(B, SK, Cf)
    return nxyz_rows, _sa_mlp(feats, nxyz_rows, layers, nsample)


def _layer_args(p, eps=1e-5):
    return [p['W'].T, p['b'][None, :], p['mean'][None, :],
            jnp.sqrt(p['var'] + eps)[None, :], p['gamma'][None, :],
            p['beta'][None, :]]


def _layer_fwd(X, refs):
    W, b, mean, sq, gamma, beta = (r[...] for r in refs)
    y = jax.lax.dot_general(X, W, (((1,), (0,)), ((), ())),
                            preferred_element_type=jnp.float32) + b
    y = (y - mean) / sq * gamma + beta
    return jnp.maximum(y, 0.0)


def _lexlt(da, ia, db, ib):
    return (da < db) | ((da == db) & (ia < ib))


def _insert3(state, d, i):
    m1, i1, m2, i2, m3, i3 = state
    c1 = _lexlt(d, i, m1, i1)
    c2 = (~c1) & _lexlt(d, i, m2, i2)
    c3 = (~c1) & (~c2) & _lexlt(d, i, m3, i3)
    nm3 = jnp.where(c1 | c2, m2, jnp.where(c3, d, m3))
    ni3 = jnp.where(c1 | c2, i2, jnp.where(c3, i, i3))
    nm2 = jnp.where(c1, m1, jnp.where(c2, d, m2))
    ni2 = jnp.where(c1, i1, jnp.where(c2, i, i2))
    nm1 = jnp.where(c1, d, m1)
    ni1 = jnp.where(c1, i, i1)
    return nm1, ni1, nm2, ni2, nm3, ni3


def _top3_weights(Dt, Nc, Nq):

    z8 = Dt[0:8, :] * 0.0
    rio8 = jax.lax.broadcasted_iota(jnp.int32, (8, Nq), 0).astype(jnp.float32) + z8
    m1 = z8 + 1e30; m2 = z8 + 1e30; m3 = z8 + 1e30
    i1 = z8 + Nc; i2 = z8 + Nc; i3 = z8 + Nc
    for k in range(Nc // 8):
        d = Dt[k * 8:(k + 1) * 8, :]
        iv = rio8 + float(k * 8)
        c1 = d < m1
        c2 = (~c1) & (d < m2)
        c3 = (~c1) & (~c2) & (d < m3)
        m3 = jnp.where(c1 | c2, m2, jnp.where(c3, d, m3))
        i3 = jnp.where(c1 | c2, i2, jnp.where(c3, iv, i3))
        m2 = jnp.where(c1, m1, jnp.where(c2, d, m2))
        i2 = jnp.where(c1, i1, jnp.where(c2, iv, i2))
        m1 = jnp.where(c1, d, m1)
        i1 = jnp.where(c1, iv, i1)

    for half in (4, 2, 1):
        st = (m1[:half], i1[:half], m2[:half], i2[:half], m3[:half], i3[:half])
        for dd, ii in ((m1[half:2 * half], i1[half:2 * half]),
                       (m2[half:2 * half], i2[half:2 * half]),
                       (m3[half:2 * half], i3[half:2 * half])):
            st = _insert3(st, dd, ii)
        m1, i1, m2, i2, m3, i3 = st

    r1 = 1.0 / (m1 + 1e-8)
    r2 = 1.0 / (m2 + 1e-8)
    r3 = 1.0 / (m3 + 1e-8)
    norm = r1 + r2 + r3
    w1 = r1 / norm; w2 = r2 / norm; w3 = r3 / norm
    return None, i1, i2, i3, w1, w2, w3


def _fp_stage_kernel(nlayers, has_p1, has_conv, Nc, Nq, *refs):
    dt_ref, p2_ref = refs[0], refs[1]
    pos = 2
    if has_p1:
        p1_ref = refs[pos]; pos += 1
    wb = refs[pos:pos + 6 * nlayers]; pos += 6 * nlayers
    if has_conv:
        cw_ref, cb_ref = refs[pos], refs[pos + 1]; pos += 2
    out_ref = refs[pos]

    Dt = jnp.transpose(dt_ref[0])
    _, i1, i2, i3, w1, w2, w3 = _top3_weights(Dt, Nc, Nq)

    rio = jax.lax.broadcasted_iota(jnp.int32, (Nc, Nq), 0).astype(jnp.float32) + Dt * 0.0
    Wt = (jnp.where(rio == i1, w1, 0.0) + jnp.where(rio == i2, w2, 0.0)
          + jnp.where(rio == i3, w3, 0.0))
    P = p2_ref[0]
    X = jax.lax.dot_general(Wt, P, (((0,), (0,)), ((), ())),
                            precision=jax.lax.Precision.HIGHEST,
                            preferred_element_type=jnp.float32)
    if has_p1:
        X = jnp.concatenate([p1_ref[0], X], axis=1)
    for l in range(nlayers):
        X = _layer_fwd(X, wb[6 * l:6 * l + 6])
    if has_conv:
        X = jax.lax.dot_general(X, cw_ref[...], (((1,), (0,)), ((), ())),
                                preferred_element_type=jnp.float32) + cb_ref[...]
    out_ref[0] = X


def _fp_stage(D, p2_rows, p1_rows, layers, conv=None):
    B, Nq, Nc = D.shape
    wbs = []
    for p in layers:
        wbs += _layer_args(p)
    args = [D, p2_rows]
    if p1_rows is not None:
        args.append(p1_rows)
    args += wbs
    if conv is not None:
        args += [conv['W'].T, conv['b'][None, :]]
        Cout = 1
    else:
        Cout = wbs[-6].shape[1]
    specs = []
    for a in args:
        if a.ndim == 3:
            specs.append(pl.BlockSpec((1,) + a.shape[1:],
                                      lambda i: (i, 0, 0)))
        else:
            specs.append(pl.BlockSpec(a.shape, lambda i: (0,) * a.ndim))
    return pl.pallas_call(
        functools.partial(_fp_stage_kernel, len(layers), p1_rows is not None,
                          conv is not None, Nc, Nq),
        grid=(B,),
        in_specs=specs,
        out_specs=pl.BlockSpec((1, Nq, Cout), lambda i: (i, 0, 0)),
        out_shape=jax.ShapeDtypeStruct((B, Nq, Cout), jnp.float32),
    )(*args)


def _fp_sel_kernel(Nc, Nq, qx_ref, cx_ref, out_ref):
    qx = qx_ref[0]
    cxr = cx_ref[0]
    _, i1, i2, i3, w1, w2, w3 = _top3_weights(qx, cxr, Nc, Nq)
    out_ref[0] = jnp.concatenate([i1, i2, i3, w1, w2, w3], axis=0)


def _fp_sel_debug(q_xyz, c_xyz_rows):
    B, _, Nq = q_xyz.shape
    Nc = c_xyz_rows.shape[1]
    out = pl.pallas_call(
        functools.partial(_fp_sel_kernel, Nc, Nq),
        grid=(B,),
        in_specs=[pl.BlockSpec((1, 3, Nq), lambda i: (i, 0, 0)),
                  pl.BlockSpec((1, Nc, 3), lambda i: (i, 0, 0))],
        out_specs=pl.BlockSpec((1, 6, Nq), lambda i: (i, 0, 0)),
        out_shape=jax.ShapeDtypeStruct((B, 6, Nq), jnp.float32),
    )(q_xyz, c_xyz_rows)
    return jnp.transpose(out, (0, 2, 1))


def _final_conv_kernel(x_ref, w_ref, b_ref, o_ref):
    o_ref[0] = jax.lax.dot_general(
        w_ref[...], x_ref[0], (((1,), (0,)), ((), ())),
        preferred_element_type=jnp.float32) + b_ref[...]


def _final_conv(x, W, b):
    B, C, N = x.shape
    return pl.pallas_call(
        _final_conv_kernel,
        grid=(B,),
        in_specs=[
            pl.BlockSpec((1, C, N), lambda i: (i, 0, 0)),
            pl.BlockSpec((1, C), lambda i: (0, 0)),
            pl.BlockSpec((1, 1), lambda i: (0, 0)),
        ],
        out_specs=pl.BlockSpec((1, 1, N), lambda i: (i, 0, 0)),
        out_shape=jax.ShapeDtypeStruct((B, 1, N), jnp.float32),
    )(x, W, b.reshape(1, 1))


def kernel(xyz, params):
    l0_xyz = xyz[:, :3, :]
    nx1_rows, l1_rows = _sa_stage(l0_xyz, xyz, 256, 0.2, 32, params['sa1'])
    nx1_bcn = jnp.transpose(nx1_rows, (0, 2, 1))
    tab2 = jnp.concatenate([nx1_bcn, jnp.transpose(l1_rows, (0, 2, 1))],
                           axis=1)
    nx2_rows, l2_rows = _sa_stage(nx1_bcn, tab2, 64, 0.4, 32, params['sa2'])
    D2 = _square_distance(nx1_rows, nx2_rows)
    fp2_rows = _fp_stage(D2, l2_rows, l1_rows, params['fp2'])
    D1 = _square_distance(jnp.transpose(l0_xyz, (0, 2, 1)), nx1_rows)
    out_rows = _fp_stage(D1, fp2_rows, None, params['fp1'],
                         conv=params['conv1'])
    return jnp.transpose(out_rows, (0, 2, 1))

# --- scband reference (transcript-rebuilt; emitter-appended) ---
"""Pipeline reference for scband-point-net-77532749627402 (READ-ONLY COPY).

The authoritative reference and input builder live on the scoring server;
editing this copy changes nothing except your own understanding.
"""

import jax, jax.numpy as jnp
import numpy as np


def square_distance(src, dst):
    return jnp.sum(src ** 2, -1)[:, :, None] + jnp.sum(dst ** 2, -1)[:, None, :] - 2.0 * jnp.einsum('bnc,bmc->bnm', src, dst)


def index_points(points, idx):
    B = points.shape[0]
    batch = jnp.arange(B).reshape((B,) + (1,) * (idx.ndim - 1))
    return points[batch, idx]


def farthest_point_sample(xyz, npoint):
    B, N, C = xyz.shape

    def body(i, state):
        centroids, distance, farthest = state
        centroids = centroids.at[:, i].set(farthest)
        centroid = index_points(xyz, farthest[:, None])
        dist = jnp.sum((xyz - centroid) ** 2, -1)
        distance = jnp.minimum(distance, dist)
        farthest = jnp.argmax(distance, -1).astype(jnp.int32)
        return centroids, distance, farthest

    centroids = jnp.zeros((B, npoint), dtype=jnp.int32)
    distance = jnp.full((B, N), 1e10, dtype=xyz.dtype)
    farthest = jnp.zeros((B,), dtype=jnp.int32)
    centroids, _, _ = jax.lax.fori_loop(0, npoint, body, (centroids, distance, farthest))
    return centroids


def query_ball_point(radius, nsample, xyz, new_xyz):
    B, N, C = xyz.shape
    S = new_xyz.shape[1]
    sqrdists = square_distance(new_xyz, xyz)
    group_idx = jnp.broadcast_to(jnp.arange(N, dtype=jnp.int32), (B, S, N))
    group_idx = jnp.where(sqrdists > radius ** 2, jnp.int32(N), group_idx)
    group_idx = jnp.sort(group_idx, axis=-1)[:, :, :nsample]
    group_first = jnp.broadcast_to(group_idx[:, :, :1], group_idx.shape)
    group_idx = jnp.where(group_idx == N, group_first, group_idx)
    return jnp.clip(group_idx, 0, N - 1)


def conv_bn_relu(x, p, eps=1e-5):
    shape = (1, -1) + (1,) * (x.ndim - 2)
    y = jnp.einsum('oi,bi...->bo...', p['W'], x) + p['b'].reshape(shape)
    y = (y - p['mean'].reshape(shape)) / jnp.sqrt(p['var'].reshape(shape) + eps) * p['gamma'].reshape(shape) + p['beta'].reshape(shape)
    return jax.nn.relu(y)


def set_abstraction(xyz, points, npoint, radius, nsample, layers):
    xyz_t = jnp.transpose(xyz, (0, 2, 1))
    points_t = jnp.transpose(points, (0, 2, 1)) if points is not None else None
    fps_idx = farthest_point_sample(xyz_t, npoint)
    new_xyz = index_points(xyz_t, fps_idx)
    idx = query_ball_point(radius, nsample, xyz_t, new_xyz)
    grouped_xyz = index_points(xyz_t, idx) - new_xyz[:, :, None, :]
    if points_t is not None:
        grouped_points = index_points(points_t, idx)
        new_points = jnp.concatenate([grouped_xyz, grouped_points], axis=-1)
    else:
        new_points = grouped_xyz
    new_points = jnp.transpose(new_points, (0, 3, 2, 1))
    for p in layers:
        new_points = conv_bn_relu(new_points, p)
    new_points = jnp.max(new_points, axis=2)
    return jnp.transpose(new_xyz, (0, 2, 1)), new_points


def feature_propagation(xyz1, xyz2, points1, points2, layers):
    xyz1_t = jnp.transpose(xyz1, (0, 2, 1))
    xyz2_t = jnp.transpose(xyz2, (0, 2, 1))
    points2_t = jnp.transpose(points2, (0, 2, 1))
    B, N, _ = xyz1_t.shape
    S = xyz2_t.shape[1]
    if S == 1:
        interpolated = jnp.broadcast_to(points2_t, (B, N, points2_t.shape[-1]))
    else:
        dists = square_distance(xyz1_t, xyz2_t)
        idx = jnp.argsort(dists, axis=-1)[:, :, :3]
        d = jnp.take_along_axis(dists, idx, axis=-1)
        dist_recip = 1.0 / (d + 1e-8)
        norm = jnp.sum(dist_recip, axis=2, keepdims=True)
        weight = dist_recip / norm
        interpolated = jnp.sum(index_points(points2_t, idx) * weight[..., None], axis=2)
    if points1 is not None:
        points1_t = jnp.transpose(points1, (0, 2, 1))
        new_points = jnp.concatenate([points1_t, interpolated], axis=-1)
    else:
        new_points = interpolated
    new_points = jnp.transpose(new_points, (0, 2, 1))
    for p in layers:
        new_points = conv_bn_relu(new_points, p)
    return new_points


def _make_layer(key, cin, cout):
    W = jax.random.normal(key, (cout, cin), dtype=jnp.float32) / np.sqrt(cin)
    return {'W': W, 'b': jnp.zeros((cout,), jnp.float32), 'gamma': jnp.ones((cout,), jnp.float32), 'beta': jnp.zeros((cout,), jnp.float32), 'mean': jnp.zeros((cout,), jnp.float32), 'var': jnp.ones((cout,), jnp.float32)}


def setup_inputs(seed: int = 0) -> dict:
    key = jax.random.key(seed)
    ks = jax.random.split(key, 16)
    xyz = jax.random.uniform(ks[0], (16, 3, 4096), dtype=jnp.float32)
    params = {
        'sa1': [_make_layer(ks[1], 6, 32), _make_layer(ks[2], 32, 32), _make_layer(ks[3], 32, 64)],
        'sa2': [_make_layer(ks[4], 67, 64), _make_layer(ks[5], 64, 64), _make_layer(ks[6], 64, 128)],
        'fp2': [_make_layer(ks[7], 192, 128), _make_layer(ks[8], 128, 128)],
        'fp1': [_make_layer(ks[9], 128, 128), _make_layer(ks[10], 128, 128), _make_layer(ks[11], 128, 128)],
        'conv1': {'W': jax.random.normal(ks[12], (1, 128), dtype=jnp.float32) / np.sqrt(128.0), 'b': jnp.zeros((1,), jnp.float32)},
    }
    return {'xyz': xyz, 'params': params}


def reference(xyz, params):
    l0_points = xyz
    l0_xyz = xyz[:, :3, :]
    l1_xyz, l1_points = set_abstraction(l0_xyz, l0_points, 256, 0.2, 32, params['sa1'])
    l2_xyz, l2_points = set_abstraction(l1_xyz, l1_points, 64, 0.4, 32, params['sa2'])
    l1_points = feature_propagation(l1_xyz, l2_xyz, l1_points, l2_points, params['fp2'])
    l0_points = feature_propagation(l0_xyz, l1_xyz, None, l1_points, params['fp1'])
    x = jnp.einsum('oi,bin->bon', params['conv1']['W'], l0_points) + params['conv1']['b'].reshape(1, -1, 1)
    return x

if __name__ == "__main__":
    import jax
    _d = setup_inputs()
    print(jax.jit(kernel)(*tuple(_d.values())))

</pallas_src>

<mosaic_0001>
module attributes {stable_mosaic.version = 14 : i64} {
  func.func @_fps_kernel(%arg0: memref<16x3x4096xf32, #tpu.memory_space<vmem>>, %arg1: memref<256x16x4xf32, #tpu.memory_space<vmem>>) attributes {dimension_semantics = [], scalar_prefetch = 0 : i64, scratch_operands = 0 : i64, tpu.core_type = #tpu.core_type<tc>} {
    %get3A = arith.constant 0 : index
    %get3A_0 = arith.constant 0 : index
    %get3A_1 = arith.constant 0 : index
    %get3A_2 = vector.load %arg0[%get3A, %get3A_0, %get3A_1] : memref<16x3x4096xf32, #tpu.memory_space<vmem>>, vector<16x1x4096xf32>
    %get3A_3 = vector.shape_cast %get3A_2 : vector<16x1x4096xf32> to vector<16x4096xf32>
    %get3A_4 = arith.constant 0 : index
    %get3A_5 = arith.constant 1 : index
    %get3A_6 = arith.constant 0 : index
    %get3A_7 = vector.load %arg0[%get3A_4, %get3A_5, %get3A_6] : memref<16x3x4096xf32, #tpu.memory_space<vmem>>, vector<16x1x4096xf32>
    %get3A_8 = vector.shape_cast %get3A_7 : vector<16x1x4096xf32> to vector<16x4096xf32>
    %get3A_9 = arith.constant 0 : index
    %get3A_10 = arith.constant 2 : index
    %get3A_11 = arith.constant 0 : index
    %get3A_12 = vector.load %arg0[%get3A_9, %get3A_10, %get3A_11] : memref<16x3x4096xf32, #tpu.memory_space<vmem>>, vector<16x1x4096xf32>
    %get3A_13 = vector.shape_cast %get3A_12 : vector<16x1x4096xf32> to vector<16x4096xf32>
    %mul3A = arith.constant 0.000000e+00 : f32
    %mul3A_14 = vector.broadcast %mul3A : f32 to vector<16x4096xf32>
    %mul3A_15 = arith.mulf %get3A_3, %mul3A_14 : vector<16x4096xf32>
    %convert_element_type3A = arith.fptosi %mul3A_15 : vector<16x4096xf32> to vector<16x4096xi32>
    %iota3A = tpu.iota {dimensions = array<i32: 1>} : vector<16x4096xi32>
    %add3A = arith.addi %iota3A, %convert_element_type3A : vector<16x4096xi32>
    %mul3A_16 = arith.constant 0.000000e+00 : f32
    %mul3A_17 = vector.broadcast %mul3A_16 : f32 to vector<16x4096xf32>
    %mul3A_18 = arith.mulf %get3A_3, %mul3A_17 : vector<16x4096xf32>
    %add3A_19 = arith.constant 1.000000e+10 : f32
    %add3A_20 = vector.broadcast %add3A_19 : f32 to vector<16x4096xf32>
    %add3A_21 = arith.addf %mul3A_18, %add3A_20 : vector<16x4096xf32>
    %reduce_min3A = arith.constant dense<2147483647> : vector<16xi32>
    %reduce_min3A_22 = vector.multi_reduction <minsi>, %add3A, %reduce_min3A [1] : vector<16x4096xi32> to vector<16xi32>
    %broadcast_in_dim3A = vector.shape_cast %reduce_min3A_22 : vector<16xi32> to vector<16x1xi32>
    %mul3A_23 = arith.constant 0 : i32
    %mul3A_24 = vector.broadcast %mul3A_23 : i32 to vector<16x1xi32>
    %mul3A_25 = arith.muli %broadcast_in_dim3A, %mul3A_24 : vector<16x1xi32>
    %scan3A = arith.constant 0 : i32
    %scan3A_26 = arith.constant 256 : i32
    %scan3A_27 = arith.addi %scan3A, %scan3A_26 : i32
    %scan3A_28 = arith.constant 1 : i32
    %scan3A_29:2 = scf.for %scan3A_31 = %scan3A to %scan3A_27 step %scan3A_28 iter_args(%scan3A_32 = %add3A_21, %scan3A_33 = %mul3A_25) -> (vector<16x4096xf32>, vector<16x1xi32>)  : i32 {
      %eq3A = vector.broadcast %scan3A_33 : vector<16x1xi32> to vector<16x4096xi32>
      %eq3A_34 = arith.cmpi eq, %add3A, %eq3A : vector<16x4096xi32>
      %jit3A = arith.constant 0.000000e+00 : f32
      %broadcast_in_dim3A_35 = vector.broadcast %jit3A : f32 to vector<16x4096xf32>
      %select_n3A = arith.select %eq3A_34, %get3A_3, %broadcast_in_dim3A_35 : vector<16x4096xi1>, vector<16x4096xf32>
      %reduce_sum3A = arith.constant dense<0.000000e+00> : vector<16xf32>
      %reduce_sum3A_36 = vector.multi_reduction <add>, %select_n3A, %reduce_sum3A [1] : vector<16x4096xf32> to vector<16xf32>
      %broadcast_in_dim3A_37 = vector.shape_cast %reduce_sum3A_36 : vector<16xf32> to vector<16x1xf32>
      %jit3A_38 = arith.constant 0.000000e+00 : f32
      %broadcast_in_dim3A_39 = vector.broadcast %jit3A_38 : f32 to vector<16x4096xf32>
      %select_n3A_40 = arith.select %eq3A_34, %get3A_8, %broadcast_in_dim3A_39 : vector<16x4096xi1>, vector<16x4096xf32>
      %reduce_sum3A_41 = arith.constant dense<0.000000e+00> : vector<16xf32>
      %reduce_sum3A_42 = vector.multi_reduction <add>, %select_n3A_40, %reduce_sum3A_41 [1] : vector<16x4096xf32> to vector<16xf32>
      %broadcast_in_dim3A_43 = vector.shape_cast %reduce_sum3A_42 : vector<16xf32> to vector<16x1xf32>
      %jit3A_44 = arith.constant 0.000000e+00 : f32
      %broadcast_in_dim3A_45 = vector.broadcast %jit3A_44 : f32 to vector<16x4096xf32>
      %select_n3A_46 = arith.select %eq3A_34, %get3A_13, %broadcast_in_dim3A_45 : vector<16x4096xi1>, vector<16x4096xf32>
      %reduce_sum3A_47 = arith.constant dense<0.000000e+00> : vector<16xf32>
      %reduce_sum3A_48 = vector.multi_reduction <add>, %select_n3A_46, %reduce_sum3A_47 [1] : vector<16x4096xf32> to vector<16xf32>
      %broadcast_in_dim3A_49 = vector.shape_cast %reduce_sum3A_48 : vector<16xf32> to vector<16x1xf32>
      %convert_element_type3A_50 = arith.sitofp %scan3A_33 : vector<16x1xi32> to vector<16x1xf32>
      %concatenate3A = tpu.concatenate %convert_element_type3A_50, %broadcast_in_dim3A_37, %broadcast_in_dim3A_43, %broadcast_in_dim3A_49 in 1 : vector<16x1xf32>, vector<16x1xf32>, vector<16x1xf32>, vector<16x1xf32> -> vector<16x4xf32>
      %reshape3A = vector.shape_cast %concatenate3A : vector<16x4xf32> to vector<1x16x4xf32>
      %swap3A = arith.index_cast %scan3A_31 : i32 to index
      %swap3A_51 = arith.constant 0 : index
      %swap3A_52 = arith.constant 0 : index
      %swap3A_53 = vector.load %arg1[%swap3A, %swap3A_51, %swap3A_52] : memref<256x16x4xf32, #tpu.memory_space<vmem>>, vector<1x16x4xf32>
      tpu.vector_store %arg1[%swap3A, %swap3A_51, %swap3A_52], %reshape3A {strides = array<i32>} : memref<256x16x4xf32, #tpu.memory_space<vmem>>, vector<1x16x4xf32>,
      %sub3A = vector.broadcast %broadcast_in_dim3A_37 : vector<16x1xf32> to vector<16x4096xf32>
      %sub3A_54 = arith.subf %get3A_3, %sub3A : vector<16x4096xf32>
      %integer_pow3A = arith.mulf %sub3A_54, %sub3A_54 : vector<16x4096xf32>
      %sub3A_55 = vector.broadcast %broadcast_in_dim3A_43 : vector<16x1xf32> to vector<16x4096xf32>
      %sub3A_56 = arith.subf %get3A_8, %sub3A_55 : vector<16x4096xf32>
      %integer_pow3A_57 = arith.mulf %sub3A_56, %sub3A_56 : vector<16x4096xf32>
      %add3A_58 = arith.addf %integer_pow3A, %integer_pow3A_57 : vector<16x4096xf32>
      %sub3A_59 = vector.broadcast %broadcast_in_dim3A_49 : vector<16x1xf32> to vector<16x4096xf32>
      %sub3A_60 = arith.subf %get3A_13, %sub3A_59 : vector<16x4096xf32>
      %integer_pow3A_61 = arith.mulf %sub3A_60, %sub3A_60 : vector<16x4096xf32>
      %add3A_62 = arith.addf %add3A_58, %integer_pow3A_61 : vector<16x4096xf32>
      %min3A = arith.minimumf %scan3A_32, %add3A_62 : vector<16x4096xf32>
      %reduce_max3A = arith.constant dense<0xFF800000> : vector<16xf32>
      %reduce_max3A_63 = vector.multi_reduction <maximumf>, %min3A, %reduce_max3A [1] : vector<16x4096xf32> to vector<16xf32>
      %broadcast_in_dim3A_64 = vector.shape_cast %reduce_max3A_63 : vector<16xf32> to vector<16x1xf32>
      %eq3A_65 = vector.broadcast %broadcast_in_dim3A_64 : vector<16x1xf32> to vector<16x4096xf32>
      %eq3A_66 = arith.cmpf oeq, %min3A, %eq3A_65 : vector<16x4096xf32>
      %jit3A_67 = arith.constant 4096 : i32
      %broadcast_in_dim3A_68 = vector.broadcast %jit3A_67 : i32 to vector<16x4096xi32>
      %select_n3A_69 = arith.select %eq3A_66, %add3A, %broadcast_in_dim3A_68 : vector<16x4096xi1>, vector<16x4096xi32>
      %reduce_min3A_70 = arith.constant dense<2147483647> : vector<16xi32>
      %reduce_min3A_71 = vector.multi_reduction <minsi>, %select_n3A_69, %reduce_min3A_70 [1] : vector<16x4096xi32> to vector<16xi32>
      %broadcast_in_dim3A_72 = vector.shape_cast %reduce_min3A_71 : vector<16xi32> to vector<16x1xi32>
      scf.yield %min3A, %broadcast_in_dim3A_72 : vector<16x4096xf32>, vector<16x1xi32>
    }
    %scan3A_30 = arith.constant 256 : i32
    return
  }
}

module attributes {stable_mosaic.version = 14 : i64} {
  func.func @_sa_dist_kernel(%arg0: i32, %arg1: memref<1x3x4096xf32, #tpu.memory_space<vmem>>, %arg2: memref<1x256x3xf32, #tpu.memory_space<vmem>>, %arg3: memref<1x256x4096xf32, #tpu.memory_space<vmem>>) attributes {dimension_semantics = [#tpu.dimension_semantics<arbitrary>], iteration_bounds = array<i64: 16>, scalar_prefetch = 0 : i64, scratch_operands = 0 : i64, tpu.core_type = #tpu.core_type<tc>, window_params = [{transform_indices = @transform_0, window_bounds = array<i64: 1, 3, 4096>}, {transform_indices = @transform_1, window_bounds = array<i64: 1, 256, 3>}, {transform_indices = @transform_2, window_bounds = array<i64: 1, 256, 4096>}]} {
    %get3A = arith.constant 0 : index
    %get3A_0 = arith.constant 0 : index
    %get3A_1 = arith.constant 0 : index
    %get3A_2 = vector.load %arg1[%get3A, %get3A_0, %get3A_1] : memref<1x3x4096xf32, #tpu.memory_space<vmem>>, vector<1x3x4096xf32>
    %get3A_3 = vector.shape_cast %get3A_2 : vector<1x3x4096xf32> to vector<3x4096xf32>
    %get3A_4 = arith.constant 0 : index
    %get3A_5 = arith.constant 0 : index
    %get3A_6 = arith.constant 0 : index
    %get3A_7 = vector.load %arg2[%get3A_4, %get3A_5, %get3A_6] : memref<1x256x3xf32, #tpu.memory_space<vmem>>, vector<1x256x3xf32>
    %get3A_8 = vector.shape_cast %get3A_7 : vector<1x256x3xf32> to vector<256x3xf32>
    %mul3A = arith.mulf %get3A_3, %get3A_3 : vector<3x4096xf32>
    %reduce_sum3A = arith.constant dense<0.000000e+00> : vector<4096xf32>
    %reduce_sum3A_9 = vector.multi_reduction <add>, %mul3A, %reduce_sum3A [0] : vector<3x4096xf32> to vector<4096xf32>
    %broadcast_in_dim3A = vector.shape_cast %reduce_sum3A_9 : vector<4096xf32> to vector<1x4096xf32>
    %mul3A_10 = arith.mulf %get3A_8, %get3A_8 : vector<256x3xf32>
    %reduce_sum3A_11 = arith.constant dense<0.000000e+00> : vector<256xf32>
    %reduce_sum3A_12 = vector.multi_reduction <add>, %mul3A_10, %reduce_sum3A_11 [1] : vector<256x3xf32> to vector<256xf32>
    %broadcast_in_dim3A_13 = vector.shape_cast %reduce_sum3A_12 : vector<256xf32> to vector<256x1xf32>
    %dot_general3A = arith.constant dense<0.000000e+00> : vector<256x4096xf32>
    %dot_general3A_14 = tpu.matmul %get3A_8, %get3A_3, %dot_general3A {dimension_numbers = #tpu.dot_dimension_numbers<[1], [0], [0], [1], [0, 0, 1, 1], [], []>, transpose_lhs_hint = false} : vector<256x3xf32>, vector<3x4096xf32>, vector<256x4096xf32> -> vector<256x4096xf32>
    %add3A = vector.broadcast %broadcast_in_dim3A_13 : vector<256x1xf32> to vector<256x4096xf32>
    %add3A_15 = vector.broadcast %broadcast_in_dim3A : vector<1x4096xf32> to vector<256x4096xf32>
    %add3A_16 = arith.addf %add3A, %add3A_15 : vector<256x4096xf32>
    %mul3A_17 = arith.constant 2.000000e+00 : f32
    %mul3A_18 = vector.broadcast %mul3A_17 : f32 to vector<256x4096xf32>
    %mul3A_19 = arith.mulf %mul3A_18, %dot_general3A_14 : vector<256x4096xf32>
    %sub3A = arith.subf %add3A_16, %mul3A_19 : vector<256x4096xf32>
    %swap3A = arith.constant 0 : index
    %swap3A_20 = arith.constant 0 : index
    %swap3A_21 = arith.constant 0 : index
    %swap3A_22 = vector.load %arg3[%swap3A, %swap3A_20, %swap3A_21] : memref<1x256x4096xf32, #tpu.memory_space<vmem>>, vector<1x256x4096xf32>
    %swap3A_23 = vector.shape_cast %swap3A_22 : vector<1x256x4096xf32> to vector<256x4096xf32>
    %swap3A_24 = vector.shape_cast %sub3A : vector<256x4096xf32> to vector<1x256x4096xf32>
    tpu.vector_store %arg3[%swap3A, %swap3A_20, %swap3A_21], %swap3A_24 {strides = array<i32>} : memref<1x256x4096xf32, #tpu.memory_space<vmem>>, vector<1x256x4096xf32>,
    return
  }
  func.func @transform_0(%arg0: i32) -> (i32, i32, i32) {
    %c0_i32 = arith.constant 0 : i32
    %c0_i32_0 = arith.constant 0 : i32
    %c0_i32_1 = arith.constant 0 : i32
    return %arg0, %c0_i32, %c0_i32_0 : i32, i32, i32
  }
  func.func @transform_1(%arg0: i32) -> (i32, i32, i32) {
    %c0_i32 = arith.constant 0 : i32
    %c0_i32_0 = arith.constant 0 : i32
    %c0_i32_1 = arith.constant 0 : i32
    return %arg0, %c0_i32, %c0_i32_0 : i32, i32, i32
  }
  func.func @transform_2(%arg0: i32) -> (i32, i32, i32) {
    %c0_i32 = arith.constant 0 : i32
    %c0_i32_0 = arith.constant 0 : i32
    %c0_i32_1 = arith.constant 0 : i32
    return %arg0, %c0_i32, %c0_i32_0 : i32, i32, i32
  }
}

module attributes {stable_mosaic.version = 14 : i64} {
  func.func @_fps_kernel(%arg0: memref<16x3x256xf32, #tpu.memory_space<vmem>>, %arg1: memref<64x16x4xf32, #tpu.memory_space<vmem>>) attributes {dimension_semantics = [], scalar_prefetch = 0 : i64, scratch_operands = 0 : i64, tpu.core_type = #tpu.core_type<tc>} {
    %get3A = arith.constant 0 : index
    %get3A_0 = arith.constant 0 : index
    %get3A_1 = arith.constant 0 : index
    %get3A_2 = vector.load %arg0[%get3A, %get3A_0, %get3A_1] : memref<16x3x256xf32, #tpu.memory_space<vmem>>, vector<16x1x256xf32>
    %get3A_3 = vector.shape_cast %get3A_2 : vector<16x1x256xf32> to vector<16x256xf32>
    %get3A_4 = arith.constant 0 : index
    %get3A_5 = arith.constant 1 : index
    %get3A_6 = arith.constant 0 : index
    %get3A_7 = vector.load %arg0[%get3A_4, %get3A_5, %get3A_6] : memref<16x3x256xf32, #tpu.memory_space<vmem>>, vector<16x1x256xf32>
    %get3A_8 = vector.shape_cast %get3A_7 : vector<16x1x256xf32> to vector<16x256xf32>
    %get3A_9 = arith.constant 0 : index
    %get3A_10 = arith.constant 2 : index
    %get3A_11 = arith.constant 0 : index
    %get3A_12 = vector.load %arg0[%get3A_9, %get3A_10, %get3A_11] : memref<16x3x256xf32, #tpu.memory_space<vmem>>, vector<16x1x256xf32>
    %get3A_13 = vector.shape_cast %get3A_12 : vector<16x1x256xf32> to vector<16x256xf32>
    %mul3A = arith.constant 0.000000e+00 : f32
    %mul3A_14 = vector.broadcast %mul3A : f32 to vector<16x256xf32>
    %mul3A_15 = arith.mulf %get3A_3, %mul3A_14 : vector<16x256xf32>
    %convert_element_type3A = arith.fptosi %mul3A_15 : vector<16x256xf32> to vector<16x256xi32>
    %iota3A = tpu.iota {dimensions = array<i32: 1>} : vector<16x256xi32>
    %add3A = arith.addi %iota3A, %convert_element_type3A : vector<16x256xi32>
    %mul3A_16 = arith.constant 0.000000e+00 : f32
    %mul3A_17 = vector.broadcast %mul3A_16 : f32 to vector<16x256xf32>
    %mul3A_18 = arith.mulf %get3A_3, %mul3A_17 : vector<16x256xf32>
    %add3A_19 = arith.constant 1.000000e+10 : f32
    %add3A_20 = vector.broadcast %add3A_19 : f32 to vector<16x256xf32>
    %add3A_21 = arith.addf %mul3A_18, %add3A_20 : vector<16x256xf32>
    %reduce_min3A = arith.constant dense<2147483647> : vector<16xi32>
    %reduce_min3A_22 = vector.multi_reduction <minsi>, %add3A, %reduce_min3A [1] : vector<16x256xi32> to vector<16xi32>
    %broadcast_in_dim3A = vector.shape_cast %reduce_min3A_22 : vector<16xi32> to vector<16x1xi32>
    %mul3A_23 = arith.constant 0 : i32
    %mul3A_24 = vector.broadcast %mul3A_23 : i32 to vector<16x1xi32>
    %mul3A_25 = arith.muli %broadcast_in_dim3A, %mul3A_24 : vector<16x1xi32>
    %scan3A = arith.constant 0 : i32
    %scan3A_26 = arith.constant 64 : i32
    %scan3A_27 = arith.addi %scan3A, %scan3A_26 : i32
    %scan3A_28 = arith.constant 1 : i32
    %scan3A_29:2 = scf.for %scan3A_31 = %scan3A to %scan3A_27 step %scan3A_28 iter_args(%scan3A_32 = %add3A_21, %scan3A_33 = %mul3A_25) -> (vector<16x256xf32>, vector<16x1xi32>)  : i32 {
      %eq3A = vector.broadcast %scan3A_33 : vector<16x1xi32> to vector<16x256xi32>
      %eq3A_34 = arith.cmpi eq, %add3A, %eq3A : vector<16x256xi32>
      %jit3A = arith.constant 0.000000e+00 : f32
      %broadcast_in_dim3A_35 = vector.broadcast %jit3A : f32 to vector<16x256xf32>
      %select_n3A = arith.select %eq3A_34, %get3A_3, %broadcast_in_dim3A_35 : vector<16x256xi1>, vector<16x256xf32>
      %reduce_sum3A = arith.constant dense<0.000000e+00> : vector<16xf32>
      %reduce_sum3A_36 = vector.multi_reduction <add>, %select_n3A, %reduce_sum3A [1] : vector<16x256xf32> to vector<16xf32>
      %broadcast_in_dim3A_37 = vector.shape_cast %reduce_sum3A_36 : vector<16xf32> to vector<16x1xf32>
      %jit3A_38 = arith.constant 0.000000e+00 : f32
      %broadcast_in_dim3A_39 = vector.broadcast %jit3A_38 : f32 to vector<16x256xf32>
      %select_n3A_40 = arith.select %eq3A_34, %get3A_8, %broadcast_in_dim3A_39 : vector<16x256xi1>, vector<16x256xf32>
      %reduce_sum3A_41 = arith.constant dense<0.000000e+00> : vector<16xf32>
      %reduce_sum3A_42 = vector.multi_reduction <add>, %select_n3A_40, %reduce_sum3A_41 [1] : vector<16x256xf32> to vector<16xf32>
      %broadcast_in_dim3A_43 = vector.shape_cast %reduce_sum3A_42 : vector<16xf32> to vector<16x1xf32>
      %jit3A_44 = arith.constant 0.000000e+00 : f32
      %broadcast_in_dim3A_45 = vector.broadcast %jit3A_44 : f32 to vector<16x256xf32>
      %select_n3A_46 = arith.select %eq3A_34, %get3A_13, %broadcast_in_dim3A_45 : vector<16x256xi1>, vector<16x256xf32>
      %reduce_sum3A_47 = arith.constant dense<0.000000e+00> : vector<16xf32>
      %reduce_sum3A_48 = vector.multi_reduction <add>, %select_n3A_46, %reduce_sum3A_47 [1] : vector<16x256xf32> to vector<16xf32>
      %broadcast_in_dim3A_49 = vector.shape_cast %reduce_sum3A_48 : vector<16xf32> to vector<16x1xf32>
      %convert_element_type3A_50 = arith.sitofp %scan3A_33 : vector<16x1xi32> to vector<16x1xf32>
      %concatenate3A = tpu.concatenate %convert_element_type3A_50, %broadcast_in_dim3A_37, %broadcast_in_dim3A_43, %broadcast_in_dim3A_49 in 1 : vector<16x1xf32>, vector<16x1xf32>, vector<16x1xf32>, vector<16x1xf32> -> vector<16x4xf32>
      %reshape3A = vector.shape_cast %concatenate3A : vector<16x4xf32> to vector<1x16x4xf32>
      %swap3A = arith.index_cast %scan3A_31 : i32 to index
      %swap3A_51 = arith.constant 0 : index
      %swap3A_52 = arith.constant 0 : index
      %swap3A_53 = vector.load %arg1[%swap3A, %swap3A_51, %swap3A_52] : memref<64x16x4xf32, #tpu.memory_space<vmem>>, vector<1x16x4xf32>
      tpu.vector_store %arg1[%swap3A, %swap3A_51, %swap3A_52], %reshape3A {strides = array<i32>} : memref<64x16x4xf32, #tpu.memory_space<vmem>>, vector<1x16x4xf32>,
      %sub3A = vector.broadcast %broadcast_in_dim3A_37 : vector<16x1xf32> to vector<16x256xf32>
      %sub3A_54 = arith.subf %get3A_3, %sub3A : vector<16x256xf32>
      %integer_pow3A = arith.mulf %sub3A_54, %sub3A_54 : vector<16x256xf32>
      %sub3A_55 = vector.broadcast %broadcast_in_dim3A_43 : vector<16x1xf32> to vector<16x256xf32>
      %sub3A_56 = arith.subf %get3A_8, %sub3A_55 : vector<16x256xf32>
      %integer_pow3A_57 = arith.mulf %sub3A_56, %sub3A_56 : vector<16x256xf32>
      %add3A_58 = arith.addf %integer_pow3A, %integer_pow3A_57 : vector<16x256xf32>
      %sub3A_59 = vector.broadcast %broadcast_in_dim3A_49 : vector<16x1xf32> to vector<16x256xf32>
      %sub3A_60 = arith.subf %get3A_13, %sub3A_59 : vector<16x256xf32>
      %integer_pow3A_61 = arith.mulf %sub3A_60, %sub3A_60 : vector<16x256xf32>
      %add3A_62 = arith.addf %add3A_58, %integer_pow3A_61 : vector<16x256xf32>
      %min3A = arith.minimumf %scan3A_32, %add3A_62 : vector<16x256xf32>
      %reduce_max3A = arith.constant dense<0xFF800000> : vector<16xf32>
      %reduce_max3A_63 = vector.multi_reduction <maximumf>, %min3A, %reduce_max3A [1] : vector<16x256xf32> to vector<16xf32>
      %broadcast_in_dim3A_64 = vector.shape_cast %reduce_max3A_63 : vector<16xf32> to vector<16x1xf32>
      %eq3A_65 = vector.broadcast %broadcast_in_dim3A_64 : vector<16x1xf32> to vector<16x256xf32>
      %eq3A_66 = arith.cmpf oeq, %min3A, %eq3A_65 : vector<16x256xf32>
      %jit3A_67 = arith.constant 256 : i32
      %broadcast_in_dim3A_68 = vector.broadcast %jit3A_67 : i32 to vector<16x256xi32>
      %select_n3A_69 = arith.select %eq3A_66, %add3A, %broadcast_in_dim3A_68 : vector<16x256xi1>, vector<16x256xi32>
      %reduce_min3A_70 = arith.constant dense<2147483647> : vector<16xi32>
      %reduce_min3A_71 = vector.multi_reduction <minsi>, %select_n3A_69, %reduce_min3A_70 [1] : vector<16x256xi32> to vector<16xi32>
      %broadcast_in_dim3A_72 = vector.shape_cast %reduce_min3A_71 : vector<16xi32> to vector<16x1xi32>
      scf.yield %min3A, %broadcast_in_dim3A_72 : vector<16x256xf32>, vector<16x1xi32>
    }
    %scan3A_30 = arith.constant 64 : i32
    return
  }
}

module attributes {stable_mosaic.version = 14 : i64} {
  func.func @_sa_dist_kernel(%arg0: i32, %arg1: memref<1x3x256xf32, #tpu.memory_space<vmem>>, %arg2: memref<1x64x3xf32, #tpu.memory_space<vmem>>, %arg3: memref<1x64x256xf32, #tpu.memory_space<vmem>>) attributes {dimension_semantics = [#tpu.dimension_semantics<arbitrary>], iteration_bounds = array<i64: 16>, scalar_prefetch = 0 : i64, scratch_operands = 0 : i64, tpu.core_type = #tpu.core_type<tc>, window_params = [{transform_indices = @transform_0, window_bounds = array<i64: 1, 3, 256>}, {transform_indices = @transform_1, window_bounds = array<i64: 1, 64, 3>}, {transform_indices = @transform_2, window_bounds = array<i64: 1, 64, 256>}]} {
    %get3A = arith.constant 0 : index
    %get3A_0 = arith.constant 0 : index
    %get3A_1 = arith.constant 0 : index
    %get3A_2 = vector.load %arg1[%get3A, %get3A_0, %get3A_1] : memref<1x3x256xf32, #tpu.memory_space<vmem>>, vector<1x3x256xf32>
    %get3A_3 = vector.shape_cast %get3A_2 : vector<1x3x256xf32> to vector<3x256xf32>
    %get3A_4 = arith.constant 0 : index
    %get3A_5 = arith.constant 0 : index
    %get3A_6 = arith.constant 0 : index
    %get3A_7 = vector.load %arg2[%get3A_4, %get3A_5, %get3A_6] : memref<1x64x3xf32, #tpu.memory_space<vmem>>, vector<1x64x3xf32>
    %get3A_8 = vector.shape_cast %get3A_7 : vector<1x64x3xf32> to vector<64x3xf32>
    %mul3A = arith.mulf %get3A_3, %get3A_3 : vector<3x256xf32>
    %reduce_sum3A = arith.constant dense<0.000000e+00> : vector<256xf32>
    %reduce_sum3A_9 = vector.multi_reduction <add>, %mul3A, %reduce_sum3A [0] : vector<3x256xf32> to vector<256xf32>
    %broadcast_in_dim3A = vector.shape_cast %reduce_sum3A_9 : vector<256xf32> to vector<1x256xf32>
    %mul3A_10 = arith.mulf %get3A_8, %get3A_8 : vector<64x3xf32>
    %reduce_sum3A_11 = arith.constant dense<0.000000e+00> : vector<64xf32>
    %reduce_sum3A_12 = vector.multi_reduction <add>, %mul3A_10, %reduce_sum3A_11 [1] : vector<64x3xf32> to vector<64xf32>
    %broadcast_in_dim3A_13 = vector.shape_cast %reduce_sum3A_12 : vector<64xf32> to vector<64x1xf32>
    %dot_general3A = arith.constant dense<0.000000e+00> : vector<64x256xf32>
    %dot_general3A_14 = tpu.matmul %get3A_8, %get3A_3, %dot_general3A {dimension_numbers = #tpu.dot_dimension_numbers<[1], [0], [0], [1], [0, 0, 1, 1], [], []>, transpose_lhs_hint = false} : vector<64x3xf32>, vector<3x256xf32>, vector<64x256xf32> -> vector<64x256xf32>
    %add3A = vector.broadcast %broadcast_in_dim3A_13 : vector<64x1xf32> to vector<64x256xf32>
    %add3A_15 = vector.broadcast %broadcast_in_dim3A : vector<1x256xf32> to vector<64x256xf32>
    %add3A_16 = arith.addf %add3A, %add3A_15 : vector<64x256xf32>
    %mul3A_17 = arith.constant 2.000000e+00 : f32
    %mul3A_18 = vector.broadcast %mul3A_17 : f32 to vector<64x256xf32>
    %mul3A_19 = arith.mulf %mul3A_18, %dot_general3A_14 : vector<64x256xf32>
    %sub3A = arith.subf %add3A_16, %mul3A_19 : vector<64x256xf32>
    %swap3A = arith.constant 0 : index
    %swap3A_20 = arith.constant 0 : index
    %swap3A_21 = arith.constant 0 : index
    %swap3A_22 = vector.load %arg3[%swap3A, %swap3A_20, %swap3A_21] : memref<1x64x256xf32, #tpu.memory_space<vmem>>, vector<1x64x256xf32>
    %swap3A_23 = vector.shape_cast %swap3A_22 : vector<1x64x256xf32> to vector<64x256xf32>
    %swap3A_24 = vector.shape_cast %sub3A : vector<64x256xf32> to vector<1x64x256xf32>
    tpu.vector_store %arg3[%swap3A, %swap3A_20, %swap3A_21], %swap3A_24 {strides = array<i32>} : memref<1x64x256xf32, #tpu.memory_space<vmem>>, vector<1x64x256xf32>,
    return
  }
  func.func @transform_0(%arg0: i32) -> (i32, i32, i32) {
    %c0_i32 = arith.constant 0 : i32
    %c0_i32_0 = arith.constant 0 : i32
    %c0_i32_1 = arith.constant 0 : i32
    return %arg0, %c0_i32, %c0_i32_0 : i32, i32, i32
  }
  func.func @transform_1(%arg0: i32) -> (i32, i32, i32) {
    %c0_i32 = arith.constant 0 : i32
    %c0_i32_0 = arith.constant 0 : i32
    %c0_i32_1 = arith.constant 0 : i32
    return %arg0, %c0_i32, %c0_i32_0 : i32, i32, i32
  }
  func.func @transform_2(%arg0: i32) -> (i32, i32, i32) {
    %c0_i32 = arith.constant 0 : i32
    %c0_i32_0 = arith.constant 0 : i32
    %c0_i32_1 = arith.constant 0 : i32
    return %arg0, %c0_i32, %c0_i32_0 : i32, i32, i32
  }
}

module attributes {stable_mosaic.version = 14 : i64} {
  func.func @_sa_mlp_kernel(%arg0: i32, %arg1: memref<1x8192x3xf32, #tpu.memory_space<vmem>>, %arg2: memref<1x8192x3xf32, #tpu.memory_space<vmem>>, %arg3: memref<6x32xf32, #tpu.memory_space<vmem>>, %arg4: memref<1x32xf32, #tpu.memory_space<vmem>>, %arg5: memref<1x32xf32, #tpu.memory_space<vmem>>, %arg6: memref<1x32xf32, #tpu.memory_space<vmem>>, %arg7: memref<1x32xf32, #tpu.memory_space<vmem>>, %arg8: memref<1x32xf32, #tpu.memory_space<vmem>>, %arg9: memref<32x32xf32, #tpu.memory_space<vmem>>, %arg10: memref<1x32xf32, #tpu.memory_space<vmem>>, %arg11: memref<1x32xf32, #tpu.memory_space<vmem>>, %arg12: memref<1x32xf32, #tpu.memory_space<vmem>>, %arg13: memref<1x32xf32, #tpu.memory_space<vmem>>, %arg14: memref<1x32xf32, #tpu.memory_space<vmem>>, %arg15: memref<32x64xf32, #tpu.memory_space<vmem>>, %arg16: memref<1x64xf32, #tpu.memory_space<vmem>>, %arg17: memref<1x64xf32, #tpu.memory_space<vmem>>, %arg18: memref<1x64xf32, #tpu.memory_space<vmem>>, %arg19: memref<1x64xf32, #tpu.memory_space<vmem>>, %arg20: memref<1x64xf32, #tpu.memory_space<vmem>>, %arg21: memref<1x256x64xf32, #tpu.memory_space<vmem>>) attributes {dimension_semantics = [#tpu.dimension_semantics<arbitrary>], iteration_bounds = array<i64: 16>, scalar_prefetch = 0 : i64, scratch_operands = 0 : i64, tpu.core_type = #tpu.core_type<tc>, window_params = [{transform_indices = @transform_0, window_bounds = array<i64: 1, 8192, 3>}, {transform_indices = @transform_1, window_bounds = array<i64: 1, 8192, 3>}, {pipeline_mode = #tpu.pipeline_mode<synchronous>, transform_indices = @transform_2, window_bounds = array<i64: 6, 32>}, {pipeline_mode = #tpu.pipeline_mode<synchronous>, transform_indices = @transform_3, window_bounds = array<i64: 1, 32>}, {pipeline_mode = #tpu.pipeline_mode<synchronous>, transform_indices = @transform_4, window_bounds = array<i64: 1, 32>}, {pipeline_mode = #tpu.pipeline_mode<synchronous>, transform_indices = @transform_5, window_bounds = array<i64: 1, 32>}, {pipeline_mode = #tpu.pipeline_mode<synchronous>, transform_indices = @transform_6, window_bounds = array<i64: 1, 32>}, {pipeline_mode = #tpu.pipeline_mode<synchronous>, transform_indices = @transform_7, window_bounds = array<i64: 1, 32>}, {pipeline_mode = #tpu.pipeline_mode<synchronous>, transform_indices = @transform_8, window_bounds = array<i64: 32, 32>}, {pipeline_mode = #tpu.pipeline_mode<synchronous>, transform_indices = @transform_9, window_bounds = array<i64: 1, 32>}, {pipeline_mode = #tpu.pipeline_mode<synchronous>, transform_indices = @transform_10, window_bounds = array<i64: 1, 32>}, {pipeline_mode = #tpu.pipeline_mode<synchronous>, transform_indices = @transform_11, window_bounds = array<i64: 1, 32>}, {pipeline_mode = #tpu.pipeline_mode<synchronous>, transform_indices = @transform_12, window_bounds = array<i64: 1, 32>}, {pipeline_mode = #tpu.pipeline_mode<synchronous>, transform_indices = @transform_13, window_bounds = array<i64: 1, 32>}, {pipeline_mode = #tpu.pipeline_mode<synchronous>, transform_indices = @transform_14, window_bounds = array<i64: 32, 64>}, {pipeline_mode = #tpu.pipeline_mode<synchronous>, transform_indices = @transform_15, window_bounds = array<i64: 1, 64>}, {pipeline_mode = #tpu.pipeline_mode<synchronous>, transform_indices = @transform_16, window_bounds = array<i64: 1, 64>}, {pipeline_mode = #tpu.pipeline_mode<synchronous>, transform_indices = @transform_17, window_bounds = array<i64: 1, 64>}, {pipeline_mode = #tpu.pipeline_mode<synchronous>, transform_indices = @transform_18, window_bounds = array<i64: 1, 64>}, {pipeline_mode = #tpu.pipeline_mode<synchronous>, transform_indices = @transform_19, window_bounds = array<i64: 1, 64>}, {transform_indices = @transform_20, window_bounds = array<i64: 1, 256, 64>}]} {
    %get3A = arith.constant 0 : index
    %get3A_0 = arith.constant 0 : index
    %get3A_1 = arith.constant 0 : index
    %get3A_2 = vector.load %arg1[%get3A, %get3A_0, %get3A_1] : memref<1x8192x3xf32, #tpu.memory_space<vmem>>, vector<1x8192x3xf32>
    %get3A_3 = vector.shape_cast %get3A_2 : vector<1x8192x3xf32> to vector<8192x3xf32>
    %get3A_4 = arith.constant 0 : index
    %get3A_5 = arith.constant 0 : index
    %get3A_6 = arith.constant 0 : index
    %get3A_7 = vector.load %arg2[%get3A_4, %get3A_5, %get3A_6] : memref<1x8192x3xf32, #tpu.memory_space<vmem>>, vector<1x8192x3xf32>
    %get3A_8 = vector.shape_cast %get3A_7 : vector<1x8192x3xf32> to vector<8192x3xf32>
    %sub3A = arith.subf %get3A_3, %get3A_8 : vector<8192x3xf32>
    %concatenate3A = tpu.concatenate %sub3A, %get3A_3 in 1 : vector<8192x3xf32>, vector<8192x3xf32> -> vector<8192x6xf32>
    %get3A_9 = arith.constant 0 : index
    %get3A_10 = arith.constant 0 : index
    %get3A_11 = vector.load %arg3[%get3A_9, %get3A_10] : memref<6x32xf32, #tpu.memory_space<vmem>>, vector<6x32xf32>
    %get3A_12 = arith.constant 0 : index
    %get3A_13 = arith.constant 0 : index
    %get3A_14 = vector.load %arg4[%get3A_12, %get3A_13] : memref<1x32xf32, #tpu.memory_space<vmem>>, vector<1x32xf32>
    %get3A_15 = arith.constant 0 : index
    %get3A_16 = arith.constant 0 : index
    %get3A_17 = vector.load %arg5[%get3A_15, %get3A_16] : memref<1x32xf32, #tpu.memory_space<vmem>>, vector<1x32xf32>
    %get3A_18 = arith.constant 0 : index
    %get3A_19 = arith.constant 0 : index
    %get3A_20 = vector.load %arg6[%get3A_18, %get3A_19] : memref<1x32xf32, #tpu.memory_space<vmem>>, vector<1x32xf32>
    %get3A_21 = arith.constant 0 : index
    %get3A_22 = arith.constant 0 : index
    %get3A_23 = vector.load %arg7[%get3A_21, %get3A_22] : memref<1x32xf32, #tpu.memory_space<vmem>>, vector<1x32xf32>
    %get3A_24 = arith.constant 0 : index
    %get3A_25 = arith.constant 0 : index
    %get3A_26 = vector.load %arg8[%get3A_24, %get3A_25] : memref<1x32xf32, #tpu.memory_space<vmem>>, vector<1x32xf32>
    %dot_general3A = arith.constant dense<0.000000e+00> : vector<8192x32xf32>
    %dot_general3A_27 = tpu.matmul %concatenate3A, %get3A_11, %dot_general3A {dimension_numbers = #tpu.dot_dimension_numbers<[1], [0], [0], [1], [0, 0, 1, 1], [], []>, transpose_lhs_hint = false} : vector<8192x6xf32>, vector<6x32xf32>, vector<8192x32xf32> -> vector<8192x32xf32>
    %add3A = vector.broadcast %get3A_14 : vector<1x32xf32> to vector<8192x32xf32>
    %add3A_28 = arith.addf %dot_general3A_27, %add3A : vector<8192x32xf32>
    %sub3A_29 = vector.broadcast %get3A_17 : vector<1x32xf32> to vector<8192x32xf32>
    %sub3A_30 = arith.subf %add3A_28, %sub3A_29 : vector<8192x32xf32>
    %div3A = vector.broadcast %get3A_20 : vector<1x32xf32> to vector<8192x32xf32>
    %div3A_31 = arith.divf %sub3A_30, %div3A : vector<8192x32xf32>
    %mul3A = vector.broadcast %get3A_23 : vector<1x32xf32> to vector<8192x32xf32>
    %mul3A_32 = arith.mulf %div3A_31, %mul3A : vector<8192x32xf32>
    %add3A_33 = vector.broadcast %get3A_26 : vector<1x32xf32> to vector<8192x32xf32>
    %add3A_34 = arith.addf %mul3A_32, %add3A_33 : vector<8192x32xf32>
    %max3A = arith.constant 0.000000e+00 : f32
    %max3A_35 = vector.broadcast %max3A : f32 to vector<8192x32xf32>
    %max3A_36 = arith.maximumf %add3A_34, %max3A_35 : vector<8192x32xf32>
    %get3A_37 = arith.constant 0 : index
    %get3A_38 = arith.constant 0 : index
    %get3A_39 = vector.load %arg9[%get3A_37, %get3A_38] : memref<32x32xf32, #tpu.memory_space<vmem>>, vector<32x32xf32>
    %get3A_40 = arith.constant 0 : index
    %get3A_41 = arith.constant 0 : index
    %get3A_42 = vector.load %arg10[%get3A_40, %get3A_41] : memref<1x32xf32, #tpu.memory_space<vmem>>, vector<1x32xf32>
    %get3A_43 = arith.constant 0 : index
    %get3A_44 = arith.constant 0 : index
    %get3A_45 = vector.load %arg11[%get3A_43, %get3A_44] : memref<1x32xf32, #tpu.memory_space<vmem>>, vector<1x32xf32>
    %get3A_46 = arith.constant 0 : index
    %get3A_47 = arith.constant 0 : index
    %get3A_48 = vector.load %arg12[%get3A_46, %get3A_47] : memref<1x32xf32, #tpu.memory_space<vmem>>, vector<1x32xf32>
    %get3A_49 = arith.constant 0 : index
    %get3A_50 = arith.constant 0 : index
    %get3A_51 = vector.load %arg13[%get3A_49, %get3A_50] : memref<1x32xf32, #tpu.memory_space<vmem>>, vector<1x32xf32>
    %get3A_52 = arith.constant 0 : index
    %get3A_53 = arith.constant 0 : index
    %get3A_54 = vector.load %arg14[%get3A_52, %get3A_53] : memref<1x32xf32, #tpu.memory_space<vmem>>, vector<1x32xf32>
    %dot_general3A_55 = arith.constant dense<0.000000e+00> : vector<8192x32xf32>
    %dot_general3A_56 = tpu.matmul %max3A_36, %get3A_39, %dot_general3A_55 {dimension_numbers = #tpu.dot_dimension_numbers<[1], [0], [0], [1], [0, 0, 1, 1], [], []>, transpose_lhs_hint = false} : vector<8192x32xf32>, vector<32x32xf32>, vector<8192x32xf32> -> vector<8192x32xf32>
    %add3A_57 = vector.broadcast %get3A_42 : vector<1x32xf32> to vector<8192x32xf32>
    %add3A_58 = arith.addf %dot_general3A_56, %add3A_57 : vector<8192x32xf32>
    %sub3A_59 = vector.broadcast %get3A_45 : vector<1x32xf32> to vector<8192x32xf32>
    %sub3A_60 = arith.subf %add3A_58, %sub3A_59 : vector<8192x32xf32>
    %div3A_61 = vector.broadcast %get3A_48 : vector<1x32xf32> to vector<8192x32xf32>
    %div3A_62 = arith.divf %sub3A_60, %div3A_61 : vector<8192x32xf32>
    %mul3A_63 = vector.broadcast %get3A_51 : vector<1x32xf32> to vector<8192x32xf32>
    %mul3A_64 = arith.mulf %div3A_62, %mul3A_63 : vector<8192x32xf32>
    %add3A_65 = vector.broadcast %get3A_54 : vector<1x32xf32> to vector<8192x32xf32>
    %add3A_66 = arith.addf %mul3A_64, %add3A_65 : vector<8192x32xf32>
    %max3A_67 = arith.constant 0.000000e+00 : f32
    %max3A_68 = vector.broadcast %max3A_67 : f32 to vector<8192x32xf32>
    %max3A_69 = arith.maximumf %add3A_66, %max3A_68 : vector<8192x32xf32>
    %get3A_70 = arith.constant 0 : index
    %get3A_71 = arith.constant 0 : index
    %get3A_72 = vector.load %arg15[%get3A_70, %get3A_71] : memref<32x64xf32, #tpu.memory_space<vmem>>, vector<32x64xf32>
    %get3A_73 = arith.constant 0 : index
    %get3A_74 = arith.constant 0 : index
    %get3A_75 = vector.load %arg16[%get3A_73, %get3A_74] : memref<1x64xf32, #tpu.memory_space<vmem>>, vector<1x64xf32>
    %get3A_76 = arith.constant 0 : index
    %get3A_77 = arith.constant 0 : index
    %get3A_78 = vector.load %arg17[%get3A_76, %get3A_77] : memref<1x64xf32, #tpu.memory_space<vmem>>, vector<1x64xf32>
    %get3A_79 = arith.constant 0 : index
    %get3A_80 = arith.constant 0 : index
    %get3A_81 = vector.load %arg18[%get3A_79, %get3A_80] : memref<1x64xf32, #tpu.memory_space<vmem>>, vector<1x64xf32>
    %get3A_82 = arith.constant 0 : index
    %get3A_83 = arith.constant 0 : index
    %get3A_84 = vector.load %arg19[%get3A_82, %get3A_83] : memref<1x64xf32, #tpu.memory_space<vmem>>, vector<1x64xf32>
    %get3A_85 = arith.constant 0 : index
    %get3A_86 = arith.constant 0 : index
    %get3A_87 = vector.load %arg20[%get3A_85, %get3A_86] : memref<1x64xf32, #tpu.memory_space<vmem>>, vector<1x64xf32>
    %dot_general3A_88 = arith.constant dense<0.000000e+00> : vector<8192x64xf32>
    %dot_general3A_89 = tpu.matmul %max3A_69, %get3A_72, %dot_general3A_88 {dimension_numbers = #tpu.dot_dimension_numbers<[1], [0], [0], [1], [0, 0, 1, 1], [], []>, transpose_lhs_hint = false} : vector<8192x32xf32>, vector<32x64xf32>, vector<8192x64xf32> -> vector<8192x64xf32>
    %add3A_90 = vector.broadcast %get3A_75 : vector<1x64xf32> to vector<8192x64xf32>
    %add3A_91 = arith.addf %dot_general3A_89, %add3A_90 : vector<8192x64xf32>
    %sub3A_92 = vector.broadcast %get3A_78 : vector<1x64xf32> to vector<8192x64xf32>
    %sub3A_93 = arith.subf %add3A_91, %sub3A_92 : vector<8192x64xf32>
    %div3A_94 = vector.broadcast %get3A_81 : vector<1x64xf32> to vector<8192x64xf32>
    %div3A_95 = arith.divf %sub3A_93, %div3A_94 : vector<8192x64xf32>
    %mul3A_96 = vector.broadcast %get3A_84 : vector<1x64xf32> to vector<8192x64xf32>
    %mul3A_97 = arith.mulf %div3A_95, %mul3A_96 : vector<8192x64xf32>
    %add3A_98 = vector.broadcast %get3A_87 : vector<1x64xf32> to vector<8192x64xf32>
    %add3A_99 = arith.addf %mul3A_97, %add3A_98 : vector<8192x64xf32>
    %max3A_100 = arith.constant 0.000000e+00 : f32
    %max3A_101 = vector.broadcast %max3A_100 : f32 to vector<8192x64xf32>
    %max3A_102 = arith.maximumf %add3A_99, %max3A_101 : vector<8192x64xf32>
    %reshape3A = vector.shape_cast %max3A_102 : vector<8192x64xf32> to vector<256x32x64xf32>
    %reduce_max3A = arith.constant dense<0xFF800000> : vector<256x64xf32>
    %reduce_max3A_103 = vector.multi_reduction <maximumf>, %reshape3A, %reduce_max3A [1] : vector<256x32x64xf32> to vector<256x64xf32>
    %swap3A = arith.constant 0 : index
    %swap3A_104 = arith.constant 0 : index
    %swap3A_105 = arith.constant 0 : index
    %swap3A_106 = vector.load %arg21[%swap3A, %swap3A_104, %swap3A_105] : memref<1x256x64xf32, #tpu.memory_space<vmem>>, vector<1x256x64xf32>
    %swap3A_107 = vector.shape_cast %swap3A_106 : vector<1x256x64xf32> to vector<256x64xf32>
    %swap3A_108 = vector.shape_cast %reduce_max3A_103 : vector<256x64xf32> to vector<1x256x64xf32>
    tpu.vector_store %arg21[%swap3A, %swap3A_104, %swap3A_105], %swap3A_108 {strides = array<i32>} : memref<1x256x64xf32, #tpu.memory_space<vmem>>, vector<1x256x64xf32>,
    return
  }
  func.func @transform_0(%arg0: i32) -> (i32, i32, i32) {
    %c0_i32 = arith.constant 0 : i32
    %c0_i32_0 = arith.constant 0 : i32
    %c0_i32_1 = arith.constant 0 : i32
    return %arg0, %c0_i32, %c0_i32_0 : i32, i32, i32
  }
  func.func @transform_1(%arg0: i32) -> (i32, i32, i32) {
    %c0_i32 = arith.constant 0 : i32
    %c0_i32_0 = arith.constant 0 : i32
    %c0_i32_1 = arith.constant 0 : i32
    return %arg0, %c0_i32, %c0_i32_0 : i32, i32, i32
  }
  func.func @transform_2(%arg0: i32) -> (i32, i32) {
    %c0_i32 = arith.constant 0 : i32
    %c0_i32_0 = arith.constant 0 : i32
    %c0_i32_1 = arith.constant 0 : i32
    return %c0_i32, %c0_i32_0 : i32, i32
  }
  func.func @transform_3(%arg0: i32) -> (i32, i32) {
    %c0_i32 = arith.constant 0 : i32
    %c0_i32_0 = arith.constant 0 : i32
    %c0_i32_1 = arith.constant 0 : i32
    return %c0_i32, %c0_i32_0 : i32, i32
  }
  func.func @transform_4(%arg0: i32) -> (i32, i32) {
    %c0_i32 = arith.constant 0 : i32
    %c0_i32_0 = arith.constant 0 : i32
    %c0_i32_1 = arith.constant 0 : i32
    return %c0_i32, %c0_i32_0 : i32, i32
  }
  func.func @transform_5(%arg0: i32) -> (i32, i32) {
    %c0_i32 = arith.constant 0 : i32
    %c0_i32_0 = arith.constant 0 : i32
    %c0_i32_1 = arith.constant 0 : i32
    return %c0_i32, %c0_i32_0 : i32, i32
  }
  func.func @transform_6(%arg0: i32) -> (i32, i32) {
    %c0_i32 = arith.constant 0 : i32
    %c0_i32_0 = arith.constant 0 : i32
    %c0_i32_1 = arith.constant 0 : i32
    return %c0_i32, %c0_i32_0 : i32, i32
  }
  func.func @transform_7(%arg0: i32) -> (i32, i32) {
    %c0_i32 = arith.constant 0 : i32
    %c0_i32_0 = arith.constant 0 : i32
    %c0_i32_1 = arith.constant 0 : i32
    return %c0_i32, %c0_i32_0 : i32, i32
  }
  func.func @transform_8(%arg0: i32) -> (i32, i32) {
    %c0_i32 = arith.constant 0 : i32
    %c0_i32_0 = arith.constant 0 : i32
    %c0_i32_1 = arith.constant 0 : i32
    return %c0_i32, %c0_i32_0 : i32, i32
  }
  func.func @transform_9(%arg0: i32) -> (i32, i32) {
    %c0_i32 = arith.constant 0 : i32
    %c0_i32_0 = arith.constant 0 : i32
    %c0_i32_1 = arith.constant 0 : i32
    return %c0_i32, %c0_i32_0 : i32, i32
  }
  func.func @transform_10(%arg0: i32) -> (i32, i32) {
    %c0_i32 = arith.constant 0 : i32
    %c0_i32_0 = arith.constant 0 : i32
    %c0_i32_1 = arith.constant 0 : i32
    return %c0_i32, %c0_i32_0 : i32, i32
  }
  func.func @transform_11(%arg0: i32) -> (i32, i32) {
    %c0_i32 = arith.constant 0 : i32
    %c0_i32_0 = arith.constant 0 : i32
    %c0_i32_1 = arith.constant 0 : i32
    return %c0_i32, %c0_i32_0 : i32, i32
  }
  func.func @transform_12(%arg0: i32) -> (i32, i32) {
    %c0_i32 = arith.constant 0 : i32
    %c0_i32_0 = arith.constant 0 : i32
    %c0_i32_1 = arith.constant 0 : i32
    return %c0_i32, %c0_i32_0 : i32, i32
  }
  func.func @transform_13(%arg0: i32) -> (i32, i32) {
    %c0_i32 = arith.constant 0 : i32
    %c0_i32_0 = arith.constant 0 : i32
    %c0_i32_1 = arith.constant 0 : i32
    return %c0_i32, %c0_i32_0 : i32, i32
  }
  func.func @transform_14(%arg0: i32) -> (i32, i32) {
    %c0_i32 = arith.constant 0 : i32
    %c0_i32_0 = arith.constant 0 : i32
    %c0_i32_1 = arith.constant 0 : i32
    return %c0_i32, %c0_i32_0 : i32, i32
  }
  func.func @transform_15(%arg0: i32) -> (i32, i32) {
    %c0_i32 = arith.constant 0 : i32
    %c0_i32_0 = arith.constant 0 : i32
    %c0_i32_1 = arith.constant 0 : i32
    return %c0_i32, %c0_i32_0 : i32, i32
  }
  func.func @transform_16(%arg0: i32) -> (i32, i32) {
    %c0_i32 = arith.constant 0 : i32
    %c0_i32_0 = arith.constant 0 : i32
    %c0_i32_1 = arith.constant 0 : i32
    return %c0_i32, %c0_i32_0 : i32, i32
  }
  func.func @transform_17(%arg0: i32) -> (i32, i32) {
    %c0_i32 = arith.constant 0 : i32
    %c0_i32_0 = arith.constant 0 : i32
    %c0_i32_1 = arith.constant 0 : i32
    return %c0_i32, %c0_i32_0 : i32, i32
  }
  func.func @transform_18(%arg0: i32) -> (i32, i32) {
    %c0_i32 = arith.constant 0 : i32
    %c0_i32_0 = arith.constant 0 : i32
    %c0_i32_1 = arith.constant 0 : i32
    return %c0_i32, %c0_i32_0 : i32, i32
  }
  func.func @transform_19(%arg0: i32) -> (i32, i32) {
    %c0_i32 = arith.constant 0 : i32
    %c0_i32_0 = arith.constant 0 : i32
    %c0_i32_1 = arith.constant 0 : i32
    return %c0_i32, %c0_i32_0 : i32, i32
  }
  func.func @transform_20(%arg0: i32) -> (i32, i32, i32) {
    %c0_i32 = arith.constant 0 : i32
    %c0_i32_0 = arith.constant 0 : i32
    %c0_i32_1 = arith.constant 0 : i32
    return %arg0, %c0_i32, %c0_i32_0 : i32, i32, i32
  }
}

module attributes {stable_mosaic.version = 14 : i64} {
  func.func @_sa_mlp_kernel(%arg0: i32, %arg1: memref<1x2048x67xf32, #tpu.memory_space<vmem>>, %arg2: memref<1x2048x3xf32, #tpu.memory_space<vmem>>, %arg3: memref<67x64xf32, #tpu.memory_space<vmem>>, %arg4: memref<1x64xf32, #tpu.memory_space<vmem>>, %arg5: memref<1x64xf32, #tpu.memory_space<vmem>>, %arg6: memref<1x64xf32, #tpu.memory_space<vmem>>, %arg7: memref<1x64xf32, #tpu.memory_space<vmem>>, %arg8: memref<1x64xf32, #tpu.memory_space<vmem>>, %arg9: memref<64x64xf32, #tpu.memory_space<vmem>>, %arg10: memref<1x64xf32, #tpu.memory_space<vmem>>, %arg11: memref<1x64xf32, #tpu.memory_space<vmem>>, %arg12: memref<1x64xf32, #tpu.memory_space<vmem>>, %arg13: memref<1x64xf32, #tpu.memory_space<vmem>>, %arg14: memref<1x64xf32, #tpu.memory_space<vmem>>, %arg15: memref<64x128xf32, #tpu.memory_space<vmem>>, %arg16: memref<1x128xf32, #tpu.memory_space<vmem>>, %arg17: memref<1x128xf32, #tpu.memory_space<vmem>>, %arg18: memref<1x128xf32, #tpu.memory_space<vmem>>, %arg19: memref<1x128xf32, #tpu.memory_space<vmem>>, %arg20: memref<1x128xf32, #tpu.memory_space<vmem>>, %arg21: memref<1x64x128xf32, #tpu.memory_space<vmem>>) attributes {dimension_semantics = [#tpu.dimension_semantics<arbitrary>], iteration_bounds = array<i64: 16>, scalar_prefetch = 0 : i64, scratch_operands = 0 : i64, tpu.core_type = #tpu.core_type<tc>, window_params = [{transform_indices = @transform_0, window_bounds = array<i64: 1, 2048, 67>}, {transform_indices = @transform_1, window_bounds = array<i64: 1, 2048, 3>}, {pipeline_mode = #tpu.pipeline_mode<synchronous>, transform_indices = @transform_2, window_bounds = array<i64: 67, 64>}, {pipeline_mode = #tpu.pipeline_mode<synchronous>, transform_indices = @transform_3, window_bounds = array<i64: 1, 64>}, {pipeline_mode = #tpu.pipeline_mode<synchronous>, transform_indices = @transform_4, window_bounds = array<i64: 1, 64>}, {pipeline_mode = #tpu.pipeline_mode<synchronous>, transform_indices = @transform_5, window_bounds = array<i64: 1, 64>}, {pipeline_mode = #tpu.pipeline_mode<synchronous>, transform_indices = @transform_6, window_bounds = array<i64: 1, 64>}, {pipeline_mode = #tpu.pipeline_mode<synchronous>, transform_indices = @transform_7, window_bounds = array<i64: 1, 64>}, {pipeline_mode = #tpu.pipeline_mode<synchronous>, transform_indices = @transform_8, window_bounds = array<i64: 64, 64>}, {pipeline_mode = #tpu.pipeline_mode<synchronous>, transform_indices = @transform_9, window_bounds = array<i64: 1, 64>}, {pipeline_mode = #tpu.pipeline_mode<synchronous>, transform_indices = @transform_10, window_bounds = array<i64: 1, 64>}, {pipeline_mode = #tpu.pipeline_mode<synchronous>, transform_indices = @transform_11, window_bounds = array<i64: 1, 64>}, {pipeline_mode = #tpu.pipeline_mode<synchronous>, transform_indices = @transform_12, window_bounds = array<i64: 1, 64>}, {pipeline_mode = #tpu.pipeline_mode<synchronous>, transform_indices = @transform_13, window_bounds = array<i64: 1, 64>}, {pipeline_mode = #tpu.pipeline_mode<synchronous>, transform_indices = @transform_14, window_bounds = array<i64: 64, 128>}, {pipeline_mode = #tpu.pipeline_mode<synchronous>, transform_indices = @transform_15, window_bounds = array<i64: 1, 128>}, {pipeline_mode = #tpu.pipeline_mode<synchronous>, transform_indices = @transform_16, window_bounds = array<i64: 1, 128>}, {pipeline_mode = #tpu.pipeline_mode<synchronous>, transform_indices = @transform_17, window_bounds = array<i64: 1, 128>}, {pipeline_mode = #tpu.pipeline_mode<synchronous>, transform_indices = @transform_18, window_bounds = array<i64: 1, 128>}, {pipeline_mode = #tpu.pipeline_mode<synchronous>, transform_indices = @transform_19, window_bounds = array<i64: 1, 128>}, {transform_indices = @transform_20, window_bounds = array<i64: 1, 64, 128>}]} {
    %get3A = arith.constant 0 : index
    %get3A_0 = arith.constant 0 : index
    %get3A_1 = arith.constant 0 : index
    %get3A_2 = vector.load %arg1[%get3A, %get3A_0, %get3A_1] : memref<1x2048x67xf32, #tpu.memory_space<vmem>>, vector<1x2048x67xf32>
    %get3A_3 = vector.shape_cast %get3A_2 : vector<1x2048x67xf32> to vector<2048x67xf32>
    %get3A_4 = arith.constant 0 : index
    %get3A_5 = arith.constant 0 : index
    %get3A_6 = arith.constant 0 : index
    %get3A_7 = vector.load %arg2[%get3A_4, %get3A_5, %get3A_6] : memref<1x2048x3xf32, #tpu.memory_space<vmem>>, vector<1x2048x3xf32>
    %get3A_8 = vector.shape_cast %get3A_7 : vector<1x2048x3xf32> to vector<2048x3xf32>
    %slice3A = vector.extract_strided_slice %get3A_3 {offsets = [0, 0], sizes = [2048, 3], strides = [1, 1]} : vector<2048x67xf32> to vector<2048x3xf32>
    %sub3A = arith.subf %slice3A, %get3A_8 : vector<2048x3xf32>
    %slice3A_9 = vector.extract_strided_slice %get3A_3 {offsets = [0, 3], sizes = [2048, 64], strides = [1, 1]} : vector<2048x67xf32> to vector<2048x64xf32>
    %concatenate3A = tpu.concatenate %sub3A, %slice3A_9 in 1 : vector<2048x3xf32>, vector<2048x64xf32> -> vector<2048x67xf32>
    %get3A_10 = arith.constant 0 : index
    %get3A_11 = arith.constant 0 : index
    %get3A_12 = vector.load %arg3[%get3A_10, %get3A_11] : memref<67x64xf32, #tpu.memory_space<vmem>>, vector<67x64xf32>
    %get3A_13 = arith.constant 0 : index
    %get3A_14 = arith.constant 0 : index
    %get3A_15 = vector.load %arg4[%get3A_13, %get3A_14] : memref<1x64xf32, #tpu.memory_space<vmem>>, vector<1x64xf32>
    %get3A_16 = arith.constant 0 : index
    %get3A_17 = arith.constant 0 : index
    %get3A_18 = vector.load %arg5[%get3A_16, %get3A_17] : memref<1x64xf32, #tpu.memory_space<vmem>>, vector<1x64xf32>
    %get3A_19 = arith.constant 0 : index
    %get3A_20 = arith.constant 0 : index
    %get3A_21 = vector.load %arg6[%get3A_19, %get3A_20] : memref<1x64xf32, #tpu.memory_space<vmem>>, vector<1x64xf32>
    %get3A_22 = arith.constant 0 : index
    %get3A_23 = arith.constant 0 : index
    %get3A_24 = vector.load %arg7[%get3A_22, %get3A_23] : memref<1x64xf32, #tpu.memory_space<vmem>>, vector<1x64xf32>
    %get3A_25 = arith.constant 0 : index
    %get3A_26 = arith.constant 0 : index
    %get3A_27 = vector.load %arg8[%get3A_25, %get3A_26] : memref<1x64xf32, #tpu.memory_space<vmem>>, vector<1x64xf32>
    %dot_general3A = arith.constant dense<0.000000e+00> : vector<2048x64xf32>
    %dot_general3A_28 = tpu.matmul %concatenate3A, %get3A_12, %dot_general3A {dimension_numbers = #tpu.dot_dimension_numbers<[1], [0], [0], [1], [0, 0, 1, 1], [], []>, transpose_lhs_hint = false} : vector<2048x67xf32>, vector<67x64xf32>, vector<2048x64xf32> -> vector<2048x64xf32>
    %add3A = vector.broadcast %get3A_15 : vector<1x64xf32> to vector<2048x64xf32>
    %add3A_29 = arith.addf %dot_general3A_28, %add3A : vector<2048x64xf32>
    %sub3A_30 = vector.broadcast %get3A_18 : vector<1x64xf32> to vector<2048x64xf32>
    %sub3A_31 = arith.subf %add3A_29, %sub3A_30 : vector<2048x64xf32>
    %div3A = vector.broadcast %get3A_21 : vector<1x64xf32> to vector<2048x64xf32>
    %div3A_32 = arith.divf %sub3A_31, %div3A : vector<2048x64xf32>
    %mul3A = vector.broadcast %get3A_24 : vector<1x64xf32> to vector<2048x64xf32>
    %mul3A_33 = arith.mulf %div3A_32, %mul3A : vector<2048x64xf32>
    %add3A_34 = vector.broadcast %get3A_27 : vector<1x64xf32> to vector<2048x64xf32>
    %add3A_35 = arith.addf %mul3A_33, %add3A_34 : vector<2048x64xf32>
    %max3A = arith.constant 0.000000e+00 : f32
    %max3A_36 = vector.broadcast %max3A : f32 to vector<2048x64xf32>
    %max3A_37 = arith.maximumf %add3A_35, %max3A_36 : vector<2048x64xf32>
    %get3A_38 = arith.constant 0 : index
    %get3A_39 = arith.constant 0 : index
    %get3A_40 = vector.load %arg9[%get3A_38, %get3A_39] : memref<64x64xf32, #tpu.memory_space<vmem>>, vector<64x64xf32>
    %get3A_41 = arith.constant 0 : index
    %get3A_42 = arith.constant 0 : index
    %get3A_43 = vector.load %arg10[%get3A_41, %get3A_42] : memref<1x64xf32, #tpu.memory_space<vmem>>, vector<1x64xf32>
    %get3A_44 = arith.constant 0 : index
    %get3A_45 = arith.constant 0 : index
    %get3A_46 = vector.load %arg11[%get3A_44, %get3A_45] : memref<1x64xf32, #tpu.memory_space<vmem>>, vector<1x64xf32>
    %get3A_47 = arith.constant 0 : index
    %get3A_48 = arith.constant 0 : index
    %get3A_49 = vector.load %arg12[%get3A_47, %get3A_48] : memref<1x64xf32, #tpu.memory_space<vmem>>, vector<1x64xf32>
    %get3A_50 = arith.constant 0 : index
    %get3A_51 = arith.constant 0 : index
    %get3A_52 = vector.load %arg13[%get3A_50, %get3A_51] : memref<1x64xf32, #tpu.memory_space<vmem>>, vector<1x64xf32>
    %get3A_53 = arith.constant 0 : index
    %get3A_54 = arith.constant 0 : index
    %get3A_55 = vector.load %arg14[%get3A_53, %get3A_54] : memref<1x64xf32, #tpu.memory_space<vmem>>, vector<1x64xf32>
    %dot_general3A_56 = arith.constant dense<0.000000e+00> : vector<2048x64xf32>
    %dot_general3A_57 = tpu.matmul %max3A_37, %get3A_40, %dot_general3A_56 {dimension_numbers = #tpu.dot_dimension_numbers<[1], [0], [0], [1], [0, 0, 1, 1], [], []>, transpose_lhs_hint = false} : vector<2048x64xf32>, vector<64x64xf32>, vector<2048x64xf32> -> vector<2048x64xf32>
    %add3A_58 = vector.broadcast %get3A_43 : vector<1x64xf32> to vector<2048x64xf32>
    %add3A_59 = arith.addf %dot_general3A_57, %add3A_58 : vector<2048x64xf32>
    %sub3A_60 = vector.broadcast %get3A_46 : vector<1x64xf32> to vector<2048x64xf32>
    %sub3A_61 = arith.subf %add3A_59, %sub3A_60 : vector<2048x64xf32>
    %div3A_62 = vector.broadcast %get3A_49 : vector<1x64xf32> to vector<2048x64xf32>
    %div3A_63 = arith.divf %sub3A_61, %div3A_62 : vector<2048x64xf32>
    %mul3A_64 = vector.broadcast %get3A_52 : vector<1x64xf32> to vector<2048x64xf32>
    %mul3A_65 = arith.mulf %div3A_63, %mul3A_64 : vector<2048x64xf32>
    %add3A_66 = vector.broadcast %get3A_55 : vector<1x64xf32> to vector<2048x64xf32>
    %add3A_67 = arith.addf %mul3A_65, %add3A_66 : vector<2048x64xf32>
    %max3A_68 = arith.constant 0.000000e+00 : f32
    %max3A_69 = vector.broadcast %max3A_68 : f32 to vector<2048x64xf32>
    %max3A_70 = arith.maximumf %add3A_67, %max3A_69 : vector<2048x64xf32>
    %get3A_71 = arith.constant 0 : index
    %get3A_72 = arith.constant 0 : index
    %get3A_73 = vector.load %arg15[%get3A_71, %get3A_72] : memref<64x128xf32, #tpu.memory_space<vmem>>, vector<64x128xf32>
    %get3A_74 = arith.constant 0 : index
    %get3A_75 = arith.constant 0 : index
    %get3A_76 = vector.load %arg16[%get3A_74, %get3A_75] : memref<1x128xf32, #tpu.memory_space<vmem>>, vector<1x128xf32>
    %get3A_77 = arith.constant 0 : index
    %get3A_78 = arith.constant 0 : index
    %get3A_79 = vector.load %arg17[%get3A_77, %get3A_78] : memref<1x128xf32, #tpu.memory_space<vmem>>, vector<1x128xf32>
    %get3A_80 = arith.constant 0 : index
    %get3A_81 = arith.constant 0 : index
    %get3A_82 = vector.load %arg18[%get3A_80, %get3A_81] : memref<1x128xf32, #tpu.memory_space<vmem>>, vector<1x128xf32>
    %get3A_83 = arith.constant 0 : index
    %get3A_84 = arith.constant 0 : index
    %get3A_85 = vector.load %arg19[%get3A_83, %get3A_84] : memref<1x128xf32, #tpu.memory_space<vmem>>, vector<1x128xf32>
    %get3A_86 = arith.constant 0 : index
    %get3A_87 = arith.constant 0 : index
    %get3A_88 = vector.load %arg20[%get3A_86, %get3A_87] : memref<1x128xf32, #tpu.memory_space<vmem>>, vector<1x128xf32>
    %dot_general3A_89 = arith.constant dense<0.000000e+00> : vector<2048x128xf32>
    %dot_general3A_90 = tpu.matmul %max3A_70, %get3A_73, %dot_general3A_89 {dimension_numbers = #tpu.dot_dimension_numbers<[1], [0], [0], [1], [0, 0, 1, 1], [], []>, transpose_lhs_hint = false} : vector<2048x64xf32>, vector<64x128xf32>, vector<2048x128xf32> -> vector<2048x128xf32>
    %add3A_91 = vector.broadcast %get3A_76 : vector<1x128xf32> to vector<2048x128xf32>
    %add3A_92 = arith.addf %dot_general3A_90, %add3A_91 : vector<2048x128xf32>
    %sub3A_93 = vector.broadcast %get3A_79 : vector<1x128xf32> to vector<2048x128xf32>
    %sub3A_94 = arith.subf %add3A_92, %sub3A_93 : vector<2048x128xf32>
    %div3A_95 = vector.broadcast %get3A_82 : vector<1x128xf32> to vector<2048x128xf32>
    %div3A_96 = arith.divf %sub3A_94, %div3A_95 : vector<2048x128xf32>
    %mul3A_97 = vector.broadcast %get3A_85 : vector<1x128xf32> to vector<2048x128xf32>
    %mul3A_98 = arith.mulf %div3A_96, %mul3A_97 : vector<2048x128xf32>
    %add3A_99 = vector.broadcast %get3A_88 : vector<1x128xf32> to vector<2048x128xf32>
    %add3A_100 = arith.addf %mul3A_98, %add3A_99 : vector<2048x128xf32>
    %max3A_101 = arith.constant 0.000000e+00 : f32
    %max3A_102 = vector.broadcast %max3A_101 : f32 to vector<2048x128xf32>
    %max3A_103 = arith.maximumf %add3A_100, %max3A_102 : vector<2048x128xf32>
    %reshape3A = vector.shape_cast %max3A_103 : vector<2048x128xf32> to vector<64x32x128xf32>
    %reduce_max3A = arith.constant dense<0xFF800000> : vector<64x128xf32>
    %reduce_max3A_104 = vector.multi_reduction <maximumf>, %reshape3A, %reduce_max3A [1] : vector<64x32x128xf32> to vector<64x128xf32>
    %swap3A = arith.constant 0 : index
    %swap3A_105 = arith.constant 0 : index
    %swap3A_106 = arith.constant 0 : index
    %swap3A_107 = vector.load %arg21[%swap3A, %swap3A_105, %swap3A_106] : memref<1x64x128xf32, #tpu.memory_space<vmem>>, vector<1x64x128xf32>
    %swap3A_108 = vector.shape_cast %swap3A_107 : vector<1x64x128xf32> to vector<64x128xf32>
    %swap3A_109 = vector.shape_cast %reduce_max3A_104 : vector<64x128xf32> to vector<1x64x128xf32>
    tpu.vector_store %arg21[%swap3A, %swap3A_105, %swap3A_106], %swap3A_109 {strides = array<i32>} : memref<1x64x128xf32, #tpu.memory_space<vmem>>, vector<1x64x128xf32>,
    return
  }
  func.func @transform_0(%arg0: i32) -> (i32, i32, i32) {
    %c0_i32 = arith.constant 0 : i32
    %c0_i32_0 = arith.constant 0 : i32
    %c0_i32_1 = arith.constant 0 : i32
    return %arg0, %c0_i32, %c0_i32_0 : i32, i32, i32
  }
  func.func @transform_1(%arg0: i32) -> (i32, i32, i32) {
    %c0_i32 = arith.constant 0 : i32
    %c0_i32_0 = arith.constant 0 : i32
    %c0_i32_1 = arith.constant 0 : i32
    return %arg0, %c0_i32, %c0_i32_0 : i32, i32, i32
  }
  func.func @transform_2(%arg0: i32) -> (i32, i32) {
    %c0_i32 = arith.constant 0 : i32
    %c0_i32_0 = arith.constant 0 : i32
    %c0_i32_1 = arith.constant 0 : i32
    return %c0_i32, %c0_i32_0 : i32, i32
  }
  func.func @transform_3(%arg0: i32) -> (i32, i32) {
    %c0_i32 = arith.constant 0 : i32
    %c0_i32_0 = arith.constant 0 : i32
    %c0_i32_1 = arith.constant 0 : i32
    return %c0_i32, %c0_i32_0 : i32, i32
  }
  func.func @transform_4(%arg0: i32) -> (i32, i32) {
    %c0_i32 = arith.constant 0 : i32
    %c0_i32_0 = arith.constant 0 : i32
    %c0_i32_1 = arith.constant 0 : i32
    return %c0_i32, %c0_i32_0 : i32, i32
  }
  func.func @transform_5(%arg0: i32) -> (i32, i32) {
    %c0_i32 = arith.constant 0 : i32
    %c0_i32_0 = arith.constant 0 : i32
    %c0_i32_1 = arith.constant 0 : i32
    return %c0_i32, %c0_i32_0 : i32, i32
  }
  func.func @transform_6(%arg0: i32) -> (i32, i32) {
    %c0_i32 = arith.constant 0 : i32
    %c0_i32_0 = arith.constant 0 : i32
    %c0_i32_1 = arith.constant 0 : i32
    return %c0_i32, %c0_i32_0 : i32, i32
  }
  func.func @transform_7(%arg0: i32) -> (i32, i32) {
    %c0_i32 = arith.constant 0 : i32
    %c0_i32_0 = arith.constant 0 : i32
    %c0_i32_1 = arith.constant 0 : i32
    return %c0_i32, %c0_i32_0 : i32, i32
  }
  func.func @transform_8(%arg0: i32) -> (i32, i32) {
    %c0_i32 = arith.constant 0 : i32
    %c0_i32_0 = arith.constant 0 : i32
    %c0_i32_1 = arith.constant 0 : i32
    return %c0_i32, %c0_i32_0 : i32, i32
  }
  func.func @transform_9(%arg0: i32) -> (i32, i32) {
    %c0_i32 = arith.constant 0 : i32
    %c0_i32_0 = arith.constant 0 : i32
    %c0_i32_1 = arith.constant 0 : i32
    return %c0_i32, %c0_i32_0 : i32, i32
  }
  func.func @transform_10(%arg0: i32) -> (i32, i32) {
    %c0_i32 = arith.constant 0 : i32
    %c0_i32_0 = arith.constant 0 : i32
    %c0_i32_1 = arith.constant 0 : i32
    return %c0_i32, %c0_i32_0 : i32, i32
  }
  func.func @transform_11(%arg0: i32) -> (i32, i32) {
    %c0_i32 = arith.constant 0 : i32
    %c0_i32_0 = arith.constant 0 : i32
    %c0_i32_1 = arith.constant 0 : i32
    return %c0_i32, %c0_i32_0 : i32, i32
  }
  func.func @transform_12(%arg0: i32) -> (i32, i32) {
    %c0_i32 = arith.constant 0 : i32
    %c0_i32_0 = arith.constant 0 : i32
    %c0_i32_1 = arith.constant 0 : i32
    return %c0_i32, %c0_i32_0 : i32, i32
  }
  func.func @transform_13(%arg0: i32) -> (i32, i32) {
    %c0_i32 = arith.constant 0 : i32
    %c0_i32_0 = arith.constant 0 : i32
    %c0_i32_1 = arith.constant 0 : i32
    return %c0_i32, %c0_i32_0 : i32, i32
  }
  func.func @transform_14(%arg0: i32) -> (i32, i32) {
    %c0_i32 = arith.constant 0 : i32
    %c0_i32_0 = arith.constant 0 : i32
    %c0_i32_1 = arith.constant 0 : i32
    return %c0_i32, %c0_i32_0 : i32, i32
  }
  func.func @transform_15(%arg0: i32) -> (i32, i32) {
    %c0_i32 = arith.constant 0 : i32
    %c0_i32_0 = arith.constant 0 : i32
    %c0_i32_1 = arith.constant 0 : i32
    return %c0_i32, %c0_i32_0 : i32, i32
  }
  func.func @transform_16(%arg0: i32) -> (i32, i32) {
    %c0_i32 = arith.constant 0 : i32
    %c0_i32_0 = arith.constant 0 : i32
    %c0_i32_1 = arith.constant 0 : i32
    return %c0_i32, %c0_i32_0 : i32, i32
  }
  func.func @transform_17(%arg0: i32) -> (i32, i32) {
    %c0_i32 = arith.constant 0 : i32
    %c0_i32_0 = arith.constant 0 : i32
    %c0_i32_1 = arith.constant 0 : i32
    return %c0_i32, %c0_i32_0 : i32, i32
  }
  func.func @transform_18(%arg0: i32) -> (i32, i32) {
    %c0_i32 = arith.constant 0 : i32
    %c0_i32_0 = arith.constant 0 : i32
    %c0_i32_1 = arith.constant 0 : i32
    return %c0_i32, %c0_i32_0 : i32, i32
  }
  func.func @transform_19(%arg0: i32) -> (i32, i32) {
    %c0_i32 = arith.constant 0 : i32
    %c0_i32_0 = arith.constant 0 : i32
    %c0_i32_1 = arith.constant 0 : i32
    return %c0_i32, %c0_i32_0 : i32, i32
  }
  func.func @transform_20(%arg0: i32) -> (i32, i32, i32) {
    %c0_i32 = arith.constant 0 : i32
    %c0_i32_0 = arith.constant 0 : i32
    %c0_i32_1 = arith.constant 0 : i32
    return %arg0, %c0_i32, %c0_i32_0 : i32, i32, i32
  }
}

module attributes {stable_mosaic.version = 14 : i64} {
  func.func @_fp_stage_kernel(%arg0: i32, %arg1: memref<1x256x64xf32, #tpu.memory_space<vmem>>, %arg2: memref<1x64x128xf32, #tpu.memory_space<vmem>>, %arg3: memref<1x256x64xf32, #tpu.memory_space<vmem>>, %arg4: memref<192x128xf32, #tpu.memory_space<vmem>>, %arg5: memref<1x128xf32, #tpu.memory_space<vmem>>, %arg6: memref<1x128xf32, #tpu.memory_space<vmem>>, %arg7: memref<1x128xf32, #tpu.memory_space<vmem>>, %arg8: memref<1x128xf32, #tpu.memory_space<vmem>>, %arg9: memref<1x128xf32, #tpu.memory_space<vmem>>, %arg10: memref<128x128xf32, #tpu.memory_space<vmem>>, %arg11: memref<1x128xf32, #tpu.memory_space<vmem>>, %arg12: memref<1x128xf32, #tpu.memory_space<vmem>>, %arg13: memref<1x128xf32, #tpu.memory_space<vmem>>, %arg14: memref<1x128xf32, #tpu.memory_space<vmem>>, %arg15: memref<1x128xf32, #tpu.memory_space<vmem>>, %arg16: memref<1x256x128xf32, #tpu.memory_space<vmem>>) attributes {dimension_semantics = [#tpu.dimension_semantics<arbitrary>], iteration_bounds = array<i64: 16>, scalar_prefetch = 0 : i64, scratch_operands = 0 : i64, tpu.core_type = #tpu.core_type<tc>, window_params = [{transform_indices = @transform_0, window_bounds = array<i64: 1, 256, 64>}, {transform_indices = @transform_1, window_bounds = array<i64: 1, 64, 128>}, {transform_indices = @transform_2, window_bounds = array<i64: 1, 256, 64>}, {pipeline_mode = #tpu.pipeline_mode<synchronous>, transform_indices = @transform_3, window_bounds = array<i64: 192, 128>}, {pipeline_mode = #tpu.pipeline_mode<synchronous>, transform_indices = @transform_4, window_bounds = array<i64: 1, 128>}, {pipeline_mode = #tpu.pipeline_mode<synchronous>, transform_indices = @transform_5, window_bounds = array<i64: 1, 128>}, {pipeline_mode = #tpu.pipeline_mode<synchronous>, transform_indices = @transform_6, window_bounds = array<i64: 1, 128>}, {pipeline_mode = #tpu.pipeline_mode<synchronous>, transform_indices = @transform_7, window_bounds = array<i64: 1, 128>}, {pipeline_mode = #tpu.pipeline_mode<synchronous>, transform_indices = @transform_8, window_bounds = array<i64: 1, 128>}, {pipeline_mode = #tpu.pipeline_mode<synchronous>, transform_indices = @transform_9, window_bounds = array<i64: 128, 128>}, {pipeline_mode = #tpu.pipeline_mode<synchronous>, transform_indices = @transform_10, window_bounds = array<i64: 1, 128>}, {pipeline_mode = #tpu.pipeline_mode<synchronous>, transform_indices = @transform_11, window_bounds = array<i64: 1, 128>}, {pipeline_mode = #tpu.pipeline_mode<synchronous>, transform_indices = @transform_12, window_bounds = array<i64: 1, 128>}, {pipeline_mode = #tpu.pipeline_mode<synchronous>, transform_indices = @transform_13, window_bounds = array<i64: 1, 128>}, {pipeline_mode = #tpu.pipeline_mode<synchronous>, transform_indices = @transform_14, window_bounds = array<i64: 1, 128>}, {transform_indices = @transform_15, window_bounds = array<i64: 1, 256, 128>}]} {
    %get3A = arith.constant 0 : index
    %get3A_0 = arith.constant 0 : index
    %get3A_1 = arith.constant 0 : index
    %get3A_2 = vector.load %arg1[%get3A, %get3A_0, %get3A_1] : memref<1x256x64xf32, #tpu.memory_space<vmem>>, vector<1x256x64xf32>
    %get3A_3 = vector.shape_cast %get3A_2 : vector<1x256x64xf32> to vector<256x64xf32>
    %transpose3A = tpu.transpose %get3A_3, [1, 0] : vector<256x64xf32> -> vector<64x256xf32>
    %slice3A = vector.extract_strided_slice %transpose3A {offsets = [0, 0], sizes = [8, 256], strides = [1, 1]} : vector<64x256xf32> to vector<8x256xf32>
    %mul3A = arith.constant 0.000000e+00 : f32
    %mul3A_4 = vector.broadcast %mul3A : f32 to vector<8x256xf32>
    %mul3A_5 = arith.mulf %slice3A, %mul3A_4 : vector<8x256xf32>
    %iota3A = tpu.iota {dimensions = array<i32: 0>} : vector<8x256xi32>
    %convert_element_type3A = arith.sitofp %iota3A : vector<8x256xi32> to vector<8x256xf32>
    %add3A = arith.addf %convert_element_type3A, %mul3A_5 : vector<8x256xf32>
    %add3A_6 = arith.constant 1.000000e+30 : f32
    %add3A_7 = vector.broadcast %add3A_6 : f32 to vector<8x256xf32>
    %add3A_8 = arith.addf %mul3A_5, %add3A_7 : vector<8x256xf32>
    %add3A_9 = arith.constant 1.000000e+30 : f32
    %add3A_10 = vector.broadcast %add3A_9 : f32 to vector<8x256xf32>
    %add3A_11 = arith.addf %mul3A_5, %add3A_10 : vector<8x256xf32>
    %add3A_12 = arith.constant 1.000000e+30 : f32
    %add3A_13 = vector.broadcast %add3A_12 : f32 to vector<8x256xf32>
    %add3A_14 = arith.addf %mul3A_5, %add3A_13 : vector<8x256xf32>
    %add3A_15 = arith.constant 6.400000e+01 : f32
    %add3A_16 = vector.broadcast %add3A_15 : f32 to vector<8x256xf32>
    %add3A_17 = arith.addf %mul3A_5, %add3A_16 : vector<8x256xf32>
    %add3A_18 = arith.constant 6.400000e+01 : f32
    %add3A_19 = vector.broadcast %add3A_18 : f32 to vector<8x256xf32>
    %add3A_20 = arith.addf %mul3A_5, %add3A_19 : vector<8x256xf32>
    %add3A_21 = arith.constant 6.400000e+01 : f32
    %add3A_22 = vector.broadcast %add3A_21 : f32 to vector<8x256xf32>
    %add3A_23 = arith.addf %mul3A_5, %add3A_22 : vector<8x256xf32>
    %slice3A_24 = vector.extract_strided_slice %transpose3A {offsets = [0, 0], sizes = [8, 256], strides = [1, 1]} : vector<64x256xf32> to vector<8x256xf32>
    %add3A_25 = arith.constant 0.000000e+00 : f32
    %add3A_26 = vector.broadcast %add3A_25 : f32 to vector<8x256xf32>
    %add3A_27 = arith.addf %add3A, %add3A_26 : vector<8x256xf32>
    %lt3A = arith.cmpf olt, %slice3A_24, %add3A_8 : vector<8x256xf32>
    %not3A = arith.constant dense<true> : vector<8x256xi1>
    %not3A_28 = arith.xori %lt3A, %not3A : vector<8x256xi1>
    %lt3A_29 = arith.cmpf olt, %slice3A_24, %add3A_11 : vector<8x256xf32>
    %and3A = arith.andi %not3A_28, %lt3A_29 : vector<8x256xi1>
    %not3A_30 = arith.constant dense<true> : vector<8x256xi1>
    %not3A_31 = arith.xori %lt3A, %not3A_30 : vector<8x256xi1>
    %not3A_32 = arith.constant dense<true> : vector<8x256xi1>
    %not3A_33 = arith.xori %and3A, %not3A_32 : vector<8x256xi1>
    %and3A_34 = arith.andi %not3A_31, %not3A_33 : vector<8x256xi1>
    %lt3A_35 = arith.cmpf olt, %slice3A_24, %add3A_14 : vector<8x256xf32>
    %and3A_36 = arith.andi %and3A_34, %lt3A_35 : vector<8x256xi1>
    %or3A = arith.ori %lt3A, %and3A : vector<8x256xi1>
    %select_n3A = arith.select %and3A_36, %slice3A_24, %add3A_14 : vector<8x256xi1>, vector<8x256xf32>
    %select_n3A_37 = arith.select %or3A, %add3A_11, %select_n3A : vector<8x256xi1>, vector<8x256xf32>
    %or3A_38 = arith.ori %lt3A, %and3A : vector<8x256xi1>
    %select_n3A_39 = arith.select %and3A_36, %add3A_27, %add3A_23 : vector<8x256xi1>, vector<8x256xf32>
    %select_n3A_40 = arith.select %or3A_38, %add3A_20, %select_n3A_39 : vector<8x256xi1>, vector<8x256xf32>
    %select_n3A_41 = arith.select %and3A, %slice3A_24, %add3A_11 : vector<8x256xi1>, vector<8x256xf32>
    %select_n3A_42 = arith.select %lt3A, %add3A_8, %select_n3A_41 : vector<8x256xi1>, vector<8x256xf32>
    %select_n3A_43 = arith.select %and3A, %add3A_27, %add3A_20 : vector<8x256xi1>, vector<8x256xf32>
    %select_n3A_44 = arith.select %lt3A, %add3A_17, %select_n3A_43 : vector<8x256xi1>, vector<8x256xf32>
    %select_n3A_45 = arith.select %lt3A, %slice3A_24, %add3A_8 : vector<8x256xi1>, vector<8x256xf32>
    %select_n3A_46 = arith.select %lt3A, %add3A_27, %add3A_17 : vector<8x256xi1>, vector<8x256xf32>
    %slice3A_47 = vector.extract_strided_slice %transpose3A {offsets = [8, 0], sizes = [8, 256], strides = [1, 1]} : vector<64x256xf32> to vector<8x256xf32>
    %add3A_48 = arith.constant 8.000000e+00 : f32
    %add3A_49 = vector.broadcast %add3A_48 : f32 to vector<8x256xf32>
    %add3A_50 = arith.addf %add3A, %add3A_49 : vector<8x256xf32>
    %lt3A_51 = arith.cmpf olt, %slice3A_47, %select_n3A_45 : vector<8x256xf32>
    %not3A_52 = arith.constant dense<true> : vector<8x256xi1>
    %not3A_53 = arith.xori %lt3A_51, %not3A_52 : vector<8x256xi1>
    %lt3A_54 = arith.cmpf olt, %slice3A_47, %select_n3A_42 : vector<8x256xf32>
    %and3A_55 = arith.andi %not3A_53, %lt3A_54 : vector<8x256xi1>
    %not3A_56 = arith.constant dense<true> : vector<8x256xi1>
    %not3A_57 = arith.xori %lt3A_51, %not3A_56 : vector<8x256xi1>
    %not3A_58 = arith.constant dense<true> : vector<8x256xi1>
    %not3A_59 = arith.xori %and3A_55, %not3A_58 : vector<8x256xi1>
    %and3A_60 = arith.andi %not3A_57, %not3A_59 : vector<8x256xi1>
    %lt3A_61 = arith.cmpf olt, %slice3A_47, %select_n3A_37 : vector<8x256xf32>
    %and3A_62 = arith.andi %and3A_60, %lt3A_61 : vector<8x256xi1>
    %or3A_63 = arith.ori %lt3A_51, %and3A_55 : vector<8x256xi1>
    %select_n3A_64 = arith.select %and3A_62, %slice3A_47, %select_n3A_37 : vector<8x256xi1>, vector<8x256xf32>
    %select_n3A_65 = arith.select %or3A_63, %select_n3A_42, %select_n3A_64 : vector<8x256xi1>, vector<8x256xf32>
    %or3A_66 = arith.ori %lt3A_51, %and3A_55 : vector<8x256xi1>
    %select_n3A_67 = arith.select %and3A_62, %add3A_50, %select_n3A_40 : vector<8x256xi1>, vector<8x256xf32>
    %select_n3A_68 = arith.select %or3A_66, %select_n3A_44, %select_n3A_67 : vector<8x256xi1>, vector<8x256xf32>
    %select_n3A_69 = arith.select %and3A_55, %slice3A_47, %select_n3A_42 : vector<8x256xi1>, vector<8x256xf32>
    %select_n3A_70 = arith.select %lt3A_51, %select_n3A_45, %select_n3A_69 : vector<8x256xi1>, vector<8x256xf32>
    %select_n3A_71 = arith.select %and3A_55, %add3A_50, %select_n3A_44 : vector<8x256xi1>, vector<8x256xf32>
    %select_n3A_72 = arith.select %lt3A_51, %select_n3A_46, %select_n3A_71 : vector<8x256xi1>, vector<8x256xf32>
    %select_n3A_73 = arith.select %lt3A_51, %slice3A_47, %select_n3A_45 : vector<8x256xi1>, vector<8x256xf32>
    %select_n3A_74 = arith.select %lt3A_51, %add3A_50, %select_n3A_46 : vector<8x256xi1>, vector<8x256xf32>
    %slice3A_75 = vector.extract_strided_slice %transpose3A {offsets = [16, 0], sizes = [8, 256], strides = [1, 1]} : vector<64x256xf32> to vector<8x256xf32>
    %add3A_76 = arith.constant 1.600000e+01 : f32
    %add3A_77 = vector.broadcast %add3A_76 : f32 to vector<8x256xf32>
    %add3A_78 = arith.addf %add3A, %add3A_77 : vector<8x256xf32>
    %lt3A_79 = arith.cmpf olt, %slice3A_75, %select_n3A_73 : vector<8x256xf32>
    %not3A_80 = arith.constant dense<true> : vector<8x256xi1>
    %not3A_81 = arith.xori %lt3A_79, %not3A_80 : vector<8x256xi1>
    %lt3A_82 = arith.cmpf olt, %slice3A_75, %select_n3A_70 : vector<8x256xf32>
    %and3A_83 = arith.andi %not3A_81, %lt3A_82 : vector<8x256xi1>
    %not3A_84 = arith.constant dense<true> : vector<8x256xi1>
    %not3A_85 = arith.xori %lt3A_79, %not3A_84 : vector<8x256xi1>
    %not3A_86 = arith.constant dense<true> : vector<8x256xi1>
    %not3A_87 = arith.xori %and3A_83, %not3A_86 : vector<8x256xi1>
    %and3A_88 = arith.andi %not3A_85, %not3A_87 : vector<8x256xi1>
    %lt3A_89 = arith.cmpf olt, %slice3A_75, %select_n3A_65 : vector<8x256xf32>
    %and3A_90 = arith.andi %and3A_88, %lt3A_89 : vector<8x256xi1>
    %or3A_91 = arith.ori %lt3A_79, %and3A_83 : vector<8x256xi1>
    %select_n3A_92 = arith.select %and3A_90, %slice3A_75, %select_n3A_65 : vector<8x256xi1>, vector<8x256xf32>
    %select_n3A_93 = arith.select %or3A_91, %select_n3A_70, %select_n3A_92 : vector<8x256xi1>, vector<8x256xf32>
    %or3A_94 = arith.ori %lt3A_79, %and3A_83 : vector<8x256xi1>
    %select_n3A_95 = arith.select %and3A_90, %add3A_78, %select_n3A_68 : vector<8x256xi1>, vector<8x256xf32>
    %select_n3A_96 = arith.select %or3A_94, %select_n3A_72, %select_n3A_95 : vector<8x256xi1>, vector<8x256xf32>
    %select_n3A_97 = arith.select %and3A_83, %slice3A_75, %select_n3A_70 : vector<8x256xi1>, vector<8x256xf32>
    %select_n3A_98 = arith.select %lt3A_79, %select_n3A_73, %select_n3A_97 : vector<8x256xi1>, vector<8x256xf32>
    %select_n3A_99 = arith.select %and3A_83, %add3A_78, %select_n3A_72 : vector<8x256xi1>, vector<8x256xf32>
    %select_n3A_100 = arith.select %lt3A_79, %select_n3A_74, %select_n3A_99 : vector<8x256xi1>, vector<8x256xf32>
    %select_n3A_101 = arith.select %lt3A_79, %slice3A_75, %select_n3A_73 : vector<8x256xi1>, vector<8x256xf32>
    %select_n3A_102 = arith.select %lt3A_79, %add3A_78, %select_n3A_74 : vector<8x256xi1>, vector<8x256xf32>
    %slice3A_103 = vector.extract_strided_slice %transpose3A {offsets = [24, 0], sizes = [8, 256], strides = [1, 1]} : vector<64x256xf32> to vector<8x256xf32>
    %add3A_104 = arith.constant 2.400000e+01 : f32
    %add3A_105 = vector.broadcast %add3A_104 : f32 to vector<8x256xf32>
    %add3A_106 = arith.addf %add3A, %add3A_105 : vector<8x256xf32>
    %lt3A_107 = arith.cmpf olt, %slice3A_103, %select_n3A_101 : vector<8x256xf32>
    %not3A_108 = arith.constant dense<true> : vector<8x256xi1>
    %not3A_109 = arith.xori %lt3A_107, %not3A_108 : vector<8x256xi1>
    %lt3A_110 = arith.cmpf olt, %slice3A_103, %select_n3A_98 : vector<8x256xf32>
    %and3A_111 = arith.andi %not3A_109, %lt3A_110 : vector<8x256xi1>
    %not3A_112 = arith.constant dense<true> : vector<8x256xi1>
    %not3A_113 = arith.xori %lt3A_107, %not3A_112 : vector<8x256xi1>
    %not3A_114 = arith.constant dense<true> : vector<8x256xi1>
    %not3A_115 = arith.xori %and3A_111, %not3A_114 : vector<8x256xi1>
    %and3A_116 = arith.andi %not3A_113, %not3A_115 : vector<8x256xi1>
    %lt3A_117 = arith.cmpf olt, %slice3A_103, %select_n3A_93 : vector<8x256xf32>
    %and3A_118 = arith.andi %and3A_116, %lt3A_117 : vector<8x256xi1>
    %or3A_119 = arith.ori %lt3A_107, %and3A_111 : vector<8x256xi1>
    %select_n3A_120 = arith.select %and3A_118, %slice3A_103, %select_n3A_93 : vector<8x256xi1>, vector<8x256xf32>
    %select_n3A_121 = arith.select %or3A_119, %select_n3A_98, %select_n3A_120 : vector<8x256xi1>, vector<8x256xf32>
    %or3A_122 = arith.ori %lt3A_107, %and3A_111 : vector<8x256xi1>
    %select_n3A_123 = arith.select %and3A_118, %add3A_106, %select_n3A_96 : vector<8x256xi1>, vector<8x256xf32>
    %select_n3A_124 = arith.select %or3A_122, %select_n3A_100, %select_n3A_123 : vector<8x256xi1>, vector<8x256xf32>
    %select_n3A_125 = arith.select %and3A_111, %slice3A_103, %select_n3A_98 : vector<8x256xi1>, vector<8x256xf32>
    %select_n3A_126 = arith.select %lt3A_107, %select_n3A_101, %select_n3A_125 : vector<8x256xi1>, vector<8x256xf32>
    %select_n3A_127 = arith.select %and3A_111, %add3A_106, %select_n3A_100 : vector<8x256xi1>, vector<8x256xf32>
    %select_n3A_128 = arith.select %lt3A_107, %select_n3A_102, %select_n3A_127 : vector<8x256xi1>, vector<8x256xf32>
    %select_n3A_129 = arith.select %lt3A_107, %slice3A_103, %select_n3A_101 : vector<8x256xi1>, vector<8x256xf32>
    %select_n3A_130 = arith.select %lt3A_107, %add3A_106, %select_n3A_102 : vector<8x256xi1>, vector<8x256xf32>
    %slice3A_131 = vector.extract_strided_slice %transpose3A {offsets = [32, 0], sizes = [8, 256], strides = [1, 1]} : vector<64x256xf32> to vector<8x256xf32>
    %add3A_132 = arith.constant 3.200000e+01 : f32
    %add3A_133 = vector.broadcast %add3A_132 : f32 to vector<8x256xf32>
    %add3A_134 = arith.addf %add3A, %add3A_133 : vector<8x256xf32>
    %lt3A_135 = arith.cmpf olt, %slice3A_131, %select_n3A_129 : vector<8x256xf32>
    %not3A_136 = arith.constant dense<true> : vector<8x256xi1>
    %not3A_137 = arith.xori %lt3A_135, %not3A_136 : vector<8x256xi1>
    %lt3A_138 = arith.cmpf olt, %slice3A_131, %select_n3A_126 : vector<8x256xf32>
    %and3A_139 = arith.andi %not3A_137, %lt3A_138 : vector<8x256xi1>
    %not3A_140 = arith.constant dense<true> : vector<8x256xi1>
    %not3A_141 = arith.xori %lt3A_135, %not3A_140 : vector<8x256xi1>
    %not3A_142 = arith.constant dense<true> : vector<8x256xi1>
    %not3A_143 = arith.xori %and3A_139, %not3A_142 : vector<8x256xi1>
    %and3A_144 = arith.andi %not3A_141, %not3A_143 : vector<8x256xi1>
    %lt3A_145 = arith.cmpf olt, %slice3A_131, %select_n3A_121 : vector<8x256xf32>
    %and3A_146 = arith.andi %and3A_144, %lt3A_145 : vector<8x256xi1>
    %or3A_147 = arith.ori %lt3A_135, %and3A_139 : vector<8x256xi1>
    %select_n3A_148 = arith.select %and3A_146, %slice3A_131, %select_n3A_121 : vector<8x256xi1>, vector<8x256xf32>
    %select_n3A_149 = arith.select %or3A_147, %select_n3A_126, %select_n3A_148 : vector<8x256xi1>, vector<8x256xf32>
    %or3A_150 = arith.ori %lt3A_135, %and3A_139 : vector<8x256xi1>
    %select_n3A_151 = arith.select %and3A_146, %add3A_134, %select_n3A_124 : vector<8x256xi1>, vector<8x256xf32>
    %select_n3A_152 = arith.select %or3A_150, %select_n3A_128, %select_n3A_151 : vector<8x256xi1>, vector<8x256xf32>
    %select_n3A_153 = arith.select %and3A_139, %slice3A_131, %select_n3A_126 : vector<8x256xi1>, vector<8x256xf32>
    %select_n3A_154 = arith.select %lt3A_135, %select_n3A_129, %select_n3A_153 : vector<8x256xi1>, vector<8x256xf32>
    %select_n3A_155 = arith.select %and3A_139, %add3A_134, %select_n3A_128 : vector<8x256xi1>, vector<8x256xf32>
    %select_n3A_156 = arith.select %lt3A_135, %select_n3A_130, %select_n3A_155 : vector<8x256xi1>, vector<8x256xf32>
    %select_n3A_157 = arith.select %lt3A_135, %slice3A_131, %select_n3A_129 : vector<8x256xi1>, vector<8x256xf32>
    %select_n3A_158 = arith.select %lt3A_135, %add3A_134, %select_n3A_130 : vector<8x256xi1>, vector<8x256xf32>
    %slice3A_159 = vector.extract_strided_slice %transpose3A {offsets = [40, 0], sizes = [8, 256], strides = [1, 1]} : vector<64x256xf32> to vector<8x256xf32>
    %add3A_160 = arith.constant 4.000000e+01 : f32
    %add3A_161 = vector.broadcast %add3A_160 : f32 to vector<8x256xf32>
    %add3A_162 = arith.addf %add3A, %add3A_161 : vector<8x256xf32>
    %lt3A_163 = arith.cmpf olt, %slice3A_159, %select_n3A_157 : vector<8x256xf32>
    %not3A_164 = arith.constant dense<true> : vector<8x256xi1>
    %not3A_165 = arith.xori %lt3A_163, %not3A_164 : vector<8x256xi1>
    %lt3A_166 = arith.cmpf olt, %slice3A_159, %select_n3A_154 : vector<8x256xf32>
    %and3A_167 = arith.andi %not3A_165, %lt3A_166 : vector<8x256xi1>
    %not3A_168 = arith.constant dense<true> : vector<8x256xi1>
    %not3A_169 = arith.xori %lt3A_163, %not3A_168 : vector<8x256xi1>
    %not3A_170 = arith.constant dense<true> : vector<8x256xi1>
    %not3A_171 = arith.xori %and3A_167, %not3A_170 : vector<8x256xi1>
    %and3A_172 = arith.andi %not3A_169, %not3A_171 : vector<8x256xi1>
    %lt3A_173 = arith.cmpf olt, %slice3A_159, %select_n3A_149 : vector<8x256xf32>
    %and3A_174 = arith.andi %and3A_172, %lt3A_173 : vector<8x256xi1>
    %or3A_175 = arith.ori %lt3A_163, %and3A_167 : vector<8x256xi1>
    %select_n3A_176 = arith.select %and3A_174, %slice3A_159, %select_n3A_149 : vector<8x256xi1>, vector<8x256xf32>
    %select_n3A_177 = arith.select %or3A_175, %select_n3A_154, %select_n3A_176 : vector<8x256xi1>, vector<8x256xf32>
    %or3A_178 = arith.ori %lt3A_163, %and3A_167 : vector<8x256xi1>
    %select_n3A_179 = arith.select %and3A_174, %add3A_162, %select_n3A_152 : vector<8x256xi1>, vector<8x256xf32>
    %select_n3A_180 = arith.select %or3A_178, %select_n3A_156, %select_n3A_179 : vector<8x256xi1>, vector<8x256xf32>
    %select_n3A_181 = arith.select %and3A_167, %slice3A_159, %select_n3A_154 : vector<8x256xi1>, vector<8x256xf32>
    %select_n3A_182 = arith.select %lt3A_163, %select_n3A_157, %select_n3A_181 : vector<8x256xi1>, vector<8x256xf32>
    %select_n3A_183 = arith.select %and3A_167, %add3A_162, %select_n3A_156 : vector<8x256xi1>, vector<8x256xf32>
    %select_n3A_184 = arith.select %lt3A_163, %select_n3A_158, %select_n3A_183 : vector<8x256xi1>, vector<8x256xf32>
    %select_n3A_185 = arith.select %lt3A_163, %slice3A_159, %select_n3A_157 : vector<8x256xi1>, vector<8x256xf32>
    %select_n3A_186 = arith.select %lt3A_163, %add3A_162, %select_n3A_158 : vector<8x256xi1>, vector<8x256xf32>
    %slice3A_187 = vector.extract_strided_slice %transpose3A {offsets = [48, 0], sizes = [8, 256], strides = [1, 1]} : vector<64x256xf32> to vector<8x256xf32>
    %add3A_188 = arith.constant 4.800000e+01 : f32
    %add3A_189 = vector.broadcast %add3A_188 : f32 to vector<8x256xf32>
    %add3A_190 = arith.addf %add3A, %add3A_189 : vector<8x256xf32>
    %lt3A_191 = arith.cmpf olt, %slice3A_187, %select_n3A_185 : vector<8x256xf32>
    %not3A_192 = arith.constant dense<true> : vector<8x256xi1>
    %not3A_193 = arith.xori %lt3A_191, %not3A_192 : vector<8x256xi1>
    %lt3A_194 = arith.cmpf olt, %slice3A_187, %select_n3A_182 : vector<8x256xf32>
    %and3A_195 = arith.andi %not3A_193, %lt3A_194 : vector<8x256xi1>
    %not3A_196 = arith.constant dense<true> : vector<8x256xi1>
    %not3A_197 = arith.xori %lt3A_191, %not3A_196 : vector<8x256xi1>
    %not3A_198 = arith.constant dense<true> : vector<8x256xi1>
    %not3A_199 = arith.xori %and3A_195, %not3A_198 : vector<8x256xi1>
    %and3A_200 = arith.andi %not3A_197, %not3A_199 : vector<8x256xi1>
    %lt3A_201 = arith.cmpf olt, %slice3A_187, %select_n3A_177 : vector<8x256xf32>
    %and3A_202 = arith.andi %and3A_200, %lt3A_201 : vector<8x256xi1>
    %or3A_203 = arith.ori %lt3A_191, %and3A_195 : vector<8x256xi1>
    %select_n3A_204 = arith.select %and3A_202, %slice3A_187, %select_n3A_177 : vector<8x256xi1>, vector<8x256xf32>
    %select_n3A_205 = arith.select %or3A_203, %select_n3A_182, %select_n3A_204 : vector<8x256xi1>, vector<8x256xf32>
    %or3A_206 = arith.ori %lt3A_191, %and3A_195 : vector<8x256xi1>
    %select_n3A_207 = arith.select %and3A_202, %add3A_190, %select_n3A_180 : vector<8x256xi1>, vector<8x256xf32>
    %select_n3A_208 = arith.select %or3A_206, %select_n3A_184, %select_n3A_207 : vector<8x256xi1>, vector<8x256xf32>
    %select_n3A_209 = arith.select %and3A_195, %slice3A_187, %select_n3A_182 : vector<8x256xi1>, vector<8x256xf32>
    %select_n3A_210 = arith.select %lt3A_191, %select_n3A_185, %select_n3A_209 : vector<8x256xi1>, vector<8x256xf32>
    %select_n3A_211 = arith.select %and3A_195, %add3A_190, %select_n3A_184 : vector<8x256xi1>, vector<8x256xf32>
    %select_n3A_212 = arith.select %lt3A_191, %select_n3A_186, %select_n3A_211 : vector<8x256xi1>, vector<8x256xf32>
    %select_n3A_213 = arith.select %lt3A_191, %slice3A_187, %select_n3A_185 : vector<8x256xi1>, vector<8x256xf32>
    %select_n3A_214 = arith.select %lt3A_191, %add3A_190, %select_n3A_186 : vector<8x256xi1>, vector<8x256xf32>
    %slice3A_215 = vector.extract_strided_slice %transpose3A {offsets = [56, 0], sizes = [8, 256], strides = [1, 1]} : vector<64x256xf32> to vector<8x256xf32>
    %add3A_216 = arith.constant 5.600000e+01 : f32
    %add3A_217 = vector.broadcast %add3A_216 : f32 to vector<8x256xf32>
    %add3A_218 = arith.addf %add3A, %add3A_217 : vector<8x256xf32>
    %lt3A_219 = arith.cmpf olt, %slice3A_215, %select_n3A_213 : vector<8x256xf32>
    %not3A_220 = arith.constant dense<true> : vector<8x256xi1>
    %not3A_221 = arith.xori %lt3A_219, %not3A_220 : vector<8x256xi1>
    %lt3A_222 = arith.cmpf olt, %slice3A_215, %select_n3A_210 : vector<8x256xf32>
    %and3A_223 = arith.andi %not3A_221, %lt3A_222 : vector<8x256xi1>
    %not3A_224 = arith.constant dense<true> : vector<8x256xi1>
    %not3A_225 = arith.xori %lt3A_219, %not3A_224 : vector<8x256xi1>
    %not3A_226 = arith.constant dense<true> : vector<8x256xi1>
    %not3A_227 = arith.xori %and3A_223, %not3A_226 : vector<8x256xi1>
    %and3A_228 = arith.andi %not3A_225, %not3A_227 : vector<8x256xi1>
    %lt3A_229 = arith.cmpf olt, %slice3A_215, %select_n3A_205 : vector<8x256xf32>
    %and3A_230 = arith.andi %and3A_228, %lt3A_229 : vector<8x256xi1>
    %or3A_231 = arith.ori %lt3A_219, %and3A_223 : vector<8x256xi1>
    %select_n3A_232 = arith.select %and3A_230, %slice3A_215, %select_n3A_205 : vector<8x256xi1>, vector<8x256xf32>
    %select_n3A_233 = arith.select %or3A_231, %select_n3A_210, %select_n3A_232 : vector<8x256xi1>, vector<8x256xf32>
    %or3A_234 = arith.ori %lt3A_219, %and3A_223 : vector<8x256xi1>
    %select_n3A_235 = arith.select %and3A_230, %add3A_218, %select_n3A_208 : vector<8x256xi1>, vector<8x256xf32>
    %select_n3A_236 = arith.select %or3A_234, %select_n3A_212, %select_n3A_235 : vector<8x256xi1>, vector<8x256xf32>
    %select_n3A_237 = arith.select %and3A_223, %slice3A_215, %select_n3A_210 : vector<8x256xi1>, vector<8x256xf32>
    %select_n3A_238 = arith.select %lt3A_219, %select_n3A_213, %select_n3A_237 : vector<8x256xi1>, vector<8x256xf32>
    %select_n3A_239 = arith.select %and3A_223, %add3A_218, %select_n3A_212 : vector<8x256xi1>, vector<8x256xf32>
    %select_n3A_240 = arith.select %lt3A_219, %select_n3A_214, %select_n3A_239 : vector<8x256xi1>, vector<8x256xf32>
    %select_n3A_241 = arith.select %lt3A_219, %slice3A_215, %select_n3A_213 : vector<8x256xi1>, vector<8x256xf32>
    %select_n3A_242 = arith.select %lt3A_219, %add3A_218, %select_n3A_214 : vector<8x256xi1>, vector<8x256xf32>
    %slice3A_243 = vector.extract_strided_slice %select_n3A_241 {offsets = [0, 0], sizes = [4, 256], strides = [1, 1]} : vector<8x256xf32> to vector<4x256xf32>
    %slice3A_244 = vector.extract_strided_slice %select_n3A_242 {offsets = [0, 0], sizes = [4, 256], strides = [1, 1]} : vector<8x256xf32> to vector<4x256xf32>
    %slice3A_245 = vector.extract_strided_slice %select_n3A_238 {offsets = [0, 0], sizes = [4, 256], strides = [1, 1]} : vector<8x256xf32> to vector<4x256xf32>
    %slice3A_246 = vector.extract_strided_slice %select_n3A_240 {offsets = [0, 0], sizes = [4, 256], strides = [1, 1]} : vector<8x256xf32> to vector<4x256xf32>
    %slice3A_247 = vector.extract_strided_slice %select_n3A_233 {offsets = [0, 0], sizes = [4, 256], strides = [1, 1]} : vector<8x256xf32> to vector<4x256xf32>
    %slice3A_248 = vector.extract_strided_slice %select_n3A_236 {offsets = [0, 0], sizes = [4, 256], strides = [1, 1]} : vector<8x256xf32> to vector<4x256xf32>
    %slice3A_249 = vector.extract_strided_slice %select_n3A_241 {offsets = [4, 0], sizes = [4, 256], strides = [1, 1]} : vector<8x256xf32> to vector<4x256xf32>
    %slice3A_250 = vector.extract_strided_slice %select_n3A_242 {offsets = [4, 0], sizes = [4, 256], strides = [1, 1]} : vector<8x256xf32> to vector<4x256xf32>
    %slice3A_251 = vector.extract_strided_slice %select_n3A_238 {offsets = [4, 0], sizes = [4, 256], strides = [1, 1]} : vector<8x256xf32> to vector<4x256xf32>
    %slice3A_252 = vector.extract_strided_slice %select_n3A_240 {offsets = [4, 0], sizes = [4, 256], strides = [1, 1]} : vector<8x256xf32> to vector<4x256xf32>
    %slice3A_253 = vector.extract_strided_slice %select_n3A_233 {offsets = [4, 0], sizes = [4, 256], strides = [1, 1]} : vector<8x256xf32> to vector<4x256xf32>
    %slice3A_254 = vector.extract_strided_slice %select_n3A_236 {offsets = [4, 0], sizes = [4, 256], strides = [1, 1]} : vector<8x256xf32> to vector<4x256xf32>
    %lt3A_255 = arith.cmpf olt, %slice3A_249, %slice3A_243 : vector<4x256xf32>
    %eq3A = arith.cmpf oeq, %slice3A_249, %slice3A_243 : vector<4x256xf32>
    %lt3A_256 = arith.cmpf olt, %slice3A_250, %slice3A_244 : vector<4x256xf32>
    %and3A_257 = arith.andi %eq3A, %lt3A_256 : vector<4x256xi1>
    %or3A_258 = arith.ori %lt3A_255, %and3A_257 : vector<4x256xi1>
    %not3A_259 = arith.constant dense<true> : vector<4x256xi1>
    %not3A_260 = arith.xori %or3A_258, %not3A_259 : vector<4x256xi1>
    %lt3A_261 = arith.cmpf olt, %slice3A_249, %slice3A_245 : vector<4x256xf32>
    %eq3A_262 = arith.cmpf oeq, %slice3A_249, %slice3A_245 : vector<4x256xf32>
    %lt3A_263 = arith.cmpf olt, %slice3A_250, %slice3A_246 : vector<4x256xf32>
    %and3A_264 = arith.andi %eq3A_262, %lt3A_263 : vector<4x256xi1>
    %or3A_265 = arith.ori %lt3A_261, %and3A_264 : vector<4x256xi1>
    %and3A_266 = arith.andi %not3A_260, %or3A_265 : vector<4x256xi1>
    %not3A_267 = arith.constant dense<true> : vector<4x256xi1>
    %not3A_268 = arith.xori %or3A_258, %not3A_267 : vector<4x256xi1>
    %not3A_269 = arith.constant dense<true> : vector<4x256xi1>
    %not3A_270 = arith.xori %and3A_266, %not3A_269 : vector<4x256xi1>
    %and3A_271 = arith.andi %not3A_268, %not3A_270 : vector<4x256xi1>
    %lt3A_272 = arith.cmpf olt, %slice3A_249, %slice3A_247 : vector<4x256xf32>
    %eq3A_273 = arith.cmpf oeq, %slice3A_249, %slice3A_247 : vector<4x256xf32>
    %lt3A_274 = arith.cmpf olt, %slice3A_250, %slice3A_248 : vector<4x256xf32>
    %and3A_275 = arith.andi %eq3A_273, %lt3A_274 : vector<4x256xi1>
    %or3A_276 = arith.ori %lt3A_272, %and3A_275 : vector<4x256xi1>
    %and3A_277 = arith.andi %and3A_271, %or3A_276 : vector<4x256xi1>
    %or3A_278 = arith.ori %or3A_258, %and3A_266 : vector<4x256xi1>
    %select_n3A_279 = arith.select %and3A_277, %slice3A_249, %slice3A_247 : vector<4x256xi1>, vector<4x256xf32>
    %select_n3A_280 = arith.select %or3A_278, %slice3A_245, %select_n3A_279 : vector<4x256xi1>, vector<4x256xf32>
    %or3A_281 = arith.ori %or3A_258, %and3A_266 : vector<4x256xi1>
    %select_n3A_282 = arith.select %and3A_277, %slice3A_250, %slice3A_248 : vector<4x256xi1>, vector<4x256xf32>
    %select_n3A_283 = arith.select %or3A_281, %slice3A_246, %select_n3A_282 : vector<4x256xi1>, vector<4x256xf32>
    %select_n3A_284 = arith.select %and3A_266, %slice3A_249, %slice3A_245 : vector<4x256xi1>, vector<4x256xf32>
    %select_n3A_285 = arith.select %or3A_258, %slice3A_243, %select_n3A_284 : vector<4x256xi1>, vector<4x256xf32>
    %select_n3A_286 = arith.select %and3A_266, %slice3A_250, %slice3A_246 : vector<4x256xi1>, vector<4x256xf32>
    %select_n3A_287 = arith.select %or3A_258, %slice3A_244, %select_n3A_286 : vector<4x256xi1>, vector<4x256xf32>
    %select_n3A_288 = arith.select %or3A_258, %slice3A_249, %slice3A_243 : vector<4x256xi1>, vector<4x256xf32>
    %select_n3A_289 = arith.select %or3A_258, %slice3A_250, %slice3A_244 : vector<4x256xi1>, vector<4x256xf32>
    %lt3A_290 = arith.cmpf olt, %slice3A_251, %select_n3A_288 : vector<4x256xf32>
    %eq3A_291 = arith.cmpf oeq, %slice3A_251, %select_n3A_288 : vector<4x256xf32>
    %lt3A_292 = arith.cmpf olt, %slice3A_252, %select_n3A_289 : vector<4x256xf32>
    %and3A_293 = arith.andi %eq3A_291, %lt3A_292 : vector<4x256xi1>
    %or3A_294 = arith.ori %lt3A_290, %and3A_293 : vector<4x256xi1>
    %not3A_295 = arith.constant dense<true> : vector<4x256xi1>
    %not3A_296 = arith.xori %or3A_294, %not3A_295 : vector<4x256xi1>
    %lt3A_297 = arith.cmpf olt, %slice3A_251, %select_n3A_285 : vector<4x256xf32>
    %eq3A_298 = arith.cmpf oeq, %slice3A_251, %select_n3A_285 : vector<4x256xf32>
    %lt3A_299 = arith.cmpf olt, %slice3A_252, %select_n3A_287 : vector<4x256xf32>
    %and3A_300 = arith.andi %eq3A_298, %lt3A_299 : vector<4x256xi1>
    %or3A_301 = arith.ori %lt3A_297, %and3A_300 : vector<4x256xi1>
    %and3A_302 = arith.andi %not3A_296, %or3A_301 : vector<4x256xi1>
    %not3A_303 = arith.constant dense<true> : vector<4x256xi1>
    %not3A_304 = arith.xori %or3A_294, %not3A_303 : vector<4x256xi1>
    %not3A_305 = arith.constant dense<true> : vector<4x256xi1>
    %not3A_306 = arith.xori %and3A_302, %not3A_305 : vector<4x256xi1>
    %and3A_307 = arith.andi %not3A_304, %not3A_306 : vector<4x256xi1>
    %lt3A_308 = arith.cmpf olt, %slice3A_251, %select_n3A_280 : vector<4x256xf32>
    %eq3A_309 = arith.cmpf oeq, %slice3A_251, %select_n3A_280 : vector<4x256xf32>
    %lt3A_310 = arith.cmpf olt, %slice3A_252, %select_n3A_283 : vector<4x256xf32>
    %and3A_311 = arith.andi %eq3A_309, %lt3A_310 : vector<4x256xi1>
    %or3A_312 = arith.ori %lt3A_308, %and3A_311 : vector<4x256xi1>
    %and3A_313 = arith.andi %and3A_307, %or3A_312 : vector<4x256xi1>
    %or3A_314 = arith.ori %or3A_294, %and3A_302 : vector<4x256xi1>
    %select_n3A_315 = arith.select %and3A_313, %slice3A_251, %select_n3A_280 : vector<4x256xi1>, vector<4x256xf32>
    %select_n3A_316 = arith.select %or3A_314, %select_n3A_285, %select_n3A_315 : vector<4x256xi1>, vector<4x256xf32>
    %or3A_317 = arith.ori %or3A_294, %and3A_302 : vector<4x256xi1>
    %select_n3A_318 = arith.select %and3A_313, %slice3A_252, %select_n3A_283 : vector<4x256xi1>, vector<4x256xf32>
    %select_n3A_319 = arith.select %or3A_317, %select_n3A_287, %select_n3A_318 : vector<4x256xi1>, vector<4x256xf32>
    %select_n3A_320 = arith.select %and3A_302, %slice3A_251, %select_n3A_285 : vector<4x256xi1>, vector<4x256xf32>
    %select_n3A_321 = arith.select %or3A_294, %select_n3A_288, %select_n3A_320 : vector<4x256xi1>, vector<4x256xf32>
    %select_n3A_322 = arith.select %and3A_302, %slice3A_252, %select_n3A_287 : vector<4x256xi1>, vector<4x256xf32>
    %select_n3A_323 = arith.select %or3A_294, %select_n3A_289, %select_n3A_322 : vector<4x256xi1>, vector<4x256xf32>
    %select_n3A_324 = arith.select %or3A_294, %slice3A_251, %select_n3A_288 : vector<4x256xi1>, vector<4x256xf32>
    %select_n3A_325 = arith.select %or3A_294, %slice3A_252, %select_n3A_289 : vector<4x256xi1>, vector<4x256xf32>
    %lt3A_326 = arith.cmpf olt, %slice3A_253, %select_n3A_324 : vector<4x256xf32>
    %eq3A_327 = arith.cmpf oeq, %slice3A_253, %select_n3A_324 : vector<4x256xf32>
    %lt3A_328 = arith.cmpf olt, %slice3A_254, %select_n3A_325 : vector<4x256xf32>
    %and3A_329 = arith.andi %eq3A_327, %lt3A_328 : vector<4x256xi1>
    %or3A_330 = arith.ori %lt3A_326, %and3A_329 : vector<4x256xi1>
    %not3A_331 = arith.constant dense<true> : vector<4x256xi1>
    %not3A_332 = arith.xori %or3A_330, %not3A_331 : vector<4x256xi1>
    %lt3A_333 = arith.cmpf olt, %slice3A_253, %select_n3A_321 : vector<4x256xf32>
    %eq3A_334 = arith.cmpf oeq, %slice3A_253, %select_n3A_321 : vector<4x256xf32>
    %lt3A_335 = arith.cmpf olt, %slice3A_254, %select_n3A_323 : vector<4x256xf32>
    %and3A_336 = arith.andi %eq3A_334, %lt3A_335 : vector<4x256xi1>
    %or3A_337 = arith.ori %lt3A_333, %and3A_336 : vector<4x256xi1>
    %and3A_338 = arith.andi %not3A_332, %or3A_337 : vector<4x256xi1>
    %not3A_339 = arith.constant dense<true> : vector<4x256xi1>
    %not3A_340 = arith.xori %or3A_330, %not3A_339 : vector<4x256xi1>
    %not3A_341 = arith.constant dense<true> : vector<4x256xi1>
    %not3A_342 = arith.xori %and3A_338, %not3A_341 : vector<4x256xi1>
    %and3A_343 = arith.andi %not3A_340, %not3A_342 : vector<4x256xi1>
    %lt3A_344 = arith.cmpf olt, %slice3A_253, %select_n3A_316 : vector<4x256xf32>
    %eq3A_345 = arith.cmpf oeq, %slice3A_253, %select_n3A_316 : vector<4x256xf32>
    %lt3A_346 = arith.cmpf olt, %slice3A_254, %select_n3A_319 : vector<4x256xf32>
    %and3A_347 = arith.andi %eq3A_345, %lt3A_346 : vector<4x256xi1>
    %or3A_348 = arith.ori %lt3A_344, %and3A_347 : vector<4x256xi1>
    %and3A_349 = arith.andi %and3A_343, %or3A_348 : vector<4x256xi1>
    %or3A_350 = arith.ori %or3A_330, %and3A_338 : vector<4x256xi1>
    %select_n3A_351 = arith.select %and3A_349, %slice3A_253, %select_n3A_316 : vector<4x256xi1>, vector<4x256xf32>
    %select_n3A_352 = arith.select %or3A_350, %select_n3A_321, %select_n3A_351 : vector<4x256xi1>, vector<4x256xf32>
    %or3A_353 = arith.ori %or3A_330, %and3A_338 : vector<4x256xi1>
    %select_n3A_354 = arith.select %and3A_349, %slice3A_254, %select_n3A_319 : vector<4x256xi1>, vector<4x256xf32>
    %select_n3A_355 = arith.select %or3A_353, %select_n3A_323, %select_n3A_354 : vector<4x256xi1>, vector<4x256xf32>
    %select_n3A_356 = arith.select %and3A_338, %slice3A_253, %select_n3A_321 : vector<4x256xi1>, vector<4x256xf32>
    %select_n3A_357 = arith.select %or3A_330, %select_n3A_324, %select_n3A_356 : vector<4x256xi1>, vector<4x256xf32>
    %select_n3A_358 = arith.select %and3A_338, %slice3A_254, %select_n3A_323 : vector<4x256xi1>, vector<4x256xf32>
    %select_n3A_359 = arith.select %or3A_330, %select_n3A_325, %select_n3A_358 : vector<4x256xi1>, vector<4x256xf32>
    %select_n3A_360 = arith.select %or3A_330, %slice3A_253, %select_n3A_324 : vector<4x256xi1>, vector<4x256xf32>
    %select_n3A_361 = arith.select %or3A_330, %slice3A_254, %select_n3A_325 : vector<4x256xi1>, vector<4x256xf32>
    %slice3A_362 = vector.extract_strided_slice %select_n3A_360 {offsets = [0, 0], sizes = [2, 256], strides = [1, 1]} : vector<4x256xf32> to vector<2x256xf32>
    %slice3A_363 = vector.extract_strided_slice %select_n3A_361 {offsets = [0, 0], sizes = [2, 256], strides = [1, 1]} : vector<4x256xf32> to vector<2x256xf32>
    %slice3A_364 = vector.extract_strided_slice %select_n3A_357 {offsets = [0, 0], sizes = [2, 256], strides = [1, 1]} : vector<4x256xf32> to vector<2x256xf32>
    %slice3A_365 = vector.extract_strided_slice %select_n3A_359 {offsets = [0, 0], sizes = [2, 256], strides = [1, 1]} : vector<4x256xf32> to vector<2x256xf32>
    %slice3A_366 = vector.extract_strided_slice %select_n3A_352 {offsets = [0, 0], sizes = [2, 256], strides = [1, 1]} : vector<4x256xf32> to vector<2x256xf32>
    %slice3A_367 = vector.extract_strided_slice %select_n3A_355 {offsets = [0, 0], sizes = [2, 256], strides = [1, 1]} : vector<4x256xf32> to vector<2x256xf32>
    %slice3A_368 = vector.extract_strided_slice %select_n3A_360 {offsets = [2, 0], sizes = [2, 256], strides = [1, 1]} : vector<4x256xf32> to vector<2x256xf32>
    %slice3A_369 = vector.extract_strided_slice %select_n3A_361 {offsets = [2, 0], sizes = [2, 256], strides = [1, 1]} : vector<4x256xf32> to vector<2x256xf32>
    %slice3A_370 = vector.extract_strided_slice %select_n3A_357 {offsets = [2, 0], sizes = [2, 256], strides = [1, 1]} : vector<4x256xf32> to vector<2x256xf32>
    %slice3A_371 = vector.extract_strided_slice %select_n3A_359 {offsets = [2, 0], sizes = [2, 256], strides = [1, 1]} : vector<4x256xf32> to vector<2x256xf32>
    %slice3A_372 = vector.extract_strided_slice %select_n3A_352 {offsets = [2, 0], sizes = [2, 256], strides = [1, 1]} : vector<4x256xf32> to vector<2x256xf32>
    %slice3A_373 = vector.extract_strided_slice %select_n3A_355 {offsets = [2, 0], sizes = [2, 256], strides = [1, 1]} : vector<4x256xf32> to vector<2x256xf32>
    %lt3A_374 = arith.cmpf olt, %slice3A_368, %slice3A_362 : vector<2x256xf32>
    %eq3A_375 = arith.cmpf oeq, %slice3A_368, %slice3A_362 : vector<2x256xf32>
    %lt3A_376 = arith.cmpf olt, %slice3A_369, %slice3A_363 : vector<2x256xf32>
    %and3A_377 = arith.andi %eq3A_375, %lt3A_376 : vector<2x256xi1>
    %or3A_378 = arith.ori %lt3A_374, %and3A_377 : vector<2x256xi1>
    %not3A_379 = arith.constant dense<true> : vector<2x256xi1>
    %not3A_380 = arith.xori %or3A_378, %not3A_379 : vector<2x256xi1>
    %lt3A_381 = arith.cmpf olt, %slice3A_368, %slice3A_364 : vector<2x256xf32>
    %eq3A_382 = arith.cmpf oeq, %slice3A_368, %slice3A_364 : vector<2x256xf32>
    %lt3A_383 = arith.cmpf olt, %slice3A_369, %slice3A_365 : vector<2x256xf32>
    %and3A_384 = arith.andi %eq3A_382, %lt3A_383 : vector<2x256xi1>
    %or3A_385 = arith.ori %lt3A_381, %and3A_384 : vector<2x256xi1>
    %and3A_386 = arith.andi %not3A_380, %or3A_385 : vector<2x256xi1>
    %not3A_387 = arith.constant dense<true> : vector<2x256xi1>
    %not3A_388 = arith.xori %or3A_378, %not3A_387 : vector<2x256xi1>
    %not3A_389 = arith.constant dense<true> : vector<2x256xi1>
    %not3A_390 = arith.xori %and3A_386, %not3A_389 : vector<2x256xi1>
    %and3A_391 = arith.andi %not3A_388, %not3A_390 : vector<2x256xi1>
    %lt3A_392 = arith.cmpf olt, %slice3A_368, %slice3A_366 : vector<2x256xf32>
    %eq3A_393 = arith.cmpf oeq, %slice3A_368, %slice3A_366 : vector<2x256xf32>
    %lt3A_394 = arith.cmpf olt, %slice3A_369, %slice3A_367 : vector<2x256xf32>
    %and3A_395 = arith.andi %eq3A_393, %lt3A_394 : vector<2x256xi1>
    %or3A_396 = arith.ori %lt3A_392, %and3A_395 : vector<2x256xi1>
    %and3A_397 = arith.andi %and3A_391, %or3A_396 : vector<2x256xi1>
    %or3A_398 = arith.ori %or3A_378, %and3A_386 : vector<2x256xi1>
    %select_n3A_399 = arith.select %and3A_397, %slice3A_368, %slice3A_366 : vector<2x256xi1>, vector<2x256xf32>
    %select_n3A_400 = arith.select %or3A_398, %slice3A_364, %select_n3A_399 : vector<2x256xi1>, vector<2x256xf32>
    %or3A_401 = arith.ori %or3A_378, %and3A_386 : vector<2x256xi1>
    %select_n3A_402 = arith.select %and3A_397, %slice3A_369, %slice3A_367 : vector<2x256xi1>, vector<2x256xf32>
    %select_n3A_403 = arith.select %or3A_401, %slice3A_365, %select_n3A_402 : vector<2x256xi1>, vector<2x256xf32>
    %select_n3A_404 = arith.select %and3A_386, %slice3A_368, %slice3A_364 : vector<2x256xi1>, vector<2x256xf32>
    %select_n3A_405 = arith.select %or3A_378, %slice3A_362, %select_n3A_404 : vector<2x256xi1>, vector<2x256xf32>
    %select_n3A_406 = arith.select %and3A_386, %slice3A_369, %slice3A_365 : vector<2x256xi1>, vector<2x256xf32>
    %select_n3A_407 = arith.select %or3A_378, %slice3A_363, %select_n3A_406 : vector<2x256xi1>, vector<2x256xf32>
    %select_n3A_408 = arith.select %or3A_378, %slice3A_368, %slice3A_362 : vector<2x256xi1>, vector<2x256xf32>
    %select_n3A_409 = arith.select %or3A_378, %slice3A_369, %slice3A_363 : vector<2x256xi1>, vector<2x256xf32>
    %lt3A_410 = arith.cmpf olt, %slice3A_370, %select_n3A_408 : vector<2x256xf32>
    %eq3A_411 = arith.cmpf oeq, %slice3A_370, %select_n3A_408 : vector<2x256xf32>
    %lt3A_412 = arith.cmpf olt, %slice3A_371, %select_n3A_409 : vector<2x256xf32>
    %and3A_413 = arith.andi %eq3A_411, %lt3A_412 : vector<2x256xi1>
    %or3A_414 = arith.ori %lt3A_410, %and3A_413 : vector<2x256xi1>
    %not3A_415 = arith.constant dense<true> : vector<2x256xi1>
    %not3A_416 = arith.xori %or3A_414, %not3A_415 : vector<2x256xi1>
    %lt3A_417 = arith.cmpf olt, %slice3A_370, %select_n3A_405 : vector<2x256xf32>
    %eq3A_418 = arith.cmpf oeq, %slice3A_370, %select_n3A_405 : vector<2x256xf32>
    %lt3A_419 = arith.cmpf olt, %slice3A_371, %select_n3A_407 : vector<2x256xf32>
    %and3A_420 = arith.andi %eq3A_418, %lt3A_419 : vector<2x256xi1>
    %or3A_421 = arith.ori %lt3A_417, %and3A_420 : vector<2x256xi1>
    %and3A_422 = arith.andi %not3A_416, %or3A_421 : vector<2x256xi1>
    %not3A_423 = arith.constant dense<true> : vector<2x256xi1>
    %not3A_424 = arith.xori %or3A_414, %not3A_423 : vector<2x256xi1>
    %not3A_425 = arith.constant dense<true> : vector<2x256xi1>
    %not3A_426 = arith.xori %and3A_422, %not3A_425 : vector<2x256xi1>
    %and3A_427 = arith.andi %not3A_424, %not3A_426 : vector<2x256xi1>
    %lt3A_428 = arith.cmpf olt, %slice3A_370, %select_n3A_400 : vector<2x256xf32>
    %eq3A_429 = arith.cmpf oeq, %slice3A_370, %select_n3A_400 : vector<2x256xf32>
    %lt3A_430 = arith.cmpf olt, %slice3A_371, %select_n3A_403 : vector<2x256xf32>
    %and3A_431 = arith.andi %eq3A_429, %lt3A_430 : vector<2x256xi1>
    %or3A_432 = arith.ori %lt3A_428, %and3A_431 : vector<2x256xi1>
    %and3A_433 = arith.andi %and3A_427, %or3A_432 : vector<2x256xi1>
    %or3A_434 = arith.ori %or3A_414, %and3A_422 : vector<2x256xi1>
    %select_n3A_435 = arith.select %and3A_433, %slice3A_370, %select_n3A_400 : vector<2x256xi1>, vector<2x256xf32>
    %select_n3A_436 = arith.select %or3A_434, %select_n3A_405, %select_n3A_435 : vector<2x256xi1>, vector<2x256xf32>
    %or3A_437 = arith.ori %or3A_414, %and3A_422 : vector<2x256xi1>
    %select_n3A_438 = arith.select %and3A_433, %slice3A_371, %select_n3A_403 : vector<2x256xi1>, vector<2x256xf32>
    %select_n3A_439 = arith.select %or3A_437, %select_n3A_407, %select_n3A_438 : vector<2x256xi1>, vector<2x256xf32>
    %select_n3A_440 = arith.select %and3A_422, %slice3A_370, %select_n3A_405 : vector<2x256xi1>, vector<2x256xf32>
    %select_n3A_441 = arith.select %or3A_414, %select_n3A_408, %select_n3A_440 : vector<2x256xi1>, vector<2x256xf32>
    %select_n3A_442 = arith.select %and3A_422, %slice3A_371, %select_n3A_407 : vector<2x256xi1>, vector<2x256xf32>
    %select_n3A_443 = arith.select %or3A_414, %select_n3A_409, %select_n3A_442 : vector<2x256xi1>, vector<2x256xf32>
    %select_n3A_444 = arith.select %or3A_414, %slice3A_370, %select_n3A_408 : vector<2x256xi1>, vector<2x256xf32>
    %select_n3A_445 = arith.select %or3A_414, %slice3A_371, %select_n3A_409 : vector<2x256xi1>, vector<2x256xf32>
    %lt3A_446 = arith.cmpf olt, %slice3A_372, %select_n3A_444 : vector<2x256xf32>
    %eq3A_447 = arith.cmpf oeq, %slice3A_372, %select_n3A_444 : vector<2x256xf32>
    %lt3A_448 = arith.cmpf olt, %slice3A_373, %select_n3A_445 : vector<2x256xf32>
    %and3A_449 = arith.andi %eq3A_447, %lt3A_448 : vector<2x256xi1>
    %or3A_450 = arith.ori %lt3A_446, %and3A_449 : vector<2x256xi1>
    %not3A_451 = arith.constant dense<true> : vector<2x256xi1>
    %not3A_452 = arith.xori %or3A_450, %not3A_451 : vector<2x256xi1>
    %lt3A_453 = arith.cmpf olt, %slice3A_372, %select_n3A_441 : vector<2x256xf32>
    %eq3A_454 = arith.cmpf oeq, %slice3A_372, %select_n3A_441 : vector<2x256xf32>
    %lt3A_455 = arith.cmpf olt, %slice3A_373, %select_n3A_443 : vector<2x256xf32>
    %and3A_456 = arith.andi %eq3A_454, %lt3A_455 : vector<2x256xi1>
    %or3A_457 = arith.ori %lt3A_453, %and3A_456 : vector<2x256xi1>
    %and3A_458 = arith.andi %not3A_452, %or3A_457 : vector<2x256xi1>
    %not3A_459 = arith.constant dense<true> : vector<2x256xi1>
    %not3A_460 = arith.xori %or3A_450, %not3A_459 : vector<2x256xi1>
    %not3A_461 = arith.constant dense<true> : vector<2x256xi1>
    %not3A_462 = arith.xori %and3A_458, %not3A_461 : vector<2x256xi1>
    %and3A_463 = arith.andi %not3A_460, %not3A_462 : vector<2x256xi1>
    %lt3A_464 = arith.cmpf olt, %slice3A_372, %select_n3A_436 : vector<2x256xf32>
    %eq3A_465 = arith.cmpf oeq, %slice3A_372, %select_n3A_436 : vector<2x256xf32>
    %lt3A_466 = arith.cmpf olt, %slice3A_373, %select_n3A_439 : vector<2x256xf32>
    %and3A_467 = arith.andi %eq3A_465, %lt3A_466 : vector<2x256xi1>
    %or3A_468 = arith.ori %lt3A_464, %and3A_467 : vector<2x256xi1>
    %and3A_469 = arith.andi %and3A_463, %or3A_468 : vector<2x256xi1>
    %or3A_470 = arith.ori %or3A_450, %and3A_458 : vector<2x256xi1>
    %select_n3A_471 = arith.select %and3A_469, %slice3A_372, %select_n3A_436 : vector<2x256xi1>, vector<2x256xf32>
    %select_n3A_472 = arith.select %or3A_470, %select_n3A_441, %select_n3A_471 : vector<2x256xi1>, vector<2x256xf32>
    %or3A_473 = arith.ori %or3A_450, %and3A_458 : vector<2x256xi1>
    %select_n3A_474 = arith.select %and3A_469, %slice3A_373, %select_n3A_439 : vector<2x256xi1>, vector<2x256xf32>
    %select_n3A_475 = arith.select %or3A_473, %select_n3A_443, %select_n3A_474 : vector<2x256xi1>, vector<2x256xf32>
    %select_n3A_476 = arith.select %and3A_458, %slice3A_372, %select_n3A_441 : vector<2x256xi1>, vector<2x256xf32>
    %select_n3A_477 = arith.select %or3A_450, %select_n3A_444, %select_n3A_476 : vector<2x256xi1>, vector<2x256xf32>
    %select_n3A_478 = arith.select %and3A_458, %slice3A_373, %select_n3A_443 : vector<2x256xi1>, vector<2x256xf32>
    %select_n3A_479 = arith.select %or3A_450, %select_n3A_445, %select_n3A_478 : vector<2x256xi1>, vector<2x256xf32>
    %select_n3A_480 = arith.select %or3A_450, %slice3A_372, %select_n3A_444 : vector<2x256xi1>, vector<2x256xf32>
    %select_n3A_481 = arith.select %or3A_450, %slice3A_373, %select_n3A_445 : vector<2x256xi1>, vector<2x256xf32>
    %slice3A_482 = vector.extract_strided_slice %select_n3A_480 {offsets = [0, 0], sizes = [1, 256], strides = [1, 1]} : vector<2x256xf32> to vector<1x256xf32>
    %slice3A_483 = vector.extract_strided_slice %select_n3A_481 {offsets = [0, 0], sizes = [1, 256], strides = [1, 1]} : vector<2x256xf32> to vector<1x256xf32>
    %slice3A_484 = vector.extract_strided_slice %select_n3A_477 {offsets = [0, 0], sizes = [1, 256], strides = [1, 1]} : vector<2x256xf32> to vector<1x256xf32>
    %slice3A_485 = vector.extract_strided_slice %select_n3A_479 {offsets = [0, 0], sizes = [1, 256], strides = [1, 1]} : vector<2x256xf32> to vector<1x256xf32>
    %slice3A_486 = vector.extract_strided_slice %select_n3A_472 {offsets = [0, 0], sizes = [1, 256], strides = [1, 1]} : vector<2x256xf32> to vector<1x256xf32>
    %slice3A_487 = vector.extract_strided_slice %select_n3A_475 {offsets = [0, 0], sizes = [1, 256], strides = [1, 1]} : vector<2x256xf32> to vector<1x256xf32>
    %slice3A_488 = vector.extract_strided_slice %select_n3A_480 {offsets = [1, 0], sizes = [1, 256], strides = [1, 1]} : vector<2x256xf32> to vector<1x256xf32>
    %slice3A_489 = vector.extract_strided_slice %select_n3A_481 {offsets = [1, 0], sizes = [1, 256], strides = [1, 1]} : vector<2x256xf32> to vector<1x256xf32>
    %slice3A_490 = vector.extract_strided_slice %select_n3A_477 {offsets = [1, 0], sizes = [1, 256], strides = [1, 1]} : vector<2x256xf32> to vector<1x256xf32>
    %slice3A_491 = vector.extract_strided_slice %select_n3A_479 {offsets = [1, 0], sizes = [1, 256], strides = [1, 1]} : vector<2x256xf32> to vector<1x256xf32>
    %slice3A_492 = vector.extract_strided_slice %select_n3A_472 {offsets = [1, 0], sizes = [1, 256], strides = [1, 1]} : vector<2x256xf32> to vector<1x256xf32>
    %slice3A_493 = vector.extract_strided_slice %select_n3A_475 {offsets = [1, 0], sizes = [1, 256], strides = [1, 1]} : vector<2x256xf32> to vector<1x256xf32>
    %lt3A_494 = arith.cmpf olt, %slice3A_488, %slice3A_482 : vector<1x256xf32>
    %eq3A_495 = arith.cmpf oeq, %slice3A_488, %slice3A_482 : vector<1x256xf32>
    %lt3A_496 = arith.cmpf olt, %slice3A_489, %slice3A_483 : vector<1x256xf32>
    %and3A_497 = arith.andi %eq3A_495, %lt3A_496 : vector<1x256xi1>
    %or3A_498 = arith.ori %lt3A_494, %and3A_497 : vector<1x256xi1>
    %not3A_499 = arith.constant dense<true> : vector<1x256xi1>
    %not3A_500 = arith.xori %or3A_498, %not3A_499 : vector<1x256xi1>
    %lt3A_501 = arith.cmpf olt, %slice3A_488, %slice3A_484 : vector<1x256xf32>
    %eq3A_502 = arith.cmpf oeq, %slice3A_488, %slice3A_484 : vector<1x256xf32>
    %lt3A_503 = arith.cmpf olt, %slice3A_489, %slice3A_485 : vector<1x256xf32>
    %and3A_504 = arith.andi %eq3A_502, %lt3A_503 : vector<1x256xi1>
    %or3A_505 = arith.ori %lt3A_501, %and3A_504 : vector<1x256xi1>
    %and3A_506 = arith.andi %not3A_500, %or3A_505 : vector<1x256xi1>
    %not3A_507 = arith.constant dense<true> : vector<1x256xi1>
    %not3A_508 = arith.xori %or3A_498, %not3A_507 : vector<1x256xi1>
    %not3A_509 = arith.constant dense<true> : vector<1x256xi1>
    %not3A_510 = arith.xori %and3A_506, %not3A_509 : vector<1x256xi1>
    %and3A_511 = arith.andi %not3A_508, %not3A_510 : vector<1x256xi1>
    %lt3A_512 = arith.cmpf olt, %slice3A_488, %slice3A_486 : vector<1x256xf32>
    %eq3A_513 = arith.cmpf oeq, %slice3A_488, %slice3A_486 : vector<1x256xf32>
    %lt3A_514 = arith.cmpf olt, %slice3A_489, %slice3A_487 : vector<1x256xf32>
    %and3A_515 = arith.andi %eq3A_513, %lt3A_514 : vector<1x256xi1>
    %or3A_516 = arith.ori %lt3A_512, %and3A_515 : vector<1x256xi1>
    %and3A_517 = arith.andi %and3A_511, %or3A_516 : vector<1x256xi1>
    %or3A_518 = arith.ori %or3A_498, %and3A_506 : vector<1x256xi1>
    %select_n3A_519 = arith.select %and3A_517, %slice3A_488, %slice3A_486 : vector<1x256xi1>, vector<1x256xf32>
    %select_n3A_520 = arith.select %or3A_518, %slice3A_484, %select_n3A_519 : vector<1x256xi1>, vector<1x256xf32>
    %or3A_521 = arith.ori %or3A_498, %and3A_506 : vector<1x256xi1>
    %select_n3A_522 = arith.select %and3A_517, %slice3A_489, %slice3A_487 : vector<1x256xi1>, vector<1x256xf32>
    %select_n3A_523 = arith.select %or3A_521, %slice3A_485, %select_n3A_522 : vector<1x256xi1>, vector<1x256xf32>
    %select_n3A_524 = arith.select %and3A_506, %slice3A_488, %slice3A_484 : vector<1x256xi1>, vector<1x256xf32>
    %select_n3A_525 = arith.select %or3A_498, %slice3A_482, %select_n3A_524 : vector<1x256xi1>, vector<1x256xf32>
    %select_n3A_526 = arith.select %and3A_506, %slice3A_489, %slice3A_485 : vector<1x256xi1>, vector<1x256xf32>
    %select_n3A_527 = arith.select %or3A_498, %slice3A_483, %select_n3A_526 : vector<1x256xi1>, vector<1x256xf32>
    %select_n3A_528 = arith.select %or3A_498, %slice3A_488, %slice3A_482 : vector<1x256xi1>, vector<1x256xf32>
    %select_n3A_529 = arith.select %or3A_498, %slice3A_489, %slice3A_483 : vector<1x256xi1>, vector<1x256xf32>
    %lt3A_530 = arith.cmpf olt, %slice3A_490, %select_n3A_528 : vector<1x256xf32>
    %eq3A_531 = arith.cmpf oeq, %slice3A_490, %select_n3A_528 : vector<1x256xf32>
    %lt3A_532 = arith.cmpf olt, %slice3A_491, %select_n3A_529 : vector<1x256xf32>
    %and3A_533 = arith.andi %eq3A_531, %lt3A_532 : vector<1x256xi1>
    %or3A_534 = arith.ori %lt3A_530, %and3A_533 : vector<1x256xi1>
    %not3A_535 = arith.constant dense<true> : vector<1x256xi1>
    %not3A_536 = arith.xori %or3A_534, %not3A_535 : vector<1x256xi1>
    %lt3A_537 = arith.cmpf olt, %slice3A_490, %select_n3A_525 : vector<1x256xf32>
    %eq3A_538 = arith.cmpf oeq, %slice3A_490, %select_n3A_525 : vector<1x256xf32>
    %lt3A_539 = arith.cmpf olt, %slice3A_491, %select_n3A_527 : vector<1x256xf32>
    %and3A_540 = arith.andi %eq3A_538, %lt3A_539 : vector<1x256xi1>
    %or3A_541 = arith.ori %lt3A_537, %and3A_540 : vector<1x256xi1>
    %and3A_542 = arith.andi %not3A_536, %or3A_541 : vector<1x256xi1>
    %not3A_543 = arith.constant dense<true> : vector<1x256xi1>
    %not3A_544 = arith.xori %or3A_534, %not3A_543 : vector<1x256xi1>
    %not3A_545 = arith.constant dense<true> : vector<1x256xi1>
    %not3A_546 = arith.xori %and3A_542, %not3A_545 : vector<1x256xi1>
    %and3A_547 = arith.andi %not3A_544, %not3A_546 : vector<1x256xi1>
    %lt3A_548 = arith.cmpf olt, %slice3A_490, %select_n3A_520 : vector<1x256xf32>
    %eq3A_549 = arith.cmpf oeq, %slice3A_490, %select_n3A_520 : vector<1x256xf32>
    %lt3A_550 = arith.cmpf olt, %slice3A_491, %select_n3A_523 : vector<1x256xf32>
    %and3A_551 = arith.andi %eq3A_549, %lt3A_550 : vector<1x256xi1>
    %or3A_552 = arith.ori %lt3A_548, %and3A_551 : vector<1x256xi1>
    %and3A_553 = arith.andi %and3A_547, %or3A_552 : vector<1x256xi1>
    %or3A_554 = arith.ori %or3A_534, %and3A_542 : vector<1x256xi1>
    %select_n3A_555 = arith.select %and3A_553, %slice3A_490, %select_n3A_520 : vector<1x256xi1>, vector<1x256xf32>
    %select_n3A_556 = arith.select %or3A_554, %select_n3A_525, %select_n3A_555 : vector<1x256xi1>, vector<1x256xf32>
    %or3A_557 = arith.ori %or3A_534, %and3A_542 : vector<1x256xi1>
    %select_n3A_558 = arith.select %and3A_553, %slice3A_491, %select_n3A_523 : vector<1x256xi1>, vector<1x256xf32>
    %select_n3A_559 = arith.select %or3A_557, %select_n3A_527, %select_n3A_558 : vector<1x256xi1>, vector<1x256xf32>
    %select_n3A_560 = arith.select %and3A_542, %slice3A_490, %select_n3A_525 : vector<1x256xi1>, vector<1x256xf32>
    %select_n3A_561 = arith.select %or3A_534, %select_n3A_528, %select_n3A_560 : vector<1x256xi1>, vector<1x256xf32>
    %select_n3A_562 = arith.select %and3A_542, %slice3A_491, %select_n3A_527 : vector<1x256xi1>, vector<1x256xf32>
    %select_n3A_563 = arith.select %or3A_534, %select_n3A_529, %select_n3A_562 : vector<1x256xi1>, vector<1x256xf32>
    %select_n3A_564 = arith.select %or3A_534, %slice3A_490, %select_n3A_528 : vector<1x256xi1>, vector<1x256xf32>
    %select_n3A_565 = arith.select %or3A_534, %slice3A_491, %select_n3A_529 : vector<1x256xi1>, vector<1x256xf32>
    %lt3A_566 = arith.cmpf olt, %slice3A_492, %select_n3A_564 : vector<1x256xf32>
    %eq3A_567 = arith.cmpf oeq, %slice3A_492, %select_n3A_564 : vector<1x256xf32>
    %lt3A_568 = arith.cmpf olt, %slice3A_493, %select_n3A_565 : vector<1x256xf32>
    %and3A_569 = arith.andi %eq3A_567, %lt3A_568 : vector<1x256xi1>
    %or3A_570 = arith.ori %lt3A_566, %and3A_569 : vector<1x256xi1>
    %not3A_571 = arith.constant dense<true> : vector<1x256xi1>
    %not3A_572 = arith.xori %or3A_570, %not3A_571 : vector<1x256xi1>
    %lt3A_573 = arith.cmpf olt, %slice3A_492, %select_n3A_561 : vector<1x256xf32>
    %eq3A_574 = arith.cmpf oeq, %slice3A_492, %select_n3A_561 : vector<1x256xf32>
    %lt3A_575 = arith.cmpf olt, %slice3A_493, %select_n3A_563 : vector<1x256xf32>
    %and3A_576 = arith.andi %eq3A_574, %lt3A_575 : vector<1x256xi1>
    %or3A_577 = arith.ori %lt3A_573, %and3A_576 : vector<1x256xi1>
    %and3A_578 = arith.andi %not3A_572, %or3A_577 : vector<1x256xi1>
    %not3A_579 = arith.constant dense<true> : vector<1x256xi1>
    %not3A_580 = arith.xori %or3A_570, %not3A_579 : vector<1x256xi1>
    %not3A_581 = arith.constant dense<true> : vector<1x256xi1>
    %not3A_582 = arith.xori %and3A_578, %not3A_581 : vector<1x256xi1>
    %and3A_583 = arith.andi %not3A_580, %not3A_582 : vector<1x256xi1>
    %lt3A_584 = arith.cmpf olt, %slice3A_492, %select_n3A_556 : vector<1x256xf32>
    %eq3A_585 = arith.cmpf oeq, %slice3A_492, %select_n3A_556 : vector<1x256xf32>
    %lt3A_586 = arith.cmpf olt, %slice3A_493, %select_n3A_559 : vector<1x256xf32>
    %and3A_587 = arith.andi %eq3A_585, %lt3A_586 : vector<1x256xi1>
    %or3A_588 = arith.ori %lt3A_584, %and3A_587 : vector<1x256xi1>
    %and3A_589 = arith.andi %and3A_583, %or3A_588 : vector<1x256xi1>
    %or3A_590 = arith.ori %or3A_570, %and3A_578 : vector<1x256xi1>
    %select_n3A_591 = arith.select %and3A_589, %slice3A_492, %select_n3A_556 : vector<1x256xi1>, vector<1x256xf32>
    %select_n3A_592 = arith.select %or3A_590, %select_n3A_561, %select_n3A_591 : vector<1x256xi1>, vector<1x256xf32>
    %or3A_593 = arith.ori %or3A_570, %and3A_578 : vector<1x256xi1>
    %select_n3A_594 = arith.select %and3A_589, %slice3A_493, %select_n3A_559 : vector<1x256xi1>, vector<1x256xf32>
    %select_n3A_595 = arith.select %or3A_593, %select_n3A_563, %select_n3A_594 : vector<1x256xi1>, vector<1x256xf32>
    %select_n3A_596 = arith.select %and3A_578, %slice3A_492, %select_n3A_561 : vector<1x256xi1>, vector<1x256xf32>
    %select_n3A_597 = arith.select %or3A_570, %select_n3A_564, %select_n3A_596 : vector<1x256xi1>, vector<1x256xf32>
    %select_n3A_598 = arith.select %and3A_578, %slice3A_493, %select_n3A_563 : vector<1x256xi1>, vector<1x256xf32>
    %select_n3A_599 = arith.select %or3A_570, %select_n3A_565, %select_n3A_598 : vector<1x256xi1>, vector<1x256xf32>
    %select_n3A_600 = arith.select %or3A_570, %slice3A_492, %select_n3A_564 : vector<1x256xi1>, vector<1x256xf32>
    %select_n3A_601 = arith.select %or3A_570, %slice3A_493, %select_n3A_565 : vector<1x256xi1>, vector<1x256xf32>
    %add3A_602 = arith.constant 9.99999993E-9 : f32
    %add3A_603 = vector.broadcast %add3A_602 : f32 to vector<1x256xf32>
    %add3A_604 = arith.addf %select_n3A_600, %add3A_603 : vector<1x256xf32>
    %div3A = arith.constant 1.000000e+00 : f32
    %div3A_605 = vector.broadcast %div3A : f32 to vector<1x256xf32>
    %div3A_606 = arith.divf %div3A_605, %add3A_604 : vector<1x256xf32>
    %add3A_607 = arith.constant 9.99999993E-9 : f32
    %add3A_608 = vector.broadcast %add3A_607 : f32 to vector<1x256xf32>
    %add3A_609 = arith.addf %select_n3A_597, %add3A_608 : vector<1x256xf32>
    %div3A_610 = arith.constant 1.000000e+00 : f32
    %div3A_611 = vector.broadcast %div3A_610 : f32 to vector<1x256xf32>
    %div3A_612 = arith.divf %div3A_611, %add3A_609 : vector<1x256xf32>
    %add3A_613 = arith.constant 9.99999993E-9 : f32
    %add3A_614 = vector.broadcast %add3A_613 : f32 to vector<1x256xf32>
    %add3A_615 = arith.addf %select_n3A_592, %add3A_614 : vector<1x256xf32>
    %div3A_616 = arith.constant 1.000000e+00 : f32
    %div3A_617 = vector.broadcast %div3A_616 : f32 to vector<1x256xf32>
    %div3A_618 = arith.divf %div3A_617, %add3A_615 : vector<1x256xf32>
    %add3A_619 = arith.addf %div3A_606, %div3A_612 : vector<1x256xf32>
    %add3A_620 = arith.addf %add3A_619, %div3A_618 : vector<1x256xf32>
    %div3A_621 = arith.divf %div3A_606, %add3A_620 : vector<1x256xf32>
    %div3A_622 = arith.divf %div3A_612, %add3A_620 : vector<1x256xf32>
    %div3A_623 = arith.divf %div3A_618, %add3A_620 : vector<1x256xf32>
    %iota3A_624 = tpu.iota {dimensions = array<i32: 0>} : vector<64x256xi32>
    %convert_element_type3A_625 = arith.sitofp %iota3A_624 : vector<64x256xi32> to vector<64x256xf32>
    %mul3A_626 = arith.constant 0.000000e+00 : f32
    %mul3A_627 = vector.broadcast %mul3A_626 : f32 to vector<64x256xf32>
    %mul3A_628 = arith.mulf %transpose3A, %mul3A_627 : vector<64x256xf32>
    %add3A_629 = arith.addf %convert_element_type3A_625, %mul3A_628 : vector<64x256xf32>
    %eq3A_630 = vector.broadcast %select_n3A_601 : vector<1x256xf32> to vector<64x256xf32>
    %eq3A_631 = arith.cmpf oeq, %add3A_629, %eq3A_630 : vector<64x256xf32>
    %jit3A = arith.constant 0.000000e+00 : f32
    %broadcast_in_dim3A = vector.shape_cast %div3A_621 : vector<1x256xf32> to vector<1x256xf32>
    %broadcast_in_dim3A_632 = vector.broadcast %broadcast_in_dim3A : vector<1x256xf32> to vector<64x256xf32>
    %broadcast_in_dim3A_633 = vector.broadcast %jit3A : f32 to vector<64x256xf32>
    %select_n3A_634 = arith.select %eq3A_631, %broadcast_in_dim3A_632, %broadcast_in_dim3A_633 : vector<64x256xi1>, vector<64x256xf32>
    %eq3A_635 = vector.broadcast %select_n3A_599 : vector<1x256xf32> to vector<64x256xf32>
    %eq3A_636 = arith.cmpf oeq, %add3A_629, %eq3A_635 : vector<64x256xf32>
    %jit3A_637 = arith.constant 0.000000e+00 : f32
    %broadcast_in_dim3A_638 = vector.shape_cast %div3A_622 : vector<1x256xf32> to vector<1x256xf32>
    %broadcast_in_dim3A_639 = vector.broadcast %broadcast_in_dim3A_638 : vector<1x256xf32> to vector<64x256xf32>
    %broadcast_in_dim3A_640 = vector.broadcast %jit3A_637 : f32 to vector<64x256xf32>
    %select_n3A_641 = arith.select %eq3A_636, %broadcast_in_dim3A_639, %broadcast_in_dim3A_640 : vector<64x256xi1>, vector<64x256xf32>
    %add3A_642 = arith.addf %select_n3A_634, %select_n3A_641 : vector<64x256xf32>
    %eq3A_643 = vector.broadcast %select_n3A_595 : vector<1x256xf32> to vector<64x256xf32>
    %eq3A_644 = arith.cmpf oeq, %add3A_629, %eq3A_643 : vector<64x256xf32>
    %jit3A_645 = arith.constant 0.000000e+00 : f32
    %broadcast_in_dim3A_646 = vector.shape_cast %div3A_623 : vector<1x256xf32> to vector<1x256xf32>
    %broadcast_in_dim3A_647 = vector.broadcast %broadcast_in_dim3A_646 : vector<1x256xf32> to vector<64x256xf32>
    %broadcast_in_dim3A_648 = vector.broadcast %jit3A_645 : f32 to vector<64x256xf32>
    %select_n3A_649 = arith.select %eq3A_644, %broadcast_in_dim3A_647, %broadcast_in_dim3A_648 : vector<64x256xi1>, vector<64x256xf32>
    %add3A_650 = arith.addf %add3A_642, %select_n3A_649 : vector<64x256xf32>
    %get3A_651 = arith.constant 0 : index
    %get3A_652 = arith.constant 0 : index
    %get3A_653 = arith.constant 0 : index
    %get3A_654 = vector.load %arg2[%get3A_651, %get3A_652, %get3A_653] : memref<1x64x128xf32, #tpu.memory_space<vmem>>, vector<1x64x128xf32>
    %get3A_655 = vector.shape_cast %get3A_654 : vector<1x64x128xf32> to vector<64x128xf32>
    %dot_general3A = arith.constant dense<0.000000e+00> : vector<256x128xf32>
    %dot_general3A_656 = tpu.matmul %add3A_650, %get3A_655, %dot_general3A {dimension_numbers = #tpu.dot_dimension_numbers<[0], [0], [1], [1], [0, 1, 1, 1], [], []>, precision = #tpu.contract_precision<fp32>, transpose_lhs_hint = false} : vector<64x256xf32>, vector<64x128xf32>, vector<256x128xf32> -> vector<256x128xf32>
    %get3A_657 = arith.constant 0 : index
    %get3A_658 = arith.constant 0 : index
    %get3A_659 = arith.constant 0 : index
    %get3A_660 = vector.load %arg3[%get3A_657, %get3A_658, %get3A_659] : memref<1x256x64xf32, #tpu.memory_space<vmem>>, vector<1x256x64xf32>
    %get3A_661 = vector.shape_cast %get3A_660 : vector<1x256x64xf32> to vector<256x64xf32>
    %concatenate3A = tpu.concatenate %get3A_661, %dot_general3A_656 in 1 : vector<256x64xf32>, vector<256x128xf32> -> vector<256x192xf32>
    %get3A_662 = arith.constant 0 : index
    %get3A_663 = arith.constant 0 : index
    %get3A_664 = vector.load %arg4[%get3A_662, %get3A_663] : memref<192x128xf32, #tpu.memory_space<vmem>>, vector<192x128xf32>
    %get3A_665 = arith.constant 0 : index
    %get3A_666 = arith.constant 0 : index
    %get3A_667 = vector.load %arg5[%get3A_665, %get3A_666] : memref<1x128xf32, #tpu.memory_space<vmem>>, vector<1x128xf32>
    %get3A_668 = arith.constant 0 : index
    %get3A_669 = arith.constant 0 : index
    %get3A_670 = vector.load %arg6[%get3A_668, %get3A_669] : memref<1x128xf32, #tpu.memory_space<vmem>>, vector<1x128xf32>
    %get3A_671 = arith.constant 0 : index
    %get3A_672 = arith.constant 0 : index
    %get3A_673 = vector.load %arg7[%get3A_671, %get3A_672] : memref<1x128xf32, #tpu.memory_space<vmem>>, vector<1x128xf32>
    %get3A_674 = arith.constant 0 : index
    %get3A_675 = arith.constant 0 : index
    %get3A_676 = vector.load %arg8[%get3A_674, %get3A_675] : memref<1x128xf32, #tpu.memory_space<vmem>>, vector<1x128xf32>
    %get3A_677 = arith.constant 0 : index
    %get3A_678 = arith.constant 0 : index
    %get3A_679 = vector.load %arg9[%get3A_677, %get3A_678] : memref<1x128xf32, #tpu.memory_space<vmem>>, vector<1x128xf32>
    %dot_general3A_680 = arith.constant dense<0.000000e+00> : vector<256x128xf32>
    %dot_general3A_681 = tpu.matmul %concatenate3A, %get3A_664, %dot_general3A_680 {dimension_numbers = #tpu.dot_dimension_numbers<[1], [0], [0], [1], [0, 0, 1, 1], [], []>, transpose_lhs_hint = false} : vector<256x192xf32>, vector<192x128xf32>, vector<256x128xf32> -> vector<256x128xf32>
    %add3A_682 = vector.broadcast %get3A_667 : vector<1x128xf32> to vector<256x128xf32>
    %add3A_683 = arith.addf %dot_general3A_681, %add3A_682 : vector<256x128xf32>
    %sub3A = vector.broadcast %get3A_670 : vector<1x128xf32> to vector<256x128xf32>
    %sub3A_684 = arith.subf %add3A_683, %sub3A : vector<256x128xf32>
    %div3A_685 = vector.broadcast %get3A_673 : vector<1x128xf32> to vector<256x128xf32>
    %div3A_686 = arith.divf %sub3A_684, %div3A_685 : vector<256x128xf32>
    %mul3A_687 = vector.broadcast %get3A_676 : vector<1x128xf32> to vector<256x128xf32>
    %mul3A_688 = arith.mulf %div3A_686, %mul3A_687 : vector<256x128xf32>
    %add3A_689 = vector.broadcast %get3A_679 : vector<1x128xf32> to vector<256x128xf32>
    %add3A_690 = arith.addf %mul3A_688, %add3A_689 : vector<256x128xf32>
    %max3A = arith.constant 0.000000e+00 : f32
    %max3A_691 = vector.broadcast %max3A : f32 to vector<256x128xf32>
    %max3A_692 = arith.maximumf %add3A_690, %max3A_691 : vector<256x128xf32>
    %get3A_693 = arith.constant 0 : index
    %get3A_694 = arith.constant 0 : index
    %get3A_695 = vector.load %arg10[%get3A_693, %get3A_694] : memref<128x128xf32, #tpu.memory_space<vmem>>, vector<128x128xf32>
    %get3A_696 = arith.constant 0 : index
    %get3A_697 = arith.constant 0 : index
    %get3A_698 = vector.load %arg11[%get3A_696, %get3A_697] : memref<1x128xf32, #tpu.memory_space<vmem>>, vector<1x128xf32>
    %get3A_699 = arith.constant 0 : index
    %get3A_700 = arith.constant 0 : index
    %get3A_701 = vector.load %arg12[%get3A_699, %get3A_700] : memref<1x128xf32, #tpu.memory_space<vmem>>, vector<1x128xf32>
    %get3A_702 = arith.constant 0 : index
    %get3A_703 = arith.constant 0 : index
    %get3A_704 = vector.load %arg13[%get3A_702, %get3A_703] : memref<1x128xf32, #tpu.memory_space<vmem>>, vector<1x128xf32>
    %get3A_705 = arith.constant 0 : index
    %get3A_706 = arith.constant 0 : index
    %get3A_707 = vector.load %arg14[%get3A_705, %get3A_706] : memref<1x128xf32, #tpu.memory_space<vmem>>, vector<1x128xf32>
    %get3A_708 = arith.constant 0 : index
    %get3A_709 = arith.constant 0 : index
    %get3A_710 = vector.load %arg15[%get3A_708, %get3A_709] : memref<1x128xf32, #tpu.memory_space<vmem>>, vector<1x128xf32>
    %dot_general3A_711 = arith.constant dense<0.000000e+00> : vector<256x128xf32>
    %dot_general3A_712 = tpu.matmul %max3A_692, %get3A_695, %dot_general3A_711 {dimension_numbers = #tpu.dot_dimension_numbers<[1], [0], [0], [1], [0, 0, 1, 1], [], []>, transpose_lhs_hint = false} : vector<256x128xf32>, vector<128x128xf32>, vector<256x128xf32> -> vector<256x128xf32>
    %add3A_713 = vector.broadcast %get3A_698 : vector<1x128xf32> to vector<256x128xf32>
    %add3A_714 = arith.addf %dot_general3A_712, %add3A_713 : vector<256x128xf32>
    %sub3A_715 = vector.broadcast %get3A_701 : vector<1x128xf32> to vector<256x128xf32>
    %sub3A_716 = arith.subf %add3A_714, %sub3A_715 : vector<256x128xf32>
    %div3A_717 = vector.broadcast %get3A_704 : vector<1x128xf32> to vector<256x128xf32>
    %div3A_718 = arith.divf %sub3A_716, %div3A_717 : vector<256x128xf32>
    %mul3A_719 = vector.broadcast %get3A_707 : vector<1x128xf32> to vector<256x128xf32>
    %mul3A_720 = arith.mulf %div3A_718, %mul3A_719 : vector<256x128xf32>
    %add3A_721 = vector.broadcast %get3A_710 : vector<1x128xf32> to vector<256x128xf32>
    %add3A_722 = arith.addf %mul3A_720, %add3A_721 : vector<256x128xf32>
    %max3A_723 = arith.constant 0.000000e+00 : f32
    %max3A_724 = vector.broadcast %max3A_723 : f32 to vector<256x128xf32>
    %max3A_725 = arith.maximumf %add3A_722, %max3A_724 : vector<256x128xf32>
    %swap3A = arith.constant 0 : index
    %swap3A_726 = arith.constant 0 : index
    %swap3A_727 = arith.constant 0 : index
    %swap3A_728 = vector.load %arg16[%swap3A, %swap3A_726, %swap3A_727] : memref<1x256x128xf32, #tpu.memory_space<vmem>>, vector<1x256x128xf32>
    %swap3A_729 = vector.shape_cast %swap3A_728 : vector<1x256x128xf32> to vector<256x128xf32>
    %swap3A_730 = vector.shape_cast %max3A_725 : vector<256x128xf32> to vector<1x256x128xf32>
    tpu.vector_store %arg16[%swap3A, %swap3A_726, %swap3A_727], %swap3A_730 {strides = array<i32>} : memref<1x256x128xf32, #tpu.memory_space<vmem>>, vector<1x256x128xf32>,
    return
  }
  func.func @transform_0(%arg0: i32) -> (i32, i32, i32) {
    %c0_i32 = arith.constant 0 : i32
    %c0_i32_0 = arith.constant 0 : i32
    %c0_i32_1 = arith.constant 0 : i32
    return %arg0, %c0_i32, %c0_i32_0 : i32, i32, i32
  }
  func.func @transform_1(%arg0: i32) -> (i32, i32, i32) {
    %c0_i32 = arith.constant 0 : i32
    %c0_i32_0 = arith.constant 0 : i32
    %c0_i32_1 = arith.constant 0 : i32
    return %arg0, %c0_i32, %c0_i32_0 : i32, i32, i32
  }
  func.func @transform_2(%arg0: i32) -> (i32, i32, i32) {
    %c0_i32 = arith.constant 0 : i32
    %c0_i32_0 = arith.constant 0 : i32
    %c0_i32_1 = arith.constant 0 : i32
    return %arg0, %c0_i32, %c0_i32_0 : i32, i32, i32
  }
  func.func @transform_3(%arg0: i32) -> (i32, i32) {
    %c0_i32 = arith.constant 0 : i32
    %c0_i32_0 = arith.constant 0 : i32
    %c0_i32_1 = arith.constant 0 : i32
    return %c0_i32, %c0_i32_0 : i32, i32
  }
  func.func @transform_4(%arg0: i32) -> (i32, i32) {
    %c0_i32 = arith.constant 0 : i32
    %c0_i32_0 = arith.constant 0 : i32
    %c0_i32_1 = arith.constant 0 : i32
    return %c0_i32, %c0_i32_0 : i32, i32
  }
  func.func @transform_5(%arg0: i32) -> (i32, i32) {
    %c0_i32 = arith.constant 0 : i32
    %c0_i32_0 = arith.constant 0 : i32
    %c0_i32_1 = arith.constant 0 : i32
    return %c0_i32, %c0_i32_0 : i32, i32
  }
  func.func @transform_6(%arg0: i32) -> (i32, i32) {
    %c0_i32 = arith.constant 0 : i32
    %c0_i32_0 = arith.constant 0 : i32
    %c0_i32_1 = arith.constant 0 : i32
    return %c0_i32, %c0_i32_0 : i32, i32
  }
  func.func @transform_7(%arg0: i32) -> (i32, i32) {
    %c0_i32 = arith.constant 0 : i32
    %c0_i32_0 = arith.constant 0 : i32
    %c0_i32_1 = arith.constant 0 : i32
    return %c0_i32, %c0_i32_0 : i32, i32
  }
  func.func @transform_8(%arg0: i32) -> (i32, i32) {
    %c0_i32 = arith.constant 0 : i32
    %c0_i32_0 = arith.constant 0 : i32
    %c0_i32_1 = arith.constant 0 : i32
    return %c0_i32, %c0_i32_0 : i32, i32
  }
  func.func @transform_9(%arg0: i32) -> (i32, i32) {
    %c0_i32 = arith.constant 0 : i32
    %c0_i32_0 = arith.constant 0 : i32
    %c0_i32_1 = arith.constant 0 : i32
    return %c0_i32, %c0_i32_0 : i32, i32
  }
  func.func @transform_10(%arg0: i32) -> (i32, i32) {
    %c0_i32 = arith.constant 0 : i32
    %c0_i32_0 = arith.constant 0 : i32
    %c0_i32_1 = arith.constant 0 : i32
    return %c0_i32, %c0_i32_0 : i32, i32
  }
  func.func @transform_11(%arg0: i32) -> (i32, i32) {
    %c0_i32 = arith.constant 0 : i32
    %c0_i32_0 = arith.constant 0 : i32
    %c0_i32_1 = arith.constant 0 : i32
    return %c0_i32, %c0_i32_0 : i32, i32
  }
  func.func @transform_12(%arg0: i32) -> (i32, i32) {
    %c0_i32 = arith.constant 0 : i32
    %c0_i32_0 = arith.constant 0 : i32
    %c0_i32_1 = arith.constant 0 : i32
    return %c0_i32, %c0_i32_0 : i32, i32
  }
  func.func @transform_13(%arg0: i32) -> (i32, i32) {
    %c0_i32 = arith.constant 0 : i32
    %c0_i32_0 = arith.constant 0 : i32
    %c0_i32_1 = arith.constant 0 : i32
    return %c0_i32, %c0_i32_0 : i32, i32
  }
  func.func @transform_14(%arg0: i32) -> (i32, i32) {
    %c0_i32 = arith.constant 0 : i32
    %c0_i32_0 = arith.constant 0 : i32
    %c0_i32_1 = arith.constant 0 : i32
    return %c0_i32, %c0_i32_0 : i32, i32
  }
  func.func @transform_15(%arg0: i32) -> (i32, i32, i32) {
    %c0_i32 = arith.constant 0 : i32
    %c0_i32_0 = arith.constant 0 : i32
    %c0_i32_1 = arith.constant 0 : i32
    return %arg0, %c0_i32, %c0_i32_0 : i32, i32, i32
  }
}

module attributes {stable_mosaic.version = 14 : i64} {
  func.func @_fp_stage_kernel(%arg0: i32, %arg1: memref<1x4096x256xf32, #tpu.memory_space<vmem>>, %arg2: memref<1x256x128xf32, #tpu.memory_space<vmem>>, %arg3: memref<128x128xf32, #tpu.memory_space<vmem>>, %arg4: memref<1x128xf32, #tpu.memory_space<vmem>>, %arg5: memref<1x128xf32, #tpu.memory_space<vmem>>, %arg6: memref<1x128xf32, #tpu.memory_space<vmem>>, %arg7: memref<1x128xf32, #tpu.memory_space<vmem>>, %arg8: memref<1x128xf32, #tpu.memory_space<vmem>>, %arg9: memref<128x128xf32, #tpu.memory_space<vmem>>, %arg10: memref<1x128xf32, #tpu.memory_space<vmem>>, %arg11: memref<1x128xf32, #tpu.memory_space<vmem>>, %arg12: memref<1x128xf32, #tpu.memory_space<vmem>>, %arg13: memref<1x128xf32, #tpu.memory_space<vmem>>, %arg14: memref<1x128xf32, #tpu.memory_space<vmem>>, %arg15: memref<128x128xf32, #tpu.memory_space<vmem>>, %arg16: memref<1x128xf32, #tpu.memory_space<vmem>>, %arg17: memref<1x128xf32, #tpu.memory_space<vmem>>, %arg18: memref<1x128xf32, #tpu.memory_space<vmem>>, %arg19: memref<1x128xf32, #tpu.memory_space<vmem>>, %arg20: memref<1x128xf32, #tpu.memory_space<vmem>>, %arg21: memref<128x1xf32, #tpu.memory_space<vmem>>, %arg22: memref<1x1xf32, #tpu.memory_space<vmem>>, %arg23: memref<1x4096x1xf32, #tpu.memory_space<vmem>>) attributes {dimension_semantics = [#tpu.dimension_semantics<arbitrary>], iteration_bounds = array<i64: 16>, scalar_prefetch = 0 : i64, scratch_operands = 0 : i64, tpu.core_type = #tpu.core_type<tc>, window_params = [{transform_indices = @transform_0, window_bounds = array<i64: 1, 4096, 256>}, {transform_indices = @transform_1, window_bounds = array<i64: 1, 256, 128>}, {pipeline_mode = #tpu.pipeline_mode<synchronous>, transform_indices = @transform_2, window_bounds = array<i64: 128, 128>}, {pipeline_mode = #tpu.pipeline_mode<synchronous>, transform_indices = @transform_3, window_bounds = array<i64: 1, 128>}, {pipeline_mode = #tpu.pipeline_mode<synchronous>, transform_indices = @transform_4, window_bounds = array<i64: 1, 128>}, {pipeline_mode = #tpu.pipeline_mode<synchronous>, transform_indices = @transform_5, window_bounds = array<i64: 1, 128>}, {pipeline_mode = #tpu.pipeline_mode<synchronous>, transform_indices = @transform_6, window_bounds = array<i64: 1, 128>}, {pipeline_mode = #tpu.pipeline_mode<synchronous>, transform_indices = @transform_7, window_bounds = array<i64: 1, 128>}, {pipeline_mode = #tpu.pipeline_mode<synchronous>, transform_indices = @transform_8, window_bounds = array<i64: 128, 128>}, {pipeline_mode = #tpu.pipeline_mode<synchronous>, transform_indices = @transform_9, window_bounds = array<i64: 1, 128>}, {pipeline_mode = #tpu.pipeline_mode<synchronous>, transform_indices = @transform_10, window_bounds = array<i64: 1, 128>}, {pipeline_mode = #tpu.pipeline_mode<synchronous>, transform_indices = @transform_11, window_bounds = array<i64: 1, 128>}, {pipeline_mode = #tpu.pipeline_mode<synchronous>, transform_indices = @transform_12, window_bounds = array<i64: 1, 128>}, {pipeline_mode = #tpu.pipeline_mode<synchronous>, transform_indices = @transform_13, window_bounds = array<i64: 1, 128>}, {pipeline_mode = #tpu.pipeline_mode<synchronous>, transform_indices = @transform_14, window_bounds = array<i64: 128, 128>}, {pipeline_mode = #tpu.pipeline_mode<synchronous>, transform_indices = @transform_15, window_bounds = array<i64: 1, 128>}, {pipeline_mode = #tpu.pipeline_mode<synchronous>, transform_indices = @transform_16, window_bounds = array<i64: 1, 128>}, {pipeline_mode = #tpu.pipeline_mode<synchronous>, transform_indices = @transform_17, window_bounds = array<i64: 1, 128>}, {pipeline_mode = #tpu.pipeline_mode<synchronous>, transform_indices = @transform_18, window_bounds = array<i64: 1, 128>}, {pipeline_mode = #tpu.pipeline_mode<synchronous>, transform_indices = @transform_19, window_bounds = array<i64: 1, 128>}, {pipeline_mode = #tpu.pipeline_mode<synchronous>, transform_indices = @transform_20, window_bounds = array<i64: 128, 1>}, {pipeline_mode = #tpu.pipeline_mode<synchronous>, transform_indices = @transform_21, window_bounds = array<i64: 1, 1>}, {transform_indices = @transform_22, window_bounds = array<i64: 1, 4096, 1>}]} {
    %get3A = arith.constant 0 : index
    %get3A_0 = arith.constant 0 : index
    %get3A_1 = arith.constant 0 : index
    %get3A_2 = vector.load %arg1[%get3A, %get3A_0, %get3A_1] : memref<1x4096x256xf32, #tpu.memory_space<vmem>>, vector<1x4096x256xf32>
    %get3A_3 = vector.shape_cast %get3A_2 : vector<1x4096x256xf32> to vector<4096x256xf32>
    %transpose3A = tpu.transpose %get3A_3, [1, 0] : vector<4096x256xf32> -> vector<256x4096xf32>
    %slice3A = vector.extract_strided_slice %transpose3A {offsets = [0, 0], sizes = [8, 4096], strides = [1, 1]} : vector<256x4096xf32> to vector<8x4096xf32>
    %mul3A = arith.constant 0.000000e+00 : f32
    %mul3A_4 = vector.broadcast %mul3A : f32 to vector<8x4096xf32>
    %mul3A_5 = arith.mulf %slice3A, %mul3A_4 : vector<8x4096xf32>
    %iota3A = tpu.iota {dimensions = array<i32: 0>} : vector<8x4096xi32>
    %convert_element_type3A = arith.sitofp %iota3A : vector<8x4096xi32> to vector<8x4096xf32>
    %add3A = arith.addf %convert_element_type3A, %mul3A_5 : vector<8x4096xf32>
    %add3A_6 = arith.constant 1.000000e+30 : f32
    %add3A_7 = vector.broadcast %add3A_6 : f32 to vector<8x4096xf32>
    %add3A_8 = arith.addf %mul3A_5, %add3A_7 : vector<8x4096xf32>
    %add3A_9 = arith.constant 1.000000e+30 : f32
    %add3A_10 = vector.broadcast %add3A_9 : f32 to vector<8x4096xf32>
    %add3A_11 = arith.addf %mul3A_5, %add3A_10 : vector<8x4096xf32>
    %add3A_12 = arith.constant 1.000000e+30 : f32
    %add3A_13 = vector.broadcast %add3A_12 : f32 to vector<8x4096xf32>
    %add3A_14 = arith.addf %mul3A_5, %add3A_13 : vector<8x4096xf32>
    %add3A_15 = arith.constant 2.560000e+02 : f32
    %add3A_16 = vector.broadcast %add3A_15 : f32 to vector<8x4096xf32>
    %add3A_17 = arith.addf %mul3A_5, %add3A_16 : vector<8x4096xf32>
    %add3A_18 = arith.constant 2.560000e+02 : f32
    %add3A_19 = vector.broadcast %add3A_18 : f32 to vector<8x4096xf32>
    %add3A_20 = arith.addf %mul3A_5, %add3A_19 : vector<8x4096xf32>
    %add3A_21 = arith.constant 2.560000e+02 : f32
    %add3A_22 = vector.broadcast %add3A_21 : f32 to vector<8x4096xf32>
    %add3A_23 = arith.addf %mul3A_5, %add3A_22 : vector<8x4096xf32>
    %slice3A_24 = vector.extract_strided_slice %transpose3A {offsets = [0, 0], sizes = [8, 4096], strides = [1, 1]} : vector<256x4096xf32> to vector<8x4096xf32>
    %add3A_25 = arith.constant 0.000000e+00 : f32
    %add3A_26 = vector.broadcast %add3A_25 : f32 to vector<8x4096xf32>
    %add3A_27 = arith.addf %add3A, %add3A_26 : vector<8x4096xf32>
    %lt3A = arith.cmpf olt, %slice3A_24, %add3A_8 : vector<8x4096xf32>
    %not3A = arith.constant dense<true> : vector<8x4096xi1>
    %not3A_28 = arith.xori %lt3A, %not3A : vector<8x4096xi1>
    %lt3A_29 = arith.cmpf olt, %slice3A_24, %add3A_11 : vector<8x4096xf32>
    %and3A = arith.andi %not3A_28, %lt3A_29 : vector<8x4096xi1>
    %not3A_30 = arith.constant dense<true> : vector<8x4096xi1>
    %not3A_31 = arith.xori %lt3A, %not3A_30 : vector<8x4096xi1>
    %not3A_32 = arith.constant dense<true> : vector<8x4096xi1>
    %not3A_33 = arith.xori %and3A, %not3A_32 : vector<8x4096xi1>
    %and3A_34 = arith.andi %not3A_31, %not3A_33 : vector<8x4096xi1>
    %lt3A_35 = arith.cmpf olt, %slice3A_24, %add3A_14 : vector<8x4096xf32>
    %and3A_36 = arith.andi %and3A_34, %lt3A_35 : vector<8x4096xi1>
    %or3A = arith.ori %lt3A, %and3A : vector<8x4096xi1>
    %select_n3A = arith.select %and3A_36, %slice3A_24, %add3A_14 : vector<8x4096xi1>, vector<8x4096xf32>
    %select_n3A_37 = arith.select %or3A, %add3A_11, %select_n3A : vector<8x4096xi1>, vector<8x4096xf32>
    %or3A_38 = arith.ori %lt3A, %and3A : vector<8x4096xi1>
    %select_n3A_39 = arith.select %and3A_36, %add3A_27, %add3A_23 : vector<8x4096xi1>, vector<8x4096xf32>
    %select_n3A_40 = arith.select %or3A_38, %add3A_20, %select_n3A_39 : vector<8x4096xi1>, vector<8x4096xf32>
    %select_n3A_41 = arith.select %and3A, %slice3A_24, %add3A_11 : vector<8x4096xi1>, vector<8x4096xf32>
    %select_n3A_42 = arith.select %lt3A, %add3A_8, %select_n3A_41 : vector<8x4096xi1>, vector<8x4096xf32>
    %select_n3A_43 = arith.select %and3A, %add3A_27, %add3A_20 : vector<8x4096xi1>, vector<8x4096xf32>
    %select_n3A_44 = arith.select %lt3A, %add3A_17, %select_n3A_43 : vector<8x4096xi1>, vector<8x4096xf32>
    %select_n3A_45 = arith.select %lt3A, %slice3A_24, %add3A_8 : vector<8x4096xi1>, vector<8x4096xf32>
    %select_n3A_46 = arith.select %lt3A, %add3A_27, %add3A_17 : vector<8x4096xi1>, vector<8x4096xf32>
    %slice3A_47 = vector.extract_strided_slice %transpose3A {offsets = [8, 0], sizes = [8, 4096], strides = [1, 1]} : vector<256x4096xf32> to vector<8x4096xf32>
    %add3A_48 = arith.constant 8.000000e+00 : f32
    %add3A_49 = vector.broadcast %add3A_48 : f32 to vector<8x4096xf32>
    %add3A_50 = arith.addf %add3A, %add3A_49 : vector<8x4096xf32>
    %lt3A_51 = arith.cmpf olt, %slice3A_47, %select_n3A_45 : vector<8x4096xf32>
    %not3A_52 = arith.constant dense<true> : vector<8x4096xi1>
    %not3A_53 = arith.xori %lt3A_51, %not3A_52 : vector<8x4096xi1>
    %lt3A_54 = arith.cmpf olt, %slice3A_47, %select_n3A_42 : vector<8x4096xf32>
    %and3A_55 = arith.andi %not3A_53, %lt3A_54 : vector<8x4096xi1>
    %not3A_56 = arith.constant dense<true> : vector<8x4096xi1>
    %not3A_57 = arith.xori %lt3A_51, %not3A_56 : vector<8x4096xi1>
    %not3A_58 = arith.constant dense<true> : vector<8x4096xi1>
    %not3A_59 = arith.xori %and3A_55, %not3A_58 : vector<8x4096xi1>
    %and3A_60 = arith.andi %not3A_57, %not3A_59 : vector<8x4096xi1>
    %lt3A_61 = arith.cmpf olt, %slice3A_47, %select_n3A_37 : vector<8x4096xf32>
    %and3A_62 = arith.andi %and3A_60, %lt3A_61 : vector<8x4096xi1>
    %or3A_63 = arith.ori %lt3A_51, %and3A_55 : vector<8x4096xi1>
    %select_n3A_64 = arith.select %and3A_62, %slice3A_47, %select_n3A_37 : vector<8x4096xi1>, vector<8x4096xf32>
    %select_n3A_65 = arith.select %or3A_63, %select_n3A_42, %select_n3A_64 : vector<8x4096xi1>, vector<8x4096xf32>
    %or3A_66 = arith.ori %lt3A_51, %and3A_55 : vector<8x4096xi1>
    %select_n3A_67 = arith.select %and3A_62, %add3A_50, %select_n3A_40 : vector<8x4096xi1>, vector<8x4096xf32>
    %select_n3A_68 = arith.select %or3A_66, %select_n3A_44, %select_n3A_67 : vector<8x4096xi1>, vector<8x4096xf32>
    %select_n3A_69 = arith.select %and3A_55, %slice3A_47, %select_n3A_42 : vector<8x4096xi1>, vector<8x4096xf32>
    %select_n3A_70 = arith.select %lt3A_51, %select_n3A_45, %select_n3A_69 : vector<8x4096xi1>, vector<8x4096xf32>
    %select_n3A_71 = arith.select %and3A_55, %add3A_50, %select_n3A_44 : vector<8x4096xi1>, vector<8x4096xf32>
    %select_n3A_72 = arith.select %lt3A_51, %select_n3A_46, %select_n3A_71 : vector<8x4096xi1>, vector<8x4096xf32>
    %select_n3A_73 = arith.select %lt3A_51, %slice3A_47, %select_n3A_45 : vector<8x4096xi1>, vector<8x4096xf32>
    %select_n3A_74 = arith.select %lt3A_51, %add3A_50, %select_n3A_46 : vector<8x4096xi1>, vector<8x4096xf32>
    %slice3A_75 = vector.extract_strided_slice %transpose3A {offsets = [16, 0], sizes = [8, 4096], strides = [1, 1]} : vector<256x4096xf32> to vector<8x4096xf32>
    %add3A_76 = arith.constant 1.600000e+01 : f32
    %add3A_77 = vector.broadcast %add3A_76 : f32 to vector<8x4096xf32>
    %add3A_78 = arith.addf %add3A, %add3A_77 : vector<8x4096xf32>
    %lt3A_79 = arith.cmpf olt, %slice3A_75, %select_n3A_73 : vector<8x4096xf32>
    %not3A_80 = arith.constant dense<true> : vector<8x4096xi1>
    %not3A_81 = arith.xori %lt3A_79, %not3A_80 : vector<8x4096xi1>
    %lt3A_82 = arith.cmpf olt, %slice3A_75, %select_n3A_70 : vector<8x4096xf32>
    %and3A_83 = arith.andi %not3A_81, %lt3A_82 : vector<8x4096xi1>
    %not3A_84 = arith.constant dense<true> : vector<8x4096xi1>
    %not3A_85 = arith.xori %lt3A_79, %not3A_84 : vector<8x4096xi1>
    %not3A_86 = arith.constant dense<true> : vector<8x4096xi1>
    %not3A_87 = arith.xori %and3A_83, %not3A_86 : vector<8x4096xi1>
    %and3A_88 = arith.andi %not3A_85, %not3A_87 : vector<8x4096xi1>
    %lt3A_89 = arith.cmpf olt, %slice3A_75, %select_n3A_65 : vector<8x4096xf32>
    %and3A_90 = arith.andi %and3A_88, %lt3A_89 : vector<8x4096xi1>
    %or3A_91 = arith.ori %lt3A_79, %and3A_83 : vector<8x4096xi1>
    %select_n3A_92 = arith.select %and3A_90, %slice3A_75, %select_n3A_65 : vector<8x4096xi1>, vector<8x4096xf32>
    %select_n3A_93 = arith.select %or3A_91, %select_n3A_70, %select_n3A_92 : vector<8x4096xi1>, vector<8x4096xf32>
    %or3A_94 = arith.ori %lt3A_79, %and3A_83 : vector<8x4096xi1>
    %select_n3A_95 = arith.select %and3A_90, %add3A_78, %select_n3A_68 : vector<8x4096xi1>, vector<8x4096xf32>
    %select_n3A_96 = arith.select %or3A_94, %select_n3A_72, %select_n3A_95 : vector<8x4096xi1>, vector<8x4096xf32>
    %select_n3A_97 = arith.select %and3A_83, %slice3A_75, %select_n3A_70 : vector<8x4096xi1>, vector<8x4096xf32>
    %select_n3A_98 = arith.select %lt3A_79, %select_n3A_73, %select_n3A_97 : vector<8x4096xi1>, vector<8x4096xf32>
    %select_n3A_99 = arith.select %and3A_83, %add3A_78, %select_n3A_72 : vector<8x4096xi1>, vector<8x4096xf32>
    %select_n3A_100 = arith.select %lt3A_79, %select_n3A_74, %select_n3A_99 : vector<8x4096xi1>, vector<8x4096xf32>
    %select_n3A_101 = arith.select %lt3A_79, %slice3A_75, %select_n3A_73 : vector<8x4096xi1>, vector<8x4096xf32>
    %select_n3A_102 = arith.select %lt3A_79, %add3A_78, %select_n3A_74 : vector<8x4096xi1>, vector<8x4096xf32>
    %slice3A_103 = vector.extract_strided_slice %transpose3A {offsets = [24, 0], sizes = [8, 4096], strides = [1, 1]} : vector<256x4096xf32> to vector<8x4096xf32>
    %add3A_104 = arith.constant 2.400000e+01 : f32
    %add3A_105 = vector.broadcast %add3A_104 : f32 to vector<8x4096xf32>
    %add3A_106 = arith.addf %add3A, %add3A_105 : vector<8x4096xf32>
    %lt3A_107 = arith.cmpf olt, %slice3A_103, %select_n3A_101 : vector<8x4096xf32>
    %not3A_108 = arith.constant dense<true> : vector<8x4096xi1>
    %not3A_109 = arith.xori %lt3A_107, %not3A_108 : vector<8x4096xi1>
    %lt3A_110 = arith.cmpf olt, %slice3A_103, %select_n3A_98 : vector<8x4096xf32>
    %and3A_111 = arith.andi %not3A_109, %lt3A_110 : vector<8x4096xi1>
    %not3A_112 = arith.constant dense<true> : vector<8x4096xi1>
    %not3A_113 = arith.xori %lt3A_107, %not3A_112 : vector<8x4096xi1>
    %not3A_114 = arith.constant dense<true> : vector<8x4096xi1>
    %not3A_115 = arith.xori %and3A_111, %not3A_114 : vector<8x4096xi1>
    %and3A_116 = arith.andi %not3A_113, %not3A_115 : vector<8x4096xi1>
    %lt3A_117 = arith.cmpf olt, %slice3A_103, %select_n3A_93 : vector<8x4096xf32>
    %and3A_118 = arith.andi %and3A_116, %lt3A_117 : vector<8x4096xi1>
    %or3A_119 = arith.ori %lt3A_107, %and3A_111 : vector<8x4096xi1>
    %select_n3A_120 = arith.select %and3A_118, %slice3A_103, %select_n3A_93 : vector<8x4096xi1>, vector<8x4096xf32>
    %select_n3A_121 = arith.select %or3A_119, %select_n3A_98, %select_n3A_120 : vector<8x4096xi1>, vector<8x4096xf32>
    %or3A_122 = arith.ori %lt3A_107, %and3A_111 : vector<8x4096xi1>
    %select_n3A_123 = arith.select %and3A_118, %add3A_106, %select_n3A_96 : vector<8x4096xi1>, vector<8x4096xf32>
    %select_n3A_124 = arith.select %or3A_122, %select_n3A_100, %select_n3A_123 : vector<8x4096xi1>, vector<8x4096xf32>
    %select_n3A_125 = arith.select %and3A_111, %slice3A_103, %select_n3A_98 : vector<8x4096xi1>, vector<8x4096xf32>
    %select_n3A_126 = arith.select %lt3A_107, %select_n3A_101, %select_n3A_125 : vector<8x4096xi1>, vector<8x4096xf32>
    %select_n3A_127 = arith.select %and3A_111, %add3A_106, %select_n3A_100 : vector<8x4096xi1>, vector<8x4096xf32>
    %select_n3A_128 = arith.select %lt3A_107, %select_n3A_102, %select_n3A_127 : vector<8x4096xi1>, vector<8x4096xf32>
    %select_n3A_129 = arith.select %lt3A_107, %slice3A_103, %select_n3A_101 : vector<8x4096xi1>, vector<8x4096xf32>
    %select_n3A_130 = arith.select %lt3A_107, %add3A_106, %select_n3A_102 : vector<8x4096xi1>, vector<8x4096xf32>
    %slice3A_131 = vector.extract_strided_slice %transpose3A {offsets = [32, 0], sizes = [8, 4096], strides = [1, 1]} : vector<256x4096xf32> to vector<8x4096xf32>
    %add3A_132 = arith.constant 3.200000e+01 : f32
    %add3A_133 = vector.broadcast %add3A_132 : f32 to vector<8x4096xf32>
    %add3A_134 = arith.addf %add3A, %add3A_133 : vector<8x4096xf32>
    %lt3A_135 = arith.cmpf olt, %slice3A_131, %select_n3A_129 : vector<8x4096xf32>
    %not3A_136 = arith.constant dense<true> : vector<8x4096xi1>
    %not3A_137 = arith.xori %lt3A_135, %not3A_136 : vector<8x4096xi1>
    %lt3A_138 = arith.cmpf olt, %slice3A_131, %select_n3A_126 : vector<8x4096xf32>
    %and3A_139 = arith.andi %not3A_137, %lt3A_138 : vector<8x4096xi1>
    %not3A_140 = arith.constant dense<true> : vector<8x4096xi1>
    %not3A_141 = arith.xori %lt3A_135, %not3A_140 : vector<8x4096xi1>
    %not3A_142 = arith.constant dense<true> : vector<8x4096xi1>
    %not3A_143 = arith.xori %and3A_139, %not3A_142 : vector<8x4096xi1>
    %and3A_144 = arith.andi %not3A_141, %not3A_143 : vector<8x4096xi1>
    %lt3A_145 = arith.cmpf olt, %slice3A_131, %select_n3A_121 : vector<8x4096xf32>
    %and3A_146 = arith.andi %and3A_144, %lt3A_145 : vector<8x4096xi1>
    %or3A_147 = arith.ori %lt3A_135, %and3A_139 : vector<8x4096xi1>
    %select_n3A_148 = arith.select %and3A_146, %slice3A_131, %select_n3A_121 : vector<8x4096xi1>, vector<8x4096xf32>
    %select_n3A_149 = arith.select %or3A_147, %select_n3A_126, %select_n3A_148 : vector<8x4096xi1>, vector<8x4096xf32>
    %or3A_150 = arith.ori %lt3A_135, %and3A_139 : vector<8x4096xi1>
    %select_n3A_151 = arith.select %and3A_146, %add3A_134, %select_n3A_124 : vector<8x4096xi1>, vector<8x4096xf32>
    %select_n3A_152 = arith.select %or3A_150, %select_n3A_128, %select_n3A_151 : vector<8x4096xi1>, vector<8x4096xf32>
    %select_n3A_153 = arith.select %and3A_139, %slice3A_131, %select_n3A_126 : vector<8x4096xi1>, vector<8x4096xf32>
    %select_n3A_154 = arith.select %lt3A_135, %select_n3A_129, %select_n3A_153 : vector<8x4096xi1>, vector<8x4096xf32>
    %select_n3A_155 = arith.select %and3A_139, %add3A_134, %select_n3A_128 : vector<8x4096xi1>, vector<8x4096xf32>
    %select_n3A_156 = arith.select %lt3A_135, %select_n3A_130, %select_n3A_155 : vector<8x4096xi1>, vector<8x4096xf32>
    %select_n3A_157 = arith.select %lt3A_135, %slice3A_131, %select_n3A_129 : vector<8x4096xi1>, vector<8x4096xf32>
    %select_n3A_158 = arith.select %lt3A_135, %add3A_134, %select_n3A_130 : vector<8x4096xi1>, vector<8x4096xf32>
    %slice3A_159 = vector.extract_strided_slice %transpose3A {offsets = [40, 0], sizes = [8, 4096], strides = [1, 1]} : vector<256x4096xf32> to vector<8x4096xf32>
    %add3A_160 = arith.constant 4.000000e+01 : f32
    %add3A_161 = vector.broadcast %add3A_160 : f32 to vector<8x4096xf32>
    %add3A_162 = arith.addf %add3A, %add3A_161 : vector<8x4096xf32>
    %lt3A_163 = arith.cmpf olt, %slice3A_159, %select_n3A_157 : vector<8x4096xf32>
    %not3A_164 = arith.constant dense<true> : vector<8x4096xi1>
    %not3A_165 = arith.xori %lt3A_163, %not3A_164 : vector<8x4096xi1>
    %lt3A_166 = arith.cmpf olt, %slice3A_159, %select_n3A_154 : vector<8x4096xf32>
    %and3A_167 = arith.andi %not3A_165, %lt3A_166 : vector<8x4096xi1>
    %not3A_168 = arith.constant dense<true> : vector<8x4096xi1>
    %not3A_169 = arith.xori %lt3A_163, %not3A_168 : vector<8x4096xi1>
    %not3A_170 = arith.constant dense<true> : vector<8x4096xi1>
    %not3A_171 = arith.xori %and3A_167, %not3A_170 : vector<8x4096xi1>
    %and3A_172 = arith.andi %not3A_169, %not3A_171 : vector<8x4096xi1>
    %lt3A_173 = arith.cmpf olt, %slice3A_159, %select_n3A_149 : vector<8x4096xf32>
    %and3A_174 = arith.andi %and3A_172, %lt3A_173 : vector<8x4096xi1>
    %or3A_175 = arith.ori %lt3A_163, %and3A_167 : vector<8x4096xi1>
    %select_n3A_176 = arith.select %and3A_174, %slice3A_159, %select_n3A_149 : vector<8x4096xi1>, vector<8x4096xf32>
    %select_n3A_177 = arith.select %or3A_175, %select_n3A_154, %select_n3A_176 : vector<8x4096xi1>, vector<8x4096xf32>
    %or3A_178 = arith.ori %lt3A_163, %and3A_167 : vector<8x4096xi1>
    %select_n3A_179 = arith.select %and3A_174, %add3A_162, %select_n3A_152 : vector<8x4096xi1>, vector<8x4096xf32>
    %select_n3A_180 = arith.select %or3A_178, %select_n3A_156, %select_n3A_179 : vector<8x4096xi1>, vector<8x4096xf32>
    %select_n3A_181 = arith.select %and3A_167, %slice3A_159, %select_n3A_154 : vector<8x4096xi1>, vector<8x4096xf32>
    %select_n3A_182 = arith.select %lt3A_163, %select_n3A_157, %select_n3A_181 : vector<8x4096xi1>, vector<8x4096xf32>
    %select_n3A_183 = arith.select %and3A_167, %add3A_162, %select_n3A_156 : vector<8x4096xi1>, vector<8x4096xf32>
    %select_n3A_184 = arith.select %lt3A_163, %select_n3A_158, %select_n3A_183 : vector<8x4096xi1>, vector<8x4096xf32>
    %select_n3A_185 = arith.select %lt3A_163, %slice3A_159, %select_n3A_157 : vector<8x4096xi1>, vector<8x4096xf32>
    %select_n3A_186 = arith.select %lt3A_163, %add3A_162, %select_n3A_158 : vector<8x4096xi1>, vector<8x4096xf32>
    %slice3A_187 = vector.extract_strided_slice %transpose3A {offsets = [48, 0], sizes = [8, 4096], strides = [1, 1]} : vector<256x4096xf32> to vector<8x4096xf32>
    %add3A_188 = arith.constant 4.800000e+01 : f32
    %add3A_189 = vector.broadcast %add3A_188 : f32 to vector<8x4096xf32>
    %add3A_190 = arith.addf %add3A, %add3A_189 : vector<8x4096xf32>
    %lt3A_191 = arith.cmpf olt, %slice3A_187, %select_n3A_185 : vector<8x4096xf32>
    %not3A_192 = arith.constant dense<true> : vector<8x4096xi1>
    %not3A_193 = arith.xori %lt3A_191, %not3A_192 : vector<8x4096xi1>
    %lt3A_194 = arith.cmpf olt, %slice3A_187, %select_n3A_182 : vector<8x4096xf32>
    %and3A_195 = arith.andi %not3A_193, %lt3A_194 : vector<8x4096xi1>
    %not3A_196 = arith.constant dense<true> : vector<8x4096xi1>
    %not3A_197 = arith.xori %lt3A_191, %not3A_196 : vector<8x4096xi1>
    %not3A_198 = arith.constant dense<true> : vector<8x4096xi1>
    %not3A_199 = arith.xori %and3A_195, %not3A_198 : vector<8x4096xi1>
    %and3A_200 = arith.andi %not3A_197, %not3A_199 : vector<8x4096xi1>
    %lt3A_201 = arith.cmpf olt, %slice3A_187, %select_n3A_177 : vector<8x4096xf32>
    %and3A_202 = arith.andi %and3A_200, %lt3A_201 : vector<8x4096xi1>
    %or3A_203 = arith.ori %lt3A_191, %and3A_195 : vector<8x4096xi1>
    %select_n3A_204 = arith.select %and3A_202, %slice3A_187, %select_n3A_177 : vector<8x4096xi1>, vector<8x4096xf32>
    %select_n3A_205 = arith.select %or3A_203, %select_n3A_182, %select_n3A_204 : vector<8x4096xi1>, vector<8x4096xf32>
    %or3A_206 = arith.ori %lt3A_191, %and3A_195 : vector<8x4096xi1>
    %select_n3A_207 = arith.select %and3A_202, %add3A_190, %select_n3A_180 : vector<8x4096xi1>, vector<8x4096xf32>
    %select_n3A_208 = arith.select %or3A_206, %select_n3A_184, %select_n3A_207 : vector<8x4096xi1>, vector<8x4096xf32>
    %select_n3A_209 = arith.select %and3A_195, %slice3A_187, %select_n3A_182 : vector<8x4096xi1>, vector<8x4096xf32>
    %select_n3A_210 = arith.select %lt3A_191, %select_n3A_185, %select_n3A_209 : vector<8x4096xi1>, vector<8x4096xf32>
    %select_n3A_211 = arith.select %and3A_195, %add3A_190, %select_n3A_184 : vector<8x4096xi1>, vector<8x4096xf32>
    %select_n3A_212 = arith.select %lt3A_191, %select_n3A_186, %select_n3A_211 : vector<8x4096xi1>, vector<8x4096xf32>
    %select_n3A_213 = arith.select %lt3A_191, %slice3A_187, %select_n3A_185 : vector<8x4096xi1>, vector<8x4096xf32>
    %select_n3A_214 = arith.select %lt3A_191, %add3A_190, %select_n3A_186 : vector<8x4096xi1>, vector<8x4096xf32>
    %slice3A_215 = vector.extract_strided_slice %transpose3A {offsets = [56, 0], sizes = [8, 4096], strides = [1, 1]} : vector<256x4096xf32> to vector<8x4096xf32>
    %add3A_216 = arith.constant 5.600000e+01 : f32
    %add3A_217 = vector.broadcast %add3A_216 : f32 to vector<8x4096xf32>
    %add3A_218 = arith.addf %add3A, %add3A_217 : vector<8x4096xf32>
    %lt3A_219 = arith.cmpf olt, %slice3A_215, %select_n3A_213 : vector<8x4096xf32>
    %not3A_220 = arith.constant dense<true> : vector<8x4096xi1>
    %not3A_221 = arith.xori %lt3A_219, %not3A_220 : vector<8x4096xi1>
    %lt3A_222 = arith.cmpf olt, %slice3A_215, %select_n3A_210 : vector<8x4096xf32>
    %and3A_223 = arith.andi %not3A_221, %lt3A_222 : vector<8x4096xi1>
    %not3A_224 = arith.constant dense<true> : vector<8x4096xi1>
    %not3A_225 = arith.xori %lt3A_219, %not3A_224 : vector<8x4096xi1>
    %not3A_226 = arith.constant dense<true> : vector<8x4096xi1>
    %not3A_227 = arith.xori %and3A_223, %not3A_226 : vector<8x4096xi1>
    %and3A_228 = arith.andi %not3A_225, %not3A_227 : vector<8x4096xi1>
    %lt3A_229 = arith.cmpf olt, %slice3A_215, %select_n3A_205 : vector<8x4096xf32>
    %and3A_230 = arith.andi %and3A_228, %lt3A_229 : vector<8x4096xi1>
    %or3A_231 = arith.ori %lt3A_219, %and3A_223 : vector<8x4096xi1>
    %select_n3A_232 = arith.select %and3A_230, %slice3A_215, %select_n3A_205 : vector<8x4096xi1>, vector<8x4096xf32>
    %select_n3A_233 = arith.select %or3A_231, %select_n3A_210, %select_n3A_232 : vector<8x4096xi1>, vector<8x4096xf32>
    %or3A_234 = arith.ori %lt3A_219, %and3A_223 : vector<8x4096xi1>
    %select_n3A_235 = arith.select %and3A_230, %add3A_218, %select_n3A_208 : vector<8x4096xi1>, vector<8x4096xf32>
    %select_n3A_236 = arith.select %or3A_234, %select_n3A_212, %select_n3A_235 : vector<8x4096xi1>, vector<8x4096xf32>
    %select_n3A_237 = arith.select %and3A_223, %slice3A_215, %select_n3A_210 : vector<8x4096xi1>, vector<8x4096xf32>
    %select_n3A_238 = arith.select %lt3A_219, %select_n3A_213, %select_n3A_237 : vector<8x4096xi1>, vector<8x4096xf32>
    %select_n3A_239 = arith.select %and3A_223, %add3A_218, %select_n3A_212 : vector<8x4096xi1>, vector<8x4096xf32>
    %select_n3A_240 = arith.select %lt3A_219, %select_n3A_214, %select_n3A_239 : vector<8x4096xi1>, vector<8x4096xf32>
    %select_n3A_241 = arith.select %lt3A_219, %slice3A_215, %select_n3A_213 : vector<8x4096xi1>, vector<8x4096xf32>
    %select_n3A_242 = arith.select %lt3A_219, %add3A_218, %select_n3A_214 : vector<8x4096xi1>, vector<8x4096xf32>
    %slice3A_243 = vector.extract_strided_slice %transpose3A {offsets = [64, 0], sizes = [8, 4096], strides = [1, 1]} : vector<256x4096xf32> to vector<8x4096xf32>
    %add3A_244 = arith.constant 6.400000e+01 : f32
    %add3A_245 = vector.broadcast %add3A_244 : f32 to vector<8x4096xf32>
    %add3A_246 = arith.addf %add3A, %add3A_245 : vector<8x4096xf32>
    %lt3A_247 = arith.cmpf olt, %slice3A_243, %select_n3A_241 : vector<8x4096xf32>
    %not3A_248 = arith.constant dense<true> : vector<8x4096xi1>
    %not3A_249 = arith.xori %lt3A_247, %not3A_248 : vector<8x4096xi1>
    %lt3A_250 = arith.cmpf olt, %slice3A_243, %select_n3A_238 : vector<8x4096xf32>
    %and3A_251 = arith.andi %not3A_249, %lt3A_250 : vector<8x4096xi1>
    %not3A_252 = arith.constant dense<true> : vector<8x4096xi1>
    %not3A_253 = arith.xori %lt3A_247, %not3A_252 : vector<8x4096xi1>
    %not3A_254 = arith.constant dense<true> : vector<8x4096xi1>
    %not3A_255 = arith.xori %and3A_251, %not3A_254 : vector<8x4096xi1>
    %and3A_256 = arith.andi %not3A_253, %not3A_255 : vector<8x4096xi1>
    %lt3A_257 = arith.cmpf olt, %slice3A_243, %select_n3A_233 : vector<8x4096xf32>
    %and3A_258 = arith.andi %and3A_256, %lt3A_257 : vector<8x4096xi1>
    %or3A_259 = arith.ori %lt3A_247, %and3A_251 : vector<8x4096xi1>
    %select_n3A_260 = arith.select %and3A_258, %slice3A_243, %select_n3A_233 : vector<8x4096xi1>, vector<8x4096xf32>
    %select_n3A_261 = arith.select %or3A_259, %select_n3A_238, %select_n3A_260 : vector<8x4096xi1>, vector<8x4096xf32>
    %or3A_262 = arith.ori %lt3A_247, %and3A_251 : vector<8x4096xi1>
    %select_n3A_263 = arith.select %and3A_258, %add3A_246, %select_n3A_236 : vector<8x4096xi1>, vector<8x4096xf32>
    %select_n3A_264 = arith.select %or3A_262, %select_n3A_240, %select_n3A_263 : vector<8x4096xi1>, vector<8x4096xf32>
    %select_n3A_265 = arith.select %and3A_251, %slice3A_243, %select_n3A_238 : vector<8x4096xi1>, vector<8x4096xf32>
    %select_n3A_266 = arith.select %lt3A_247, %select_n3A_241, %select_n3A_265 : vector<8x4096xi1>, vector<8x4096xf32>
    %select_n3A_267 = arith.select %and3A_251, %add3A_246, %select_n3A_240 : vector<8x4096xi1>, vector<8x4096xf32>
    %select_n3A_268 = arith.select %lt3A_247, %select_n3A_242, %select_n3A_267 : vector<8x4096xi1>, vector<8x4096xf32>
    %select_n3A_269 = arith.select %lt3A_247, %slice3A_243, %select_n3A_241 : vector<8x4096xi1>, vector<8x4096xf32>
    %select_n3A_270 = arith.select %lt3A_247, %add3A_246, %select_n3A_242 : vector<8x4096xi1>, vector<8x4096xf32>
    %slice3A_271 = vector.extract_strided_slice %transpose3A {offsets = [72, 0], sizes = [8, 4096], strides = [1, 1]} : vector<256x4096xf32> to vector<8x4096xf32>
    %add3A_272 = arith.constant 7.200000e+01 : f32
    %add3A_273 = vector.broadcast %add3A_272 : f32 to vector<8x4096xf32>
    %add3A_274 = arith.addf %add3A, %add3A_273 : vector<8x4096xf32>
    %lt3A_275 = arith.cmpf olt, %slice3A_271, %select_n3A_269 : vector<8x4096xf32>
    %not3A_276 = arith.constant dense<true> : vector<8x4096xi1>
    %not3A_277 = arith.xori %lt3A_275, %not3A_276 : vector<8x4096xi1>
    %lt3A_278 = arith.cmpf olt, %slice3A_271, %select_n3A_266 : vector<8x4096xf32>
    %and3A_279 = arith.andi %not3A_277, %lt3A_278 : vector<8x4096xi1>
    %not3A_280 = arith.constant dense<true> : vector<8x4096xi1>
    %not3A_281 = arith.xori %lt3A_275, %not3A_280 : vector<8x4096xi1>
    %not3A_282 = arith.constant dense<true> : vector<8x4096xi1>
    %not3A_283 = arith.xori %and3A_279, %not3A_282 : vector<8x4096xi1>
    %and3A_284 = arith.andi %not3A_281, %not3A_283 : vector<8x4096xi1>
    %lt3A_285 = arith.cmpf olt, %slice3A_271, %select_n3A_261 : vector<8x4096xf32>
    %and3A_286 = arith.andi %and3A_284, %lt3A_285 : vector<8x4096xi1>
    %or3A_287 = arith.ori %lt3A_275, %and3A_279 : vector<8x4096xi1>
    %select_n3A_288 = arith.select %and3A_286, %slice3A_271, %select_n3A_261 : vector<8x4096xi1>, vector<8x4096xf32>
    %select_n3A_289 = arith.select %or3A_287, %select_n3A_266, %select_n3A_288 : vector<8x4096xi1>, vector<8x4096xf32>
    %or3A_290 = arith.ori %lt3A_275, %and3A_279 : vector<8x4096xi1>
    %select_n3A_291 = arith.select %and3A_286, %add3A_274, %select_n3A_264 : vector<8x4096xi1>, vector<8x4096xf32>
    %select_n3A_292 = arith.select %or3A_290, %select_n3A_268, %select_n3A_291 : vector<8x4096xi1>, vector<8x4096xf32>
    %select_n3A_293 = arith.select %and3A_279, %slice3A_271, %select_n3A_266 : vector<8x4096xi1>, vector<8x4096xf32>
    %select_n3A_294 = arith.select %lt3A_275, %select_n3A_269, %select_n3A_293 : vector<8x4096xi1>, vector<8x4096xf32>
    %select_n3A_295 = arith.select %and3A_279, %add3A_274, %select_n3A_268 : vector<8x4096xi1>, vector<8x4096xf32>
    %select_n3A_296 = arith.select %lt3A_275, %select_n3A_270, %select_n3A_295 : vector<8x4096xi1>, vector<8x4096xf32>
    %select_n3A_297 = arith.select %lt3A_275, %slice3A_271, %select_n3A_269 : vector<8x4096xi1>, vector<8x4096xf32>
    %select_n3A_298 = arith.select %lt3A_275, %add3A_274, %select_n3A_270 : vector<8x4096xi1>, vector<8x4096xf32>
    %slice3A_299 = vector.extract_strided_slice %transpose3A {offsets = [80, 0], sizes = [8, 4096], strides = [1, 1]} : vector<256x4096xf32> to vector<8x4096xf32>
    %add3A_300 = arith.constant 8.000000e+01 : f32
    %add3A_301 = vector.broadcast %add3A_300 : f32 to vector<8x4096xf32>
    %add3A_302 = arith.addf %add3A, %add3A_301 : vector<8x4096xf32>
    %lt3A_303 = arith.cmpf olt, %slice3A_299, %select_n3A_297 : vector<8x4096xf32>
    %not3A_304 = arith.constant dense<true> : vector<8x4096xi1>
    %not3A_305 = arith.xori %lt3A_303, %not3A_304 : vector<8x4096xi1>
    %lt3A_306 = arith.cmpf olt, %slice3A_299, %select_n3A_294 : vector<8x4096xf32>
    %and3A_307 = arith.andi %not3A_305, %lt3A_306 : vector<8x4096xi1>
    %not3A_308 = arith.constant dense<true> : vector<8x4096xi1>
    %not3A_309 = arith.xori %lt3A_303, %not3A_308 : vector<8x4096xi1>
    %not3A_310 = arith.constant dense<true> : vector<8x4096xi1>
    %not3A_311 = arith.xori %and3A_307, %not3A_310 : vector<8x4096xi1>
    %and3A_312 = arith.andi %not3A_309, %not3A_311 : vector<8x4096xi1>
    %lt3A_313 = arith.cmpf olt, %slice3A_299, %select_n3A_289 : vector<8x4096xf32>
    %and3A_314 = arith.andi %and3A_312, %lt3A_313 : vector<8x4096xi1>
    %or3A_315 = arith.ori %lt3A_303, %and3A_307 : vector<8x4096xi1>
    %select_n3A_316 = arith.select %and3A_314, %slice3A_299, %select_n3A_289 : vector<8x4096xi1>, vector<8x4096xf32>
    %select_n3A_317 = arith.select %or3A_315, %select_n3A_294, %select_n3A_316 : vector<8x4096xi1>, vector<8x4096xf32>
    %or3A_318 = arith.ori %lt3A_303, %and3A_307 : vector<8x4096xi1>
    %select_n3A_319 = arith.select %and3A_314, %add3A_302, %select_n3A_292 : vector<8x4096xi1>, vector<8x4096xf32>
    %select_n3A_320 = arith.select %or3A_318, %select_n3A_296, %select_n3A_319 : vector<8x4096xi1>, vector<8x4096xf32>
    %select_n3A_321 = arith.select %and3A_307, %slice3A_299, %select_n3A_294 : vector<8x4096xi1>, vector<8x4096xf32>
    %select_n3A_322 = arith.select %lt3A_303, %select_n3A_297, %select_n3A_321 : vector<8x4096xi1>, vector<8x4096xf32>
    %select_n3A_323 = arith.select %and3A_307, %add3A_302, %select_n3A_296 : vector<8x4096xi1>, vector<8x4096xf32>
    %select_n3A_324 = arith.select %lt3A_303, %select_n3A_298, %select_n3A_323 : vector<8x4096xi1>, vector<8x4096xf32>
    %select_n3A_325 = arith.select %lt3A_303, %slice3A_299, %select_n3A_297 : vector<8x4096xi1>, vector<8x4096xf32>
    %select_n3A_326 = arith.select %lt3A_303, %add3A_302, %select_n3A_298 : vector<8x4096xi1>, vector<8x4096xf32>
    %slice3A_327 = vector.extract_strided_slice %transpose3A {offsets = [88, 0], sizes = [8, 4096], strides = [1, 1]} : vector<256x4096xf32> to vector<8x4096xf32>
    %add3A_328 = arith.constant 8.800000e+01 : f32
    %add3A_329 = vector.broadcast %add3A_328 : f32 to vector<8x4096xf32>
    %add3A_330 = arith.addf %add3A, %add3A_329 : vector<8x4096xf32>
    %lt3A_331 = arith.cmpf olt, %slice3A_327, %select_n3A_325 : vector<8x4096xf32>
    %not3A_332 = arith.constant dense<true> : vector<8x4096xi1>
    %not3A_333 = arith.xori %lt3A_331, %not3A_332 : vector<8x4096xi1>
    %lt3A_334 = arith.cmpf olt, %slice3A_327, %select_n3A_322 : vector<8x4096xf32>
    %and3A_335 = arith.andi %not3A_333, %lt3A_334 : vector<8x4096xi1>
    %not3A_336 = arith.constant dense<true> : vector<8x4096xi1>
    %not3A_337 = arith.xori %lt3A_331, %not3A_336 : vector<8x4096xi1>
    %not3A_338 = arith.constant dense<true> : vector<8x4096xi1>
    %not3A_339 = arith.xori %and3A_335, %not3A_338 : vector<8x4096xi1>
    %and3A_340 = arith.andi %not3A_337, %not3A_339 : vector<8x4096xi1>
    %lt3A_341 = arith.cmpf olt, %slice3A_327, %select_n3A_317 : vector<8x4096xf32>
    %and3A_342 = arith.andi %and3A_340, %lt3A_341 : vector<8x4096xi1>
    %or3A_343 = arith.ori %lt3A_331, %and3A_335 : vector<8x4096xi1>
    %select_n3A_344 = arith.select %and3A_342, %slice3A_327, %select_n3A_317 : vector<8x4096xi1>, vector<8x4096xf32>
    %select_n3A_345 = arith.select %or3A_343, %select_n3A_322, %select_n3A_344 : vector<8x4096xi1>, vector<8x4096xf32>
    %or3A_346 = arith.ori %lt3A_331, %and3A_335 : vector<8x4096xi1>
    %select_n3A_347 = arith.select %and3A_342, %add3A_330, %select_n3A_320 : vector<8x4096xi1>, vector<8x4096xf32>
    %select_n3A_348 = arith.select %or3A_346, %select_n3A_324, %select_n3A_347 : vector<8x4096xi1>, vector<8x4096xf32>
    %select_n3A_349 = arith.select %and3A_335, %slice3A_327, %select_n3A_322 : vector<8x4096xi1>, vector<8x4096xf32>
    %select_n3A_350 = arith.select %lt3A_331, %select_n3A_325, %select_n3A_349 : vector<8x4096xi1>, vector<8x4096xf32>
    %select_n3A_351 = arith.select %and3A_335, %add3A_330, %select_n3A_324 : vector<8x4096xi1>, vector<8x4096xf32>
    %select_n3A_352 = arith.select %lt3A_331, %select_n3A_326, %select_n3A_351 : vector<8x4096xi1>, vector<8x4096xf32>
    %select_n3A_353 = arith.select %lt3A_331, %slice3A_327, %select_n3A_325 : vector<8x4096xi1>, vector<8x4096xf32>
    %select_n3A_354 = arith.select %lt3A_331, %add3A_330, %select_n3A_326 : vector<8x4096xi1>, vector<8x4096xf32>
    %slice3A_355 = vector.extract_strided_slice %transpose3A {offsets = [96, 0], sizes = [8, 4096], strides = [1, 1]} : vector<256x4096xf32> to vector<8x4096xf32>
    %add3A_356 = arith.constant 9.600000e+01 : f32
    %add3A_357 = vector.broadcast %add3A_356 : f32 to vector<8x4096xf32>
    %add3A_358 = arith.addf %add3A, %add3A_357 : vector<8x4096xf32>
    %lt3A_359 = arith.cmpf olt, %slice3A_355, %select_n3A_353 : vector<8x4096xf32>
    %not3A_360 = arith.constant dense<true> : vector<8x4096xi1>
    %not3A_361 = arith.xori %lt3A_359, %not3A_360 : vector<8x4096xi1>
    %lt3A_362 = arith.cmpf olt, %slice3A_355, %select_n3A_350 : vector<8x4096xf32>
    %and3A_363 = arith.andi %not3A_361, %lt3A_362 : vector<8x4096xi1>
    %not3A_364 = arith.constant dense<true> : vector<8x4096xi1>
    %not3A_365 = arith.xori %lt3A_359, %not3A_364 : vector<8x4096xi1>
    %not3A_366 = arith.constant dense<true> : vector<8x4096xi1>
    %not3A_367 = arith.xori %and3A_363, %not3A_366 : vector<8x4096xi1>
    %and3A_368 = arith.andi %not3A_365, %not3A_367 : vector<8x4096xi1>
    %lt3A_369 = arith.cmpf olt, %slice3A_355, %select_n3A_345 : vector<8x4096xf32>
    %and3A_370 = arith.andi %and3A_368, %lt3A_369 : vector<8x4096xi1>
    %or3A_371 = arith.ori %lt3A_359, %and3A_363 : vector<8x4096xi1>
    %select_n3A_372 = arith.select %and3A_370, %slice3A_355, %select_n3A_345 : vector<8x4096xi1>, vector<8x4096xf32>
    %select_n3A_373 = arith.select %or3A_371, %select_n3A_350, %select_n3A_372 : vector<8x4096xi1>, vector<8x4096xf32>
    %or3A_374 = arith.ori %lt3A_359, %and3A_363 : vector<8x4096xi1>
    %select_n3A_375 = arith.select %and3A_370, %add3A_358, %select_n3A_348 : vector<8x4096xi1>, vector<8x4096xf32>
    %select_n3A_376 = arith.select %or3A_374, %select_n3A_352, %select_n3A_375 : vector<8x4096xi1>, vector<8x4096xf32>
    %select_n3A_377 = arith.select %and3A_363, %slice3A_355, %select_n3A_350 : vector<8x4096xi1>, vector<8x4096xf32>
    %select_n3A_378 = arith.select %lt3A_359, %select_n3A_353, %select_n3A_377 : vector<8x4096xi1>, vector<8x4096xf32>
    %select_n3A_379 = arith.select %and3A_363, %add3A_358, %select_n3A_352 : vector<8x4096xi1>, vector<8x4096xf32>
    %select_n3A_380 = arith.select %lt3A_359, %select_n3A_354, %select_n3A_379 : vector<8x4096xi1>, vector<8x4096xf32>
    %select_n3A_381 = arith.select %lt3A_359, %slice3A_355, %select_n3A_353 : vector<8x4096xi1>, vector<8x4096xf32>
    %select_n3A_382 = arith.select %lt3A_359, %add3A_358, %select_n3A_354 : vector<8x4096xi1>, vector<8x4096xf32>
    %slice3A_383 = vector.extract_strided_slice %transpose3A {offsets = [104, 0], sizes = [8, 4096], strides = [1, 1]} : vector<256x4096xf32> to vector<8x4096xf32>
    %add3A_384 = arith.constant 1.040000e+02 : f32
    %add3A_385 = vector.broadcast %add3A_384 : f32 to vector<8x4096xf32>
    %add3A_386 = arith.addf %add3A, %add3A_385 : vector<8x4096xf32>
    %lt3A_387 = arith.cmpf olt, %slice3A_383, %select_n3A_381 : vector<8x4096xf32>
    %not3A_388 = arith.constant dense<true> : vector<8x4096xi1>
    %not3A_389 = arith.xori %lt3A_387, %not3A_388 : vector<8x4096xi1>
    %lt3A_390 = arith.cmpf olt, %slice3A_383, %select_n3A_378 : vector<8x4096xf32>
    %and3A_391 = arith.andi %not3A_389, %lt3A_390 : vector<8x4096xi1>
    %not3A_392 = arith.constant dense<true> : vector<8x4096xi1>
    %not3A_393 = arith.xori %lt3A_387, %not3A_392 : vector<8x4096xi1>
    %not3A_394 = arith.constant dense<true> : vector<8x4096xi1>
    %not3A_395 = arith.xori %and3A_391, %not3A_394 : vector<8x4096xi1>
    %and3A_396 = arith.andi %not3A_393, %not3A_395 : vector<8x4096xi1>
    %lt3A_397 = arith.cmpf olt, %slice3A_383, %select_n3A_373 : vector<8x4096xf32>
    %and3A_398 = arith.andi %and3A_396, %lt3A_397 : vector<8x4096xi1>
    %or3A_399 = arith.ori %lt3A_387, %and3A_391 : vector<8x4096xi1>
    %select_n3A_400 = arith.select %and3A_398, %slice3A_383, %select_n3A_373 : vector<8x4096xi1>, vector<8x4096xf32>
    %select_n3A_401 = arith.select %or3A_399, %select_n3A_378, %select_n3A_400 : vector<8x4096xi1>, vector<8x4096xf32>
    %or3A_402 = arith.ori %lt3A_387, %and3A_391 : vector<8x4096xi1>
    %select_n3A_403 = arith.select %and3A_398, %add3A_386, %select_n3A_376 : vector<8x4096xi1>, vector<8x4096xf32>
    %select_n3A_404 = arith.select %or3A_402, %select_n3A_380, %select_n3A_403 : vector<8x4096xi1>, vector<8x4096xf32>
    %select_n3A_405 = arith.select %and3A_391, %slice3A_383, %select_n3A_378 : vector<8x4096xi1>, vector<8x4096xf32>
    %select_n3A_406 = arith.select %lt3A_387, %select_n3A_381, %select_n3A_405 : vector<8x4096xi1>, vector<8x4096xf32>
    %select_n3A_407 = arith.select %and3A_391, %add3A_386, %select_n3A_380 : vector<8x4096xi1>, vector<8x4096xf32>
    %select_n3A_408 = arith.select %lt3A_387, %select_n3A_382, %select_n3A_407 : vector<8x4096xi1>, vector<8x4096xf32>
    %select_n3A_409 = arith.select %lt3A_387, %slice3A_383, %select_n3A_381 : vector<8x4096xi1>, vector<8x4096xf32>
    %select_n3A_410 = arith.select %lt3A_387, %add3A_386, %select_n3A_382 : vector<8x4096xi1>, vector<8x4096xf32>
    %slice3A_411 = vector.extract_strided_slice %transpose3A {offsets = [112, 0], sizes = [8, 4096], strides = [1, 1]} : vector<256x4096xf32> to vector<8x4096xf32>
    %add3A_412 = arith.constant 1.120000e+02 : f32
    %add3A_413 = vector.broadcast %add3A_412 : f32 to vector<8x4096xf32>
    %add3A_414 = arith.addf %add3A, %add3A_413 : vector<8x4096xf32>
    %lt3A_415 = arith.cmpf olt, %slice3A_411, %select_n3A_409 : vector<8x4096xf32>
    %not3A_416 = arith.constant dense<true> : vector<8x4096xi1>
    %not3A_417 = arith.xori %lt3A_415, %not3A_416 : vector<8x4096xi1>
    %lt3A_418 = arith.cmpf olt, %slice3A_411, %select_n3A_406 : vector<8x4096xf32>
    %and3A_419 = arith.andi %not3A_417, %lt3A_418 : vector<8x4096xi1>
    %not3A_420 = arith.constant dense<true> : vector<8x4096xi1>
    %not3A_421 = arith.xori %lt3A_415, %not3A_420 : vector<8x4096xi1>
    %not3A_422 = arith.constant dense<true> : vector<8x4096xi1>
    %not3A_423 = arith.xori %and3A_419, %not3A_422 : vector<8x4096xi1>
    %and3A_424 = arith.andi %not3A_421, %not3A_423 : vector<8x4096xi1>
    %lt3A_425 = arith.cmpf olt, %slice3A_411, %select_n3A_401 : vector<8x4096xf32>
    %and3A_426 = arith.andi %and3A_424, %lt3A_425 : vector<8x4096xi1>
    %or3A_427 = arith.ori %lt3A_415, %and3A_419 : vector<8x4096xi1>
    %select_n3A_428 = arith.select %and3A_426, %slice3A_411, %select_n3A_401 : vector<8x4096xi1>, vector<8x4096xf32>
    %select_n3A_429 = arith.select %or3A_427, %select_n3A_406, %select_n3A_428 : vector<8x4096xi1>, vector<8x4096xf32>
    %or3A_430 = arith.ori %lt3A_415, %and3A_419 : vector<8x4096xi1>
    %select_n3A_431 = arith.select %and3A_426, %add3A_414, %select_n3A_404 : vector<8x4096xi1>, vector<8x4096xf32>
    %select_n3A_432 = arith.select %or3A_430, %select_n3A_408, %select_n3A_431 : vector<8x4096xi1>, vector<8x4096xf32>
    %select_n3A_433 = arith.select %and3A_419, %slice3A_411, %select_n3A_406 : vector<8x4096xi1>, vector<8x4096xf32>
    %select_n3A_434 = arith.select %lt3A_415, %select_n3A_409, %select_n3A_433 : vector<8x4096xi1>, vector<8x4096xf32>
    %select_n3A_435 = arith.select %and3A_419, %add3A_414, %select_n3A_408 : vector<8x4096xi1>, vector<8x4096xf32>
    %select_n3A_436 = arith.select %lt3A_415, %select_n3A_410, %select_n3A_435 : vector<8x4096xi1>, vector<8x4096xf32>
    %select_n3A_437 = arith.select %lt3A_415, %slice3A_411, %select_n3A_409 : vector<8x4096xi1>, vector<8x4096xf32>
    %select_n3A_438 = arith.select %lt3A_415, %add3A_414, %select_n3A_410 : vector<8x4096xi1>, vector<8x4096xf32>
    %slice3A_439 = vector.extract_strided_slice %transpose3A {offsets = [120, 0], sizes = [8, 4096], strides = [1, 1]} : vector<256x4096xf32> to vector<8x4096xf32>
    %add3A_440 = arith.constant 1.200000e+02 : f32
    %add3A_441 = vector.broadcast %add3A_440 : f32 to vector<8x4096xf32>
    %add3A_442 = arith.addf %add3A, %add3A_441 : vector<8x4096xf32>
    %lt3A_443 = arith.cmpf olt, %slice3A_439, %select_n3A_437 : vector<8x4096xf32>
    %not3A_444 = arith.constant dense<true> : vector<8x4096xi1>
    %not3A_445 = arith.xori %lt3A_443, %not3A_444 : vector<8x4096xi1>
    %lt3A_446 = arith.cmpf olt, %slice3A_439, %select_n3A_434 : vector<8x4096xf32>
    %and3A_447 = arith.andi %not3A_445, %lt3A_446 : vector<8x4096xi1>
    %not3A_448 = arith.constant dense<true> : vector<8x4096xi1>
    %not3A_449 = arith.xori %lt3A_443, %not3A_448 : vector<8x4096xi1>
    %not3A_450 = arith.constant dense<true> : vector<8x4096xi1>
    %not3A_451 = arith.xori %and3A_447, %not3A_450 : vector<8x4096xi1>
    %and3A_452 = arith.andi %not3A_449, %not3A_451 : vector<8x4096xi1>
    %lt3A_453 = arith.cmpf olt, %slice3A_439, %select_n3A_429 : vector<8x4096xf32>
    %and3A_454 = arith.andi %and3A_452, %lt3A_453 : vector<8x4096xi1>
    %or3A_455 = arith.ori %lt3A_443, %and3A_447 : vector<8x4096xi1>
    %select_n3A_456 = arith.select %and3A_454, %slice3A_439, %select_n3A_429 : vector<8x4096xi1>, vector<8x4096xf32>
    %select_n3A_457 = arith.select %or3A_455, %select_n3A_434, %select_n3A_456 : vector<8x4096xi1>, vector<8x4096xf32>
    %or3A_458 = arith.ori %lt3A_443, %and3A_447 : vector<8x4096xi1>
    %select_n3A_459 = arith.select %and3A_454, %add3A_442, %select_n3A_432 : vector<8x4096xi1>, vector<8x4096xf32>
    %select_n3A_460 = arith.select %or3A_458, %select_n3A_436, %select_n3A_459 : vector<8x4096xi1>, vector<8x4096xf32>
    %select_n3A_461 = arith.select %and3A_447, %slice3A_439, %select_n3A_434 : vector<8x4096xi1>, vector<8x4096xf32>
    %select_n3A_462 = arith.select %lt3A_443, %select_n3A_437, %select_n3A_461 : vector<8x4096xi1>, vector<8x4096xf32>
    %select_n3A_463 = arith.select %and3A_447, %add3A_442, %select_n3A_436 : vector<8x4096xi1>, vector<8x4096xf32>
    %select_n3A_464 = arith.select %lt3A_443, %select_n3A_438, %select_n3A_463 : vector<8x4096xi1>, vector<8x4096xf32>
    %select_n3A_465 = arith.select %lt3A_443, %slice3A_439, %select_n3A_437 : vector<8x4096xi1>, vector<8x4096xf32>
    %select_n3A_466 = arith.select %lt3A_443, %add3A_442, %select_n3A_438 : vector<8x4096xi1>, vector<8x4096xf32>
    %slice3A_467 = vector.extract_strided_slice %transpose3A {offsets = [128, 0], sizes = [8, 4096], strides = [1, 1]} : vector<256x4096xf32> to vector<8x4096xf32>
    %add3A_468 = arith.constant 1.280000e+02 : f32
    %add3A_469 = vector.broadcast %add3A_468 : f32 to vector<8x4096xf32>
    %add3A_470 = arith.addf %add3A, %add3A_469 : vector<8x4096xf32>
    %lt3A_471 = arith.cmpf olt, %slice3A_467, %select_n3A_465 : vector<8x4096xf32>
    %not3A_472 = arith.constant dense<true> : vector<8x4096xi1>
    %not3A_473 = arith.xori %lt3A_471, %not3A_472 : vector<8x4096xi1>
    %lt3A_474 = arith.cmpf olt, %slice3A_467, %select_n3A_462 : vector<8x4096xf32>
    %and3A_475 = arith.andi %not3A_473, %lt3A_474 : vector<8x4096xi1>
    %not3A_476 = arith.constant dense<true> : vector<8x4096xi1>
    %not3A_477 = arith.xori %lt3A_471, %not3A_476 : vector<8x4096xi1>
    %not3A_478 = arith.constant dense<true> : vector<8x4096xi1>
    %not3A_479 = arith.xori %and3A_475, %not3A_478 : vector<8x4096xi1>
    %and3A_480 = arith.andi %not3A_477, %not3A_479 : vector<8x4096xi1>
    %lt3A_481 = arith.cmpf olt, %slice3A_467, %select_n3A_457 : vector<8x4096xf32>
    %and3A_482 = arith.andi %and3A_480, %lt3A_481 : vector<8x4096xi1>
    %or3A_483 = arith.ori %lt3A_471, %and3A_475 : vector<8x4096xi1>
    %select_n3A_484 = arith.select %and3A_482, %slice3A_467, %select_n3A_457 : vector<8x4096xi1>, vector<8x4096xf32>
    %select_n3A_485 = arith.select %or3A_483, %select_n3A_462, %select_n3A_484 : vector<8x4096xi1>, vector<8x4096xf32>
    %or3A_486 = arith.ori %lt3A_471, %and3A_475 : vector<8x4096xi1>
    %select_n3A_487 = arith.select %and3A_482, %add3A_470, %select_n3A_460 : vector<8x4096xi1>, vector<8x4096xf32>
    %select_n3A_488 = arith.select %or3A_486, %select_n3A_464, %select_n3A_487 : vector<8x4096xi1>, vector<8x4096xf32>
    %select_n3A_489 = arith.select %and3A_475, %slice3A_467, %select_n3A_462 : vector<8x4096xi1>, vector<8x4096xf32>
    %select_n3A_490 = arith.select %lt3A_471, %select_n3A_465, %select_n3A_489 : vector<8x4096xi1>, vector<8x4096xf32>
    %select_n3A_491 = arith.select %and3A_475, %add3A_470, %select_n3A_464 : vector<8x4096xi1>, vector<8x4096xf32>
    %select_n3A_492 = arith.select %lt3A_471, %select_n3A_466, %select_n3A_491 : vector<8x4096xi1>, vector<8x4096xf32>
    %select_n3A_493 = arith.select %lt3A_471, %slice3A_467, %select_n3A_465 : vector<8x4096xi1>, vector<8x4096xf32>
    %select_n3A_494 = arith.select %lt3A_471, %add3A_470, %select_n3A_466 : vector<8x4096xi1>, vector<8x4096xf32>
    %slice3A_495 = vector.extract_strided_slice %transpose3A {offsets = [136, 0], sizes = [8, 4096], strides = [1, 1]} : vector<256x4096xf32> to vector<8x4096xf32>
    %add3A_496 = arith.constant 1.360000e+02 : f32
    %add3A_497 = vector.broadcast %add3A_496 : f32 to vector<8x4096xf32>
    %add3A_498 = arith.addf %add3A, %add3A_497 : vector<8x4096xf32>
    %lt3A_499 = arith.cmpf olt, %slice3A_495, %select_n3A_493 : vector<8x4096xf32>
    %not3A_500 = arith.constant dense<true> : vector<8x4096xi1>
    %not3A_501 = arith.xori %lt3A_499, %not3A_500 : vector<8x4096xi1>
    %lt3A_502 = arith.cmpf olt, %slice3A_495, %select_n3A_490 : vector<8x4096xf32>
    %and3A_503 = arith.andi %not3A_501, %lt3A_502 : vector<8x4096xi1>
    %not3A_504 = arith.constant dense<true> : vector<8x4096xi1>
    %not3A_505 = arith.xori %lt3A_499, %not3A_504 : vector<8x4096xi1>
    %not3A_506 = arith.constant dense<true> : vector<8x4096xi1>
    %not3A_507 = arith.xori %and3A_503, %not3A_506 : vector<8x4096xi1>
    %and3A_508 = arith.andi %not3A_505, %not3A_507 : vector<8x4096xi1>
    %lt3A_509 = arith.cmpf olt, %slice3A_495, %select_n3A_485 : vector<8x4096xf32>
    %and3A_510 = arith.andi %and3A_508, %lt3A_509 : vector<8x4096xi1>
    %or3A_511 = arith.ori %lt3A_499, %and3A_503 : vector<8x4096xi1>
    %select_n3A_512 = arith.select %and3A_510, %slice3A_495, %select_n3A_485 : vector<8x4096xi1>, vector<8x4096xf32>
    %select_n3A_513 = arith.select %or3A_511, %select_n3A_490, %select_n3A_512 : vector<8x4096xi1>, vector<8x4096xf32>
    %or3A_514 = arith.ori %lt3A_499, %and3A_503 : vector<8x4096xi1>
    %select_n3A_515 = arith.select %and3A_510, %add3A_498, %select_n3A_488 : vector<8x4096xi1>, vector<8x4096xf32>
    %select_n3A_516 = arith.select %or3A_514, %select_n3A_492, %select_n3A_515 : vector<8x4096xi1>, vector<8x4096xf32>
    %select_n3A_517 = arith.select %and3A_503, %slice3A_495, %select_n3A_490 : vector<8x4096xi1>, vector<8x4096xf32>
    %select_n3A_518 = arith.select %lt3A_499, %select_n3A_493, %select_n3A_517 : vector<8x4096xi1>, vector<8x4096xf32>
    %select_n3A_519 = arith.select %and3A_503, %add3A_498, %select_n3A_492 : vector<8x4096xi1>, vector<8x4096xf32>
    %select_n3A_520 = arith.select %lt3A_499, %select_n3A_494, %select_n3A_519 : vector<8x4096xi1>, vector<8x4096xf32>
    %select_n3A_521 = arith.select %lt3A_499, %slice3A_495, %select_n3A_493 : vector<8x4096xi1>, vector<8x4096xf32>
    %select_n3A_522 = arith.select %lt3A_499, %add3A_498, %select_n3A_494 : vector<8x4096xi1>, vector<8x4096xf32>
    %slice3A_523 = vector.extract_strided_slice %transpose3A {offsets = [144, 0], sizes = [8, 4096], strides = [1, 1]} : vector<256x4096xf32> to vector<8x4096xf32>
    %add3A_524 = arith.constant 1.440000e+02 : f32
    %add3A_525 = vector.broadcast %add3A_524 : f32 to vector<8x4096xf32>
    %add3A_526 = arith.addf %add3A, %add3A_525 : vector<8x4096xf32>
    %lt3A_527 = arith.cmpf olt, %slice3A_523, %select_n3A_521 : vector<8x4096xf32>
    %not3A_528 = arith.constant dense<true> : vector<8x4096xi1>
    %not3A_529 = arith.xori %lt3A_527, %not3A_528 : vector<8x4096xi1>
    %lt3A_530 = arith.cmpf olt, %slice3A_523, %select_n3A_518 : vector<8x4096xf32>
    %and3A_531 = arith.andi %not3A_529, %lt3A_530 : vector<8x4096xi1>
    %not3A_532 = arith.constant dense<true> : vector<8x4096xi1>
    %not3A_533 = arith.xori %lt3A_527, %not3A_532 : vector<8x4096xi1>
    %not3A_534 = arith.constant dense<true> : vector<8x4096xi1>
    %not3A_535 = arith.xori %and3A_531, %not3A_534 : vector<8x4096xi1>
    %and3A_536 = arith.andi %not3A_533, %not3A_535 : vector<8x4096xi1>
    %lt3A_537 = arith.cmpf olt, %slice3A_523, %select_n3A_513 : vector<8x4096xf32>
    %and3A_538 = arith.andi %and3A_536, %lt3A_537 : vector<8x4096xi1>
    %or3A_539 = arith.ori %lt3A_527, %and3A_531 : vector<8x4096xi1>
    %select_n3A_540 = arith.select %and3A_538, %slice3A_523, %select_n3A_513 : vector<8x4096xi1>, vector<8x4096xf32>
    %select_n3A_541 = arith.select %or3A_539, %select_n3A_518, %select_n3A_540 : vector<8x4096xi1>, vector<8x4096xf32>
    %or3A_542 = arith.ori %lt3A_527, %and3A_531 : vector<8x4096xi1>
    %select_n3A_543 = arith.select %and3A_538, %add3A_526, %select_n3A_516 : vector<8x4096xi1>, vector<8x4096xf32>
    %select_n3A_544 = arith.select %or3A_542, %select_n3A_520, %select_n3A_543 : vector<8x4096xi1>, vector<8x4096xf32>
    %select_n3A_545 = arith.select %and3A_531, %slice3A_523, %select_n3A_518 : vector<8x4096xi1>, vector<8x4096xf32>
    %select_n3A_546 = arith.select %lt3A_527, %select_n3A_521, %select_n3A_545 : vector<8x4096xi1>, vector<8x4096xf32>
    %select_n3A_547 = arith.select %and3A_531, %add3A_526, %select_n3A_520 : vector<8x4096xi1>, vector<8x4096xf32>
    %select_n3A_548 = arith.select %lt3A_527, %select_n3A_522, %select_n3A_547 : vector<8x4096xi1>, vector<8x4096xf32>
    %select_n3A_549 = arith.select %lt3A_527, %slice3A_523, %select_n3A_521 : vector<8x4096xi1>, vector<8x4096xf32>
    %select_n3A_550 = arith.select %lt3A_527, %add3A_526, %select_n3A_522 : vector<8x4096xi1>, vector<8x4096xf32>
    %slice3A_551 = vector.extract_strided_slice %transpose3A {offsets = [152, 0], sizes = [8, 4096], strides = [1, 1]} : vector<256x4096xf32> to vector<8x4096xf32>
    %add3A_552 = arith.constant 1.520000e+02 : f32
    %add3A_553 = vector.broadcast %add3A_552 : f32 to vector<8x4096xf32>
    %add3A_554 = arith.addf %add3A, %add3A_553 : vector<8x4096xf32>
    %lt3A_555 = arith.cmpf olt, %slice3A_551, %select_n3A_549 : vector<8x4096xf32>
    %not3A_556 = arith.constant dense<true> : vector<8x4096xi1>
    %not3A_557 = arith.xori %lt3A_555, %not3A_556 : vector<8x4096xi1>
    %lt3A_558 = arith.cmpf olt, %slice3A_551, %select_n3A_546 : vector<8x4096xf32>
    %and3A_559 = arith.andi %not3A_557, %lt3A_558 : vector<8x4096xi1>
    %not3A_560 = arith.constant dense<true> : vector<8x4096xi1>
    %not3A_561 = arith.xori %lt3A_555, %not3A_560 : vector<8x4096xi1>
    %not3A_562 = arith.constant dense<true> : vector<8x4096xi1>
    %not3A_563 = arith.xori %and3A_559, %not3A_562 : vector<8x4096xi1>
    %and3A_564 = arith.andi %not3A_561, %not3A_563 : vector<8x4096xi1>
    %lt3A_565 = arith.cmpf olt, %slice3A_551, %select_n3A_541 : vector<8x4096xf32>
    %and3A_566 = arith.andi %and3A_564, %lt3A_565 : vector<8x4096xi1>
    %or3A_567 = arith.ori %lt3A_555, %and3A_559 : vector<8x4096xi1>
    %select_n3A_568 = arith.select %and3A_566, %slice3A_551, %select_n3A_541 : vector<8x4096xi1>, vector<8x4096xf32>
    %select_n3A_569 = arith.select %or3A_567, %select_n3A_546, %select_n3A_568 : vector<8x4096xi1>, vector<8x4096xf32>
    %or3A_570 = arith.ori %lt3A_555, %and3A_559 : vector<8x4096xi1>
    %select_n3A_571 = arith.select %and3A_566, %add3A_554, %select_n3A_544 : vector<8x4096xi1>, vector<8x4096xf32>
    %select_n3A_572 = arith.select %or3A_570, %select_n3A_548, %select_n3A_571 : vector<8x4096xi1>, vector<8x4096xf32>
    %select_n3A_573 = arith.select %and3A_559, %slice3A_551, %select_n3A_546 : vector<8x4096xi1>, vector<8x4096xf32>
    %select_n3A_574 = arith.select %lt3A_555, %select_n3A_549, %select_n3A_573 : vector<8x4096xi1>, vector<8x4096xf32>
    %select_n3A_575 = arith.select %and3A_559, %add3A_554, %select_n3A_548 : vector<8x4096xi1>, vector<8x4096xf32>
    %select_n3A_576 = arith.select %lt3A_555, %select_n3A_550, %select_n3A_575 : vector<8x4096xi1>, vector<8x4096xf32>
    %select_n3A_577 = arith.select %lt3A_555, %slice3A_551, %select_n3A_549 : vector<8x4096xi1>, vector<8x4096xf32>
    %select_n3A_578 = arith.select %lt3A_555, %add3A_554, %select_n3A_550 : vector<8x4096xi1>, vector<8x4096xf32>
    %slice3A_579 = vector.extract_strided_slice %transpose3A {offsets = [160, 0], sizes = [8, 4096], strides = [1, 1]} : vector<256x4096xf32> to vector<8x4096xf32>
    %add3A_580 = arith.constant 1.600000e+02 : f32
    %add3A_581 = vector.broadcast %add3A_580 : f32 to vector<8x4096xf32>
    %add3A_582 = arith.addf %add3A, %add3A_581 : vector<8x4096xf32>
    %lt3A_583 = arith.cmpf olt, %slice3A_579, %select_n3A_577 : vector<8x4096xf32>
    %not3A_584 = arith.constant dense<true> : vector<8x4096xi1>
    %not3A_585 = arith.xori %lt3A_583, %not3A_584 : vector<8x4096xi1>
    %lt3A_586 = arith.cmpf olt, %slice3A_579, %select_n3A_574 : vector<8x4096xf32>
    %and3A_587 = arith.andi %not3A_585, %lt3A_586 : vector<8x4096xi1>
    %not3A_588 = arith.constant dense<true> : vector<8x4096xi1>
    %not3A_589 = arith.xori %lt3A_583, %not3A_588 : vector<8x4096xi1>
    %not3A_590 = arith.constant dense<true> : vector<8x4096xi1>
    %not3A_591 = arith.xori %and3A_587, %not3A_590 : vector<8x4096xi1>
    %and3A_592 = arith.andi %not3A_589, %not3A_591 : vector<8x4096xi1>
    %lt3A_593 = arith.cmpf olt, %slice3A_579, %select_n3A_569 : vector<8x4096xf32>
    %and3A_594 = arith.andi %and3A_592, %lt3A_593 : vector<8x4096xi1>
    %or3A_595 = arith.ori %lt3A_583, %and3A_587 : vector<8x4096xi1>
    %select_n3A_596 = arith.select %and3A_594, %slice3A_579, %select_n3A_569 : vector<8x4096xi1>, vector<8x4096xf32>
    %select_n3A_597 = arith.select %or3A_595, %select_n3A_574, %select_n3A_596 : vector<8x4096xi1>, vector<8x4096xf32>
    %or3A_598 = arith.ori %lt3A_583, %and3A_587 : vector<8x4096xi1>
    %select_n3A_599 = arith.select %and3A_594, %add3A_582, %select_n3A_572 : vector<8x4096xi1>, vector<8x4096xf32>
    %select_n3A_600 = arith.select %or3A_598, %select_n3A_576, %select_n3A_599 : vector<8x4096xi1>, vector<8x4096xf32>
    %select_n3A_601 = arith.select %and3A_587, %slice3A_579, %select_n3A_574 : vector<8x4096xi1>, vector<8x4096xf32>
    %select_n3A_602 = arith.select %lt3A_583, %select_n3A_577, %select_n3A_601 : vector<8x4096xi1>, vector<8x4096xf32>
    %select_n3A_603 = arith.select %and3A_587, %add3A_582, %select_n3A_576 : vector<8x4096xi1>, vector<8x4096xf32>
    %select_n3A_604 = arith.select %lt3A_583, %select_n3A_578, %select_n3A_603 : vector<8x4096xi1>, vector<8x4096xf32>
    %select_n3A_605 = arith.select %lt3A_583, %slice3A_579, %select_n3A_577 : vector<8x4096xi1>, vector<8x4096xf32>
    %select_n3A_606 = arith.select %lt3A_583, %add3A_582, %select_n3A_578 : vector<8x4096xi1>, vector<8x4096xf32>
    %slice3A_607 = vector.extract_strided_slice %transpose3A {offsets = [168, 0], sizes = [8, 4096], strides = [1, 1]} : vector<256x4096xf32> to vector<8x4096xf32>
    %add3A_608 = arith.constant 1.680000e+02 : f32
    %add3A_609 = vector.broadcast %add3A_608 : f32 to vector<8x4096xf32>
    %add3A_610 = arith.addf %add3A, %add3A_609 : vector<8x4096xf32>
    %lt3A_611 = arith.cmpf olt, %slice3A_607, %select_n3A_605 : vector<8x4096xf32>
    %not3A_612 = arith.constant dense<true> : vector<8x4096xi1>
    %not3A_613 = arith.xori %lt3A_611, %not3A_612 : vector<8x4096xi1>
    %lt3A_614 = arith.cmpf olt, %slice3A_607, %select_n3A_602 : vector<8x4096xf32>
    %and3A_615 = arith.andi %not3A_613, %lt3A_614 : vector<8x4096xi1>
    %not3A_616 = arith.constant dense<true> : vector<8x4096xi1>
    %not3A_617 = arith.xori %lt3A_611, %not3A_616 : vector<8x4096xi1>
    %not3A_618 = arith.constant dense<true> : vector<8x4096xi1>
    %not3A_619 = arith.xori %and3A_615, %not3A_618 : vector<8x4096xi1>
    %and3A_620 = arith.andi %not3A_617, %not3A_619 : vector<8x4096xi1>
    %lt3A_621 = arith.cmpf olt, %slice3A_607, %select_n3A_597 : vector<8x4096xf32>
    %and3A_622 = arith.andi %and3A_620, %lt3A_621 : vector<8x4096xi1>
    %or3A_623 = arith.ori %lt3A_611, %and3A_615 : vector<8x4096xi1>
    %select_n3A_624 = arith.select %and3A_622, %slice3A_607, %select_n3A_597 : vector<8x4096xi1>, vector<8x4096xf32>
    %select_n3A_625 = arith.select %or3A_623, %select_n3A_602, %select_n3A_624 : vector<8x4096xi1>, vector<8x4096xf32>
    %or3A_626 = arith.ori %lt3A_611, %and3A_615 : vector<8x4096xi1>
    %select_n3A_627 = arith.select %and3A_622, %add3A_610, %select_n3A_600 : vector<8x4096xi1>, vector<8x4096xf32>
    %select_n3A_628 = arith.select %or3A_626, %select_n3A_604, %select_n3A_627 : vector<8x4096xi1>, vector<8x4096xf32>
    %select_n3A_629 = arith.select %and3A_615, %slice3A_607, %select_n3A_602 : vector<8x4096xi1>, vector<8x4096xf32>
    %select_n3A_630 = arith.select %lt3A_611, %select_n3A_605, %select_n3A_629 : vector<8x4096xi1>, vector<8x4096xf32>
    %select_n3A_631 = arith.select %and3A_615, %add3A_610, %select_n3A_604 : vector<8x4096xi1>, vector<8x4096xf32>
    %select_n3A_632 = arith.select %lt3A_611, %select_n3A_606, %select_n3A_631 : vector<8x4096xi1>, vector<8x4096xf32>
    %select_n3A_633 = arith.select %lt3A_611, %slice3A_607, %select_n3A_605 : vector<8x4096xi1>, vector<8x4096xf32>
    %select_n3A_634 = arith.select %lt3A_611, %add3A_610, %select_n3A_606 : vector<8x4096xi1>, vector<8x4096xf32>
    %slice3A_635 = vector.extract_strided_slice %transpose3A {offsets = [176, 0], sizes = [8, 4096], strides = [1, 1]} : vector<256x4096xf32> to vector<8x4096xf32>
    %add3A_636 = arith.constant 1.760000e+02 : f32
    %add3A_637 = vector.broadcast %add3A_636 : f32 to vector<8x4096xf32>
    %add3A_638 = arith.addf %add3A, %add3A_637 : vector<8x4096xf32>
    %lt3A_639 = arith.cmpf olt, %slice3A_635, %select_n3A_633 : vector<8x4096xf32>
    %not3A_640 = arith.constant dense<true> : vector<8x4096xi1>
    %not3A_641 = arith.xori %lt3A_639, %not3A_640 : vector<8x4096xi1>
    %lt3A_642 = arith.cmpf olt, %slice3A_635, %select_n3A_630 : vector<8x4096xf32>
    %and3A_643 = arith.andi %not3A_641, %lt3A_642 : vector<8x4096xi1>
    %not3A_644 = arith.constant dense<true> : vector<8x4096xi1>
    %not3A_645 = arith.xori %lt3A_639, %not3A_644 : vector<8x4096xi1>
    %not3A_646 = arith.constant dense<true> : vector<8x4096xi1>
    %not3A_647 = arith.xori %and3A_643, %not3A_646 : vector<8x4096xi1>
    %and3A_648 = arith.andi %not3A_645, %not3A_647 : vector<8x4096xi1>
    %lt3A_649 = arith.cmpf olt, %slice3A_635, %select_n3A_625 : vector<8x4096xf32>
    %and3A_650 = arith.andi %and3A_648, %lt3A_649 : vector<8x4096xi1>
    %or3A_651 = arith.ori %lt3A_639, %and3A_643 : vector<8x4096xi1>
    %select_n3A_652 = arith.select %and3A_650, %slice3A_635, %select_n3A_625 : vector<8x4096xi1>, vector<8x4096xf32>
    %select_n3A_653 = arith.select %or3A_651, %select_n3A_630, %select_n3A_652 : vector<8x4096xi1>, vector<8x4096xf32>
    %or3A_654 = arith.ori %lt3A_639, %and3A_643 : vector<8x4096xi1>
    %select_n3A_655 = arith.select %and3A_650, %add3A_638, %select_n3A_628 : vector<8x4096xi1>, vector<8x4096xf32>
    %select_n3A_656 = arith.select %or3A_654, %select_n3A_632, %select_n3A_655 : vector<8x4096xi1>, vector<8x4096xf32>
    %select_n3A_657 = arith.select %and3A_643, %slice3A_635, %select_n3A_630 : vector<8x4096xi1>, vector<8x4096xf32>
    %select_n3A_658 = arith.select %lt3A_639, %select_n3A_633, %select_n3A_657 : vector<8x4096xi1>, vector<8x4096xf32>
    %select_n3A_659 = arith.select %and3A_643, %add3A_638, %select_n3A_632 : vector<8x4096xi1>, vector<8x4096xf32>
    %select_n3A_660 = arith.select %lt3A_639, %select_n3A_634, %select_n3A_659 : vector<8x4096xi1>, vector<8x4096xf32>
    %select_n3A_661 = arith.select %lt3A_639, %slice3A_635, %select_n3A_633 : vector<8x4096xi1>, vector<8x4096xf32>
    %select_n3A_662 = arith.select %lt3A_639, %add3A_638, %select_n3A_634 : vector<8x4096xi1>, vector<8x4096xf32>
    %slice3A_663 = vector.extract_strided_slice %transpose3A {offsets = [184, 0], sizes = [8, 4096], strides = [1, 1]} : vector<256x4096xf32> to vector<8x4096xf32>
    %add3A_664 = arith.constant 1.840000e+02 : f32
    %add3A_665 = vector.broadcast %add3A_664 : f32 to vector<8x4096xf32>
    %add3A_666 = arith.addf %add3A, %add3A_665 : vector<8x4096xf32>
    %lt3A_667 = arith.cmpf olt, %slice3A_663, %select_n3A_661 : vector<8x4096xf32>
    %not3A_668 = arith.constant dense<true> : vector<8x4096xi1>
    %not3A_669 = arith.xori %lt3A_667, %not3A_668 : vector<8x4096xi1>
    %lt3A_670 = arith.cmpf olt, %slice3A_663, %select_n3A_658 : vector<8x4096xf32>
    %and3A_671 = arith.andi %not3A_669, %lt3A_670 : vector<8x4096xi1>
    %not3A_672 = arith.constant dense<true> : vector<8x4096xi1>
    %not3A_673 = arith.xori %lt3A_667, %not3A_672 : vector<8x4096xi1>
    %not3A_674 = arith.constant dense<true> : vector<8x4096xi1>
    %not3A_675 = arith.xori %and3A_671, %not3A_674 : vector<8x4096xi1>
    %and3A_676 = arith.andi %not3A_673, %not3A_675 : vector<8x4096xi1>
    %lt3A_677 = arith.cmpf olt, %slice3A_663, %select_n3A_653 : vector<8x4096xf32>
    %and3A_678 = arith.andi %and3A_676, %lt3A_677 : vector<8x4096xi1>
    %or3A_679 = arith.ori %lt3A_667, %and3A_671 : vector<8x4096xi1>
    %select_n3A_680 = arith.select %and3A_678, %slice3A_663, %select_n3A_653 : vector<8x4096xi1>, vector<8x4096xf32>
    %select_n3A_681 = arith.select %or3A_679, %select_n3A_658, %select_n3A_680 : vector<8x4096xi1>, vector<8x4096xf32>
    %or3A_682 = arith.ori %lt3A_667, %and3A_671 : vector<8x4096xi1>
    %select_n3A_683 = arith.select %and3A_678, %add3A_666, %select_n3A_656 : vector<8x4096xi1>, vector<8x4096xf32>
    %select_n3A_684 = arith.select %or3A_682, %select_n3A_660, %select_n3A_683 : vector<8x4096xi1>, vector<8x4096xf32>
    %select_n3A_685 = arith.select %and3A_671, %slice3A_663, %select_n3A_658 : vector<8x4096xi1>, vector<8x4096xf32>
    %select_n3A_686 = arith.select %lt3A_667, %select_n3A_661, %select_n3A_685 : vector<8x4096xi1>, vector<8x4096xf32>
    %select_n3A_687 = arith.select %and3A_671, %add3A_666, %select_n3A_660 : vector<8x4096xi1>, vector<8x4096xf32>
    %select_n3A_688 = arith.select %lt3A_667, %select_n3A_662, %select_n3A_687 : vector<8x4096xi1>, vector<8x4096xf32>
    %select_n3A_689 = arith.select %lt3A_667, %slice3A_663, %select_n3A_661 : vector<8x4096xi1>, vector<8x4096xf32>
    %select_n3A_690 = arith.select %lt3A_667, %add3A_666, %select_n3A_662 : vector<8x4096xi1>, vector<8x4096xf32>
    %slice3A_691 = vector.extract_strided_slice %transpose3A {offsets = [192, 0], sizes = [8, 4096], strides = [1, 1]} : vector<256x4096xf32> to vector<8x4096xf32>
    %add3A_692 = arith.constant 1.920000e+02 : f32
    %add3A_693 = vector.broadcast %add3A_692 : f32 to vector<8x4096xf32>
    %add3A_694 = arith.addf %add3A, %add3A_693 : vector<8x4096xf32>
    %lt3A_695 = arith.cmpf olt, %slice3A_691, %select_n3A_689 : vector<8x4096xf32>
    %not3A_696 = arith.constant dense<true> : vector<8x4096xi1>
    %not3A_697 = arith.xori %lt3A_695, %not3A_696 : vector<8x4096xi1>
    %lt3A_698 = arith.cmpf olt, %slice3A_691, %select_n3A_686 : vector<8x4096xf32>
    %and3A_699 = arith.andi %not3A_697, %lt3A_698 : vector<8x4096xi1>
    %not3A_700 = arith.constant dense<true> : vector<8x4096xi1>
    %not3A_701 = arith.xori %lt3A_695, %not3A_700 : vector<8x4096xi1>
    %not3A_702 = arith.constant dense<true> : vector<8x4096xi1>
    %not3A_703 = arith.xori %and3A_699, %not3A_702 : vector<8x4096xi1>
    %and3A_704 = arith.andi %not3A_701, %not3A_703 : vector<8x4096xi1>
    %lt3A_705 = arith.cmpf olt, %slice3A_691, %select_n3A_681 : vector<8x4096xf32>
    %and3A_706 = arith.andi %and3A_704, %lt3A_705 : vector<8x4096xi1>
    %or3A_707 = arith.ori %lt3A_695, %and3A_699 : vector<8x4096xi1>
    %select_n3A_708 = arith.select %and3A_706, %slice3A_691, %select_n3A_681 : vector<8x4096xi1>, vector<8x4096xf32>
    %select_n3A_709 = arith.select %or3A_707, %select_n3A_686, %select_n3A_708 : vector<8x4096xi1>, vector<8x4096xf32>
    %or3A_710 = arith.ori %lt3A_695, %and3A_699 : vector<8x4096xi1>
    %select_n3A_711 = arith.select %and3A_706, %add3A_694, %select_n3A_684 : vector<8x4096xi1>, vector<8x4096xf32>
    %select_n3A_712 = arith.select %or3A_710, %select_n3A_688, %select_n3A_711 : vector<8x4096xi1>, vector<8x4096xf32>
    %select_n3A_713 = arith.select %and3A_699, %slice3A_691, %select_n3A_686 : vector<8x4096xi1>, vector<8x4096xf32>
    %select_n3A_714 = arith.select %lt3A_695, %select_n3A_689, %select_n3A_713 : vector<8x4096xi1>, vector<8x4096xf32>
    %select_n3A_715 = arith.select %and3A_699, %add3A_694, %select_n3A_688 : vector<8x4096xi1>, vector<8x4096xf32>
    %select_n3A_716 = arith.select %lt3A_695, %select_n3A_690, %select_n3A_715 : vector<8x4096xi1>, vector<8x4096xf32>
    %select_n3A_717 = arith.select %lt3A_695, %slice3A_691, %select_n3A_689 : vector<8x4096xi1>, vector<8x4096xf32>
    %select_n3A_718 = arith.select %lt3A_695, %add3A_694, %select_n3A_690 : vector<8x4096xi1>, vector<8x4096xf32>
    %slice3A_719 = vector.extract_strided_slice %transpose3A {offsets = [200, 0], sizes = [8, 4096], strides = [1, 1]} : vector<256x4096xf32> to vector<8x4096xf32>
    %add3A_720 = arith.constant 2.000000e+02 : f32
    %add3A_721 = vector.broadcast %add3A_720 : f32 to vector<8x4096xf32>
    %add3A_722 = arith.addf %add3A, %add3A_721 : vector<8x4096xf32>
    %lt3A_723 = arith.cmpf olt, %slice3A_719, %select_n3A_717 : vector<8x4096xf32>
    %not3A_724 = arith.constant dense<true> : vector<8x4096xi1>
    %not3A_725 = arith.xori %lt3A_723, %not3A_724 : vector<8x4096xi1>
    %lt3A_726 = arith.cmpf olt, %slice3A_719, %select_n3A_714 : vector<8x4096xf32>
    %and3A_727 = arith.andi %not3A_725, %lt3A_726 : vector<8x4096xi1>
    %not3A_728 = arith.constant dense<true> : vector<8x4096xi1>
    %not3A_729 = arith.xori %lt3A_723, %not3A_728 : vector<8x4096xi1>
    %not3A_730 = arith.constant dense<true> : vector<8x4096xi1>
    %not3A_731 = arith.xori %and3A_727, %not3A_730 : vector<8x4096xi1>
    %and3A_732 = arith.andi %not3A_729, %not3A_731 : vector<8x4096xi1>
    %lt3A_733 = arith.cmpf olt, %slice3A_719, %select_n3A_709 : vector<8x4096xf32>
    %and3A_734 = arith.andi %and3A_732, %lt3A_733 : vector<8x4096xi1>
    %or3A_735 = arith.ori %lt3A_723, %and3A_727 : vector<8x4096xi1>
    %select_n3A_736 = arith.select %and3A_734, %slice3A_719, %select_n3A_709 : vector<8x4096xi1>, vector<8x4096xf32>
    %select_n3A_737 = arith.select %or3A_735, %select_n3A_714, %select_n3A_736 : vector<8x4096xi1>, vector<8x4096xf32>
    %or3A_738 = arith.ori %lt3A_723, %and3A_727 : vector<8x4096xi1>
    %select_n3A_739 = arith.select %and3A_734, %add3A_722, %select_n3A_712 : vector<8x4096xi1>, vector<8x4096xf32>
    %select_n3A_740 = arith.select %or3A_738, %select_n3A_716, %select_n3A_739 : vector<8x4096xi1>, vector<8x4096xf32>
    %select_n3A_741 = arith.select %and3A_727, %slice3A_719, %select_n3A_714 : vector<8x4096xi1>, vector<8x4096xf32>
    %select_n3A_742 = arith.select %lt3A_723, %select_n3A_717, %select_n3A_741 : vector<8x4096xi1>, vector<8x4096xf32>
    %select_n3A_743 = arith.select %and3A_727, %add3A_722, %select_n3A_716 : vector<8x4096xi1>, vector<8x4096xf32>
    %select_n3A_744 = arith.select %lt3A_723, %select_n3A_718, %select_n3A_743 : vector<8x4096xi1>, vector<8x4096xf32>
    %select_n3A_745 = arith.select %lt3A_723, %slice3A_719, %select_n3A_717 : vector<8x4096xi1>, vector<8x4096xf32>
    %select_n3A_746 = arith.select %lt3A_723, %add3A_722, %select_n3A_718 : vector<8x4096xi1>, vector<8x4096xf32>
    %slice3A_747 = vector.extract_strided_slice %transpose3A {offsets = [208, 0], sizes = [8, 4096], strides = [1, 1]} : vector<256x4096xf32> to vector<8x4096xf32>
    %add3A_748 = arith.constant 2.080000e+02 : f32
    %add3A_749 = vector.broadcast %add3A_748 : f32 to vector<8x4096xf32>
    %add3A_750 = arith.addf %add3A, %add3A_749 : vector<8x4096xf32>
    %lt3A_751 = arith.cmpf olt, %slice3A_747, %select_n3A_745 : vector<8x4096xf32>
    %not3A_752 = arith.constant dense<true> : vector<8x4096xi1>
    %not3A_753 = arith.xori %lt3A_751, %not3A_752 : vector<8x4096xi1>
    %lt3A_754 = arith.cmpf olt, %slice3A_747, %select_n3A_742 : vector<8x4096xf32>
    %and3A_755 = arith.andi %not3A_753, %lt3A_754 : vector<8x4096xi1>
    %not3A_756 = arith.constant dense<true> : vector<8x4096xi1>
    %not3A_757 = arith.xori %lt3A_751, %not3A_756 : vector<8x4096xi1>
    %not3A_758 = arith.constant dense<true> : vector<8x4096xi1>
    %not3A_759 = arith.xori %and3A_755, %not3A_758 : vector<8x4096xi1>
    %and3A_760 = arith.andi %not3A_757, %not3A_759 : vector<8x4096xi1>
    %lt3A_761 = arith.cmpf olt, %slice3A_747, %select_n3A_737 : vector<8x4096xf32>
    %and3A_762 = arith.andi %and3A_760, %lt3A_761 : vector<8x4096xi1>
    %or3A_763 = arith.ori %lt3A_751, %and3A_755 : vector<8x4096xi1>
    %select_n3A_764 = arith.select %and3A_762, %slice3A_747, %select_n3A_737 : vector<8x4096xi1>, vector<8x4096xf32>
    %select_n3A_765 = arith.select %or3A_763, %select_n3A_742, %select_n3A_764 : vector<8x4096xi1>, vector<8x4096xf32>
    %or3A_766 = arith.ori %lt3A_751, %and3A_755 : vector<8x4096xi1>
    %select_n3A_767 = arith.select %and3A_762, %add3A_750, %select_n3A_740 : vector<8x4096xi1>, vector<8x4096xf32>
    %select_n3A_768 = arith.select %or3A_766, %select_n3A_744, %select_n3A_767 : vector<8x4096xi1>, vector<8x4096xf32>
    %select_n3A_769 = arith.select %and3A_755, %slice3A_747, %select_n3A_742 : vector<8x4096xi1>, vector<8x4096xf32>
    %select_n3A_770 = arith.select %lt3A_751, %select_n3A_745, %select_n3A_769 : vector<8x4096xi1>, vector<8x4096xf32>
    %select_n3A_771 = arith.select %and3A_755, %add3A_750, %select_n3A_744 : vector<8x4096xi1>, vector<8x4096xf32>
    %select_n3A_772 = arith.select %lt3A_751, %select_n3A_746, %select_n3A_771 : vector<8x4096xi1>, vector<8x4096xf32>
    %select_n3A_773 = arith.select %lt3A_751, %slice3A_747, %select_n3A_745 : vector<8x4096xi1>, vector<8x4096xf32>
    %select_n3A_774 = arith.select %lt3A_751, %add3A_750, %select_n3A_746 : vector<8x4096xi1>, vector<8x4096xf32>
    %slice3A_775 = vector.extract_strided_slice %transpose3A {offsets = [216, 0], sizes = [8, 4096], strides = [1, 1]} : vector<256x4096xf32> to vector<8x4096xf32>
    %add3A_776 = arith.constant 2.160000e+02 : f32
    %add3A_777 = vector.broadcast %add3A_776 : f32 to vector<8x4096xf32>
    %add3A_778 = arith.addf %add3A, %add3A_777 : vector<8x4096xf32>
    %lt3A_779 = arith.cmpf olt, %slice3A_775, %select_n3A_773 : vector<8x4096xf32>
    %not3A_780 = arith.constant dense<true> : vector<8x4096xi1>
    %not3A_781 = arith.xori %lt3A_779, %not3A_780 : vector<8x4096xi1>
    %lt3A_782 = arith.cmpf olt, %slice3A_775, %select_n3A_770 : vector<8x4096xf32>
    %and3A_783 = arith.andi %not3A_781, %lt3A_782 : vector<8x4096xi1>
    %not3A_784 = arith.constant dense<true> : vector<8x4096xi1>
    %not3A_785 = arith.xori %lt3A_779, %not3A_784 : vector<8x4096xi1>
    %not3A_786 = arith.constant dense<true> : vector<8x4096xi1>
    %not3A_787 = arith.xori %and3A_783, %not3A_786 : vector<8x4096xi1>
    %and3A_788 = arith.andi %not3A_785, %not3A_787 : vector<8x4096xi1>
    %lt3A_789 = arith.cmpf olt, %slice3A_775, %select_n3A_765 : vector<8x4096xf32>
    %and3A_790 = arith.andi %and3A_788, %lt3A_789 : vector<8x4096xi1>
    %or3A_791 = arith.ori %lt3A_779, %and3A_783 : vector<8x4096xi1>
    %select_n3A_792 = arith.select %and3A_790, %slice3A_775, %select_n3A_765 : vector<8x4096xi1>, vector<8x4096xf32>
    %select_n3A_793 = arith.select %or3A_791, %select_n3A_770, %select_n3A_792 : vector<8x4096xi1>, vector<8x4096xf32>
    %or3A_794 = arith.ori %lt3A_779, %and3A_783 : vector<8x4096xi1>
    %select_n3A_795 = arith.select %and3A_790, %add3A_778, %select_n3A_768 : vector<8x4096xi1>, vector<8x4096xf32>
    %select_n3A_796 = arith.select %or3A_794, %select_n3A_772, %select_n3A_795 : vector<8x4096xi1>, vector<8x4096xf32>
    %select_n3A_797 = arith.select %and3A_783, %slice3A_775, %select_n3A_770 : vector<8x4096xi1>, vector<8x4096xf32>
    %select_n3A_798 = arith.select %lt3A_779, %select_n3A_773, %select_n3A_797 : vector<8x4096xi1>, vector<8x4096xf32>
    %select_n3A_799 = arith.select %and3A_783, %add3A_778, %select_n3A_772 : vector<8x4096xi1>, vector<8x4096xf32>
    %select_n3A_800 = arith.select %lt3A_779, %select_n3A_774, %select_n3A_799 : vector<8x4096xi1>, vector<8x4096xf32>
    %select_n3A_801 = arith.select %lt3A_779, %slice3A_775, %select_n3A_773 : vector<8x4096xi1>, vector<8x4096xf32>
    %select_n3A_802 = arith.select %lt3A_779, %add3A_778, %select_n3A_774 : vector<8x4096xi1>, vector<8x4096xf32>
    %slice3A_803 = vector.extract_strided_slice %transpose3A {offsets = [224, 0], sizes = [8, 4096], strides = [1, 1]} : vector<256x4096xf32> to vector<8x4096xf32>
    %add3A_804 = arith.constant 2.240000e+02 : f32
    %add3A_805 = vector.broadcast %add3A_804 : f32 to vector<8x4096xf32>
    %add3A_806 = arith.addf %add3A, %add3A_805 : vector<8x4096xf32>
    %lt3A_807 = arith.cmpf olt, %slice3A_803, %select_n3A_801 : vector<8x4096xf32>
    %not3A_808 = arith.constant dense<true> : vector<8x4096xi1>
    %not3A_809 = arith.xori %lt3A_807, %not3A_808 : vector<8x4096xi1>
    %lt3A_810 = arith.cmpf olt, %slice3A_803, %select_n3A_798 : vector<8x4096xf32>
    %and3A_811 = arith.andi %not3A_809, %lt3A_810 : vector<8x4096xi1>
    %not3A_812 = arith.constant dense<true> : vector<8x4096xi1>
    %not3A_813 = arith.xori %lt3A_807, %not3A_812 : vector<8x4096xi1>
    %not3A_814 = arith.constant dense<true> : vector<8x4096xi1>
    %not3A_815 = arith.xori %and3A_811, %not3A_814 : vector<8x4096xi1>
    %and3A_816 = arith.andi %not3A_813, %not3A_815 : vector<8x4096xi1>
    %lt3A_817 = arith.cmpf olt, %slice3A_803, %select_n3A_793 : vector<8x4096xf32>
    %and3A_818 = arith.andi %and3A_816, %lt3A_817 : vector<8x4096xi1>
    %or3A_819 = arith.ori %lt3A_807, %and3A_811 : vector<8x4096xi1>
    %select_n3A_820 = arith.select %and3A_818, %slice3A_803, %select_n3A_793 : vector<8x4096xi1>, vector<8x4096xf32>
    %select_n3A_821 = arith.select %or3A_819, %select_n3A_798, %select_n3A_820 : vector<8x4096xi1>, vector<8x4096xf32>
    %or3A_822 = arith.ori %lt3A_807, %and3A_811 : vector<8x4096xi1>
    %select_n3A_823 = arith.select %and3A_818, %add3A_806, %select_n3A_796 : vector<8x4096xi1>, vector<8x4096xf32>
    %select_n3A_824 = arith.select %or3A_822, %select_n3A_800, %select_n3A_823 : vector<8x4096xi1>, vector<8x4096xf32>
    %select_n3A_825 = arith.select %and3A_811, %slice3A_803, %select_n3A_798 : vector<8x4096xi1>, vector<8x4096xf32>
    %select_n3A_826 = arith.select %lt3A_807, %select_n3A_801, %select_n3A_825 : vector<8x4096xi1>, vector<8x4096xf32>
    %select_n3A_827 = arith.select %and3A_811, %add3A_806, %select_n3A_800 : vector<8x4096xi1>, vector<8x4096xf32>
    %select_n3A_828 = arith.select %lt3A_807, %select_n3A_802, %select_n3A_827 : vector<8x4096xi1>, vector<8x4096xf32>
    %select_n3A_829 = arith.select %lt3A_807, %slice3A_803, %select_n3A_801 : vector<8x4096xi1>, vector<8x4096xf32>
    %select_n3A_830 = arith.select %lt3A_807, %add3A_806, %select_n3A_802 : vector<8x4096xi1>, vector<8x4096xf32>
    %slice3A_831 = vector.extract_strided_slice %transpose3A {offsets = [232, 0], sizes = [8, 4096], strides = [1, 1]} : vector<256x4096xf32> to vector<8x4096xf32>
    %add3A_832 = arith.constant 2.320000e+02 : f32
    %add3A_833 = vector.broadcast %add3A_832 : f32 to vector<8x4096xf32>
    %add3A_834 = arith.addf %add3A, %add3A_833 : vector<8x4096xf32>
    %lt3A_835 = arith.cmpf olt, %slice3A_831, %select_n3A_829 : vector<8x4096xf32>
    %not3A_836 = arith.constant dense<true> : vector<8x4096xi1>
    %not3A_837 = arith.xori %lt3A_835, %not3A_836 : vector<8x4096xi1>
    %lt3A_838 = arith.cmpf olt, %slice3A_831, %select_n3A_826 : vector<8x4096xf32>
    %and3A_839 = arith.andi %not3A_837, %lt3A_838 : vector<8x4096xi1>
    %not3A_840 = arith.constant dense<true> : vector<8x4096xi1>
    %not3A_841 = arith.xori %lt3A_835, %not3A_840 : vector<8x4096xi1>
    %not3A_842 = arith.constant dense<true> : vector<8x4096xi1>
    %not3A_843 = arith.xori %and3A_839, %not3A_842 : vector<8x4096xi1>
    %and3A_844 = arith.andi %not3A_841, %not3A_843 : vector<8x4096xi1>
    %lt3A_845 = arith.cmpf olt, %slice3A_831, %select_n3A_821 : vector<8x4096xf32>
    %and3A_846 = arith.andi %and3A_844, %lt3A_845 : vector<8x4096xi1>
    %or3A_847 = arith.ori %lt3A_835, %and3A_839 : vector<8x4096xi1>
    %select_n3A_848 = arith.select %and3A_846, %slice3A_831, %select_n3A_821 : vector<8x4096xi1>, vector<8x4096xf32>
    %select_n3A_849 = arith.select %or3A_847, %select_n3A_826, %select_n3A_848 : vector<8x4096xi1>, vector<8x4096xf32>
    %or3A_850 = arith.ori %lt3A_835, %and3A_839 : vector<8x4096xi1>
    %select_n3A_851 = arith.select %and3A_846, %add3A_834, %select_n3A_824 : vector<8x4096xi1>, vector<8x4096xf32>
    %select_n3A_852 = arith.select %or3A_850, %select_n3A_828, %select_n3A_851 : vector<8x4096xi1>, vector<8x4096xf32>
    %select_n3A_853 = arith.select %and3A_839, %slice3A_831, %select_n3A_826 : vector<8x4096xi1>, vector<8x4096xf32>
    %select_n3A_854 = arith.select %lt3A_835, %select_n3A_829, %select_n3A_853 : vector<8x4096xi1>, vector<8x4096xf32>
    %select_n3A_855 = arith.select %and3A_839, %add3A_834, %select_n3A_828 : vector<8x4096xi1>, vector<8x4096xf32>
    %select_n3A_856 = arith.select %lt3A_835, %select_n3A_830, %select_n3A_855 : vector<8x4096xi1>, vector<8x4096xf32>
    %select_n3A_857 = arith.select %lt3A_835, %slice3A_831, %select_n3A_829 : vector<8x4096xi1>, vector<8x4096xf32>
    %select_n3A_858 = arith.select %lt3A_835, %add3A_834, %select_n3A_830 : vector<8x4096xi1>, vector<8x4096xf32>
    %slice3A_859 = vector.extract_strided_slice %transpose3A {offsets = [240, 0], sizes = [8, 4096], strides = [1, 1]} : vector<256x4096xf32> to vector<8x4096xf32>
    %add3A_860 = arith.constant 2.400000e+02 : f32
    %add3A_861 = vector.broadcast %add3A_860 : f32 to vector<8x4096xf32>
    %add3A_862 = arith.addf %add3A, %add3A_861 : vector<8x4096xf32>
    %lt3A_863 = arith.cmpf olt, %slice3A_859, %select_n3A_857 : vector<8x4096xf32>
    %not3A_864 = arith.constant dense<true> : vector<8x4096xi1>
    %not3A_865 = arith.xori %lt3A_863, %not3A_864 : vector<8x4096xi1>
    %lt3A_866 = arith.cmpf olt, %slice3A_859, %select_n3A_854 : vector<8x4096xf32>
    %and3A_867 = arith.andi %not3A_865, %lt3A_866 : vector<8x4096xi1>
    %not3A_868 = arith.constant dense<true> : vector<8x4096xi1>
    %not3A_869 = arith.xori %lt3A_863, %not3A_868 : vector<8x4096xi1>
    %not3A_870 = arith.constant dense<true> : vector<8x4096xi1>
    %not3A_871 = arith.xori %and3A_867, %not3A_870 : vector<8x4096xi1>
    %and3A_872 = arith.andi %not3A_869, %not3A_871 : vector<8x4096xi1>
    %lt3A_873 = arith.cmpf olt, %slice3A_859, %select_n3A_849 : vector<8x4096xf32>
    %and3A_874 = arith.andi %and3A_872, %lt3A_873 : vector<8x4096xi1>
    %or3A_875 = arith.ori %lt3A_863, %and3A_867 : vector<8x4096xi1>
    %select_n3A_876 = arith.select %and3A_874, %slice3A_859, %select_n3A_849 : vector<8x4096xi1>, vector<8x4096xf32>
    %select_n3A_877 = arith.select %or3A_875, %select_n3A_854, %select_n3A_876 : vector<8x4096xi1>, vector<8x4096xf32>
    %or3A_878 = arith.ori %lt3A_863, %and3A_867 : vector<8x4096xi1>
    %select_n3A_879 = arith.select %and3A_874, %add3A_862, %select_n3A_852 : vector<8x4096xi1>, vector<8x4096xf32>
    %select_n3A_880 = arith.select %or3A_878, %select_n3A_856, %select_n3A_879 : vector<8x4096xi1>, vector<8x4096xf32>
    %select_n3A_881 = arith.select %and3A_867, %slice3A_859, %select_n3A_854 : vector<8x4096xi1>, vector<8x4096xf32>
    %select_n3A_882 = arith.select %lt3A_863, %select_n3A_857, %select_n3A_881 : vector<8x4096xi1>, vector<8x4096xf32>
    %select_n3A_883 = arith.select %and3A_867, %add3A_862, %select_n3A_856 : vector<8x4096xi1>, vector<8x4096xf32>
    %select_n3A_884 = arith.select %lt3A_863, %select_n3A_858, %select_n3A_883 : vector<8x4096xi1>, vector<8x4096xf32>
    %select_n3A_885 = arith.select %lt3A_863, %slice3A_859, %select_n3A_857 : vector<8x4096xi1>, vector<8x4096xf32>
    %select_n3A_886 = arith.select %lt3A_863, %add3A_862, %select_n3A_858 : vector<8x4096xi1>, vector<8x4096xf32>
    %slice3A_887 = vector.extract_strided_slice %transpose3A {offsets = [248, 0], sizes = [8, 4096], strides = [1, 1]} : vector<256x4096xf32> to vector<8x4096xf32>
    %add3A_888 = arith.constant 2.480000e+02 : f32
    %add3A_889 = vector.broadcast %add3A_888 : f32 to vector<8x4096xf32>
    %add3A_890 = arith.addf %add3A, %add3A_889 : vector<8x4096xf32>
    %lt3A_891 = arith.cmpf olt, %slice3A_887, %select_n3A_885 : vector<8x4096xf32>
    %not3A_892 = arith.constant dense<true> : vector<8x4096xi1>
    %not3A_893 = arith.xori %lt3A_891, %not3A_892 : vector<8x4096xi1>
    %lt3A_894 = arith.cmpf olt, %slice3A_887, %select_n3A_882 : vector<8x4096xf32>
    %and3A_895 = arith.andi %not3A_893, %lt3A_894 : vector<8x4096xi1>
    %not3A_896 = arith.constant dense<true> : vector<8x4096xi1>
    %not3A_897 = arith.xori %lt3A_891, %not3A_896 : vector<8x4096xi1>
    %not3A_898 = arith.constant dense<true> : vector<8x4096xi1>
    %not3A_899 = arith.xori %and3A_895, %not3A_898 : vector<8x4096xi1>
    %and3A_900 = arith.andi %not3A_897, %not3A_899 : vector<8x4096xi1>
    %lt3A_901 = arith.cmpf olt, %slice3A_887, %select_n3A_877 : vector<8x4096xf32>
    %and3A_902 = arith.andi %and3A_900, %lt3A_901 : vector<8x4096xi1>
    %or3A_903 = arith.ori %lt3A_891, %and3A_895 : vector<8x4096xi1>
    %select_n3A_904 = arith.select %and3A_902, %slice3A_887, %select_n3A_877 : vector<8x4096xi1>, vector<8x4096xf32>
    %select_n3A_905 = arith.select %or3A_903, %select_n3A_882, %select_n3A_904 : vector<8x4096xi1>, vector<8x4096xf32>
    %or3A_906 = arith.ori %lt3A_891, %and3A_895 : vector<8x4096xi1>
    %select_n3A_907 = arith.select %and3A_902, %add3A_890, %select_n3A_880 : vector<8x4096xi1>, vector<8x4096xf32>
    %select_n3A_908 = arith.select %or3A_906, %select_n3A_884, %select_n3A_907 : vector<8x4096xi1>, vector<8x4096xf32>
    %select_n3A_909 = arith.select %and3A_895, %slice3A_887, %select_n3A_882 : vector<8x4096xi1>, vector<8x4096xf32>
    %select_n3A_910 = arith.select %lt3A_891, %select_n3A_885, %select_n3A_909 : vector<8x4096xi1>, vector<8x4096xf32>
    %select_n3A_911 = arith.select %and3A_895, %add3A_890, %select_n3A_884 : vector<8x4096xi1>, vector<8x4096xf32>
    %select_n3A_912 = arith.select %lt3A_891, %select_n3A_886, %select_n3A_911 : vector<8x4096xi1>, vector<8x4096xf32>
    %select_n3A_913 = arith.select %lt3A_891, %slice3A_887, %select_n3A_885 : vector<8x4096xi1>, vector<8x4096xf32>
    %select_n3A_914 = arith.select %lt3A_891, %add3A_890, %select_n3A_886 : vector<8x4096xi1>, vector<8x4096xf32>
    %slice3A_915 = vector.extract_strided_slice %select_n3A_913 {offsets = [0, 0], sizes = [4, 4096], strides = [1, 1]} : vector<8x4096xf32> to vector<4x4096xf32>
    %slice3A_916 = vector.extract_strided_slice %select_n3A_914 {offsets = [0, 0], sizes = [4, 4096], strides = [1, 1]} : vector<8x4096xf32> to vector<4x4096xf32>
    %slice3A_917 = vector.extract_strided_slice %select_n3A_910 {offsets = [0, 0], sizes = [4, 4096], strides = [1, 1]} : vector<8x4096xf32> to vector<4x4096xf32>
    %slice3A_918 = vector.extract_strided_slice %select_n3A_912 {offsets = [0, 0], sizes = [4, 4096], strides = [1, 1]} : vector<8x4096xf32> to vector<4x4096xf32>
    %slice3A_919 = vector.extract_strided_slice %select_n3A_905 {offsets = [0, 0], sizes = [4, 4096], strides = [1, 1]} : vector<8x4096xf32> to vector<4x4096xf32>
    %slice3A_920 = vector.extract_strided_slice %select_n3A_908 {offsets = [0, 0], sizes = [4, 4096], strides = [1, 1]} : vector<8x4096xf32> to vector<4x4096xf32>
    %slice3A_921 = vector.extract_strided_slice %select_n3A_913 {offsets = [4, 0], sizes = [4, 4096], strides = [1, 1]} : vector<8x4096xf32> to vector<4x4096xf32>
    %slice3A_922 = vector.extract_strided_slice %select_n3A_914 {offsets = [4, 0], sizes = [4, 4096], strides = [1, 1]} : vector<8x4096xf32> to vector<4x4096xf32>
    %slice3A_923 = vector.extract_strided_slice %select_n3A_910 {offsets = [4, 0], sizes = [4, 4096], strides = [1, 1]} : vector<8x4096xf32> to vector<4x4096xf32>
    %slice3A_924 = vector.extract_strided_slice %select_n3A_912 {offsets = [4, 0], sizes = [4, 4096], strides = [1, 1]} : vector<8x4096xf32> to vector<4x4096xf32>
    %slice3A_925 = vector.extract_strided_slice %select_n3A_905 {offsets = [4, 0], sizes = [4, 4096], strides = [1, 1]} : vector<8x4096xf32> to vector<4x4096xf32>
    %slice3A_926 = vector.extract_strided_slice %select_n3A_908 {offsets = [4, 0], sizes = [4, 4096], strides = [1, 1]} : vector<8x4096xf32> to vector<4x4096xf32>
    %lt3A_927 = arith.cmpf olt, %slice3A_921, %slice3A_915 : vector<4x4096xf32>
    %eq3A = arith.cmpf oeq, %slice3A_921, %slice3A_915 : vector<4x4096xf32>
    %lt3A_928 = arith.cmpf olt, %slice3A_922, %slice3A_916 : vector<4x4096xf32>
    %and3A_929 = arith.andi %eq3A, %lt3A_928 : vector<4x4096xi1>
    %or3A_930 = arith.ori %lt3A_927, %and3A_929 : vector<4x4096xi1>
    %not3A_931 = arith.constant dense<true> : vector<4x4096xi1>
    %not3A_932 = arith.xori %or3A_930, %not3A_931 : vector<4x4096xi1>
    %lt3A_933 = arith.cmpf olt, %slice3A_921, %slice3A_917 : vector<4x4096xf32>
    %eq3A_934 = arith.cmpf oeq, %slice3A_921, %slice3A_917 : vector<4x4096xf32>
    %lt3A_935 = arith.cmpf olt, %slice3A_922, %slice3A_918 : vector<4x4096xf32>
    %and3A_936 = arith.andi %eq3A_934, %lt3A_935 : vector<4x4096xi1>
    %or3A_937 = arith.ori %lt3A_933, %and3A_936 : vector<4x4096xi1>
    %and3A_938 = arith.andi %not3A_932, %or3A_937 : vector<4x4096xi1>
    %not3A_939 = arith.constant dense<true> : vector<4x4096xi1>
    %not3A_940 = arith.xori %or3A_930, %not3A_939 : vector<4x4096xi1>
    %not3A_941 = arith.constant dense<true> : vector<4x4096xi1>
    %not3A_942 = arith.xori %and3A_938, %not3A_941 : vector<4x4096xi1>
    %and3A_943 = arith.andi %not3A_940, %not3A_942 : vector<4x4096xi1>
    %lt3A_944 = arith.cmpf olt, %slice3A_921, %slice3A_919 : vector<4x4096xf32>
    %eq3A_945 = arith.cmpf oeq, %slice3A_921, %slice3A_919 : vector<4x4096xf32>
    %lt3A_946 = arith.cmpf olt, %slice3A_922, %slice3A_920 : vector<4x4096xf32>
    %and3A_947 = arith.andi %eq3A_945, %lt3A_946 : vector<4x4096xi1>
    %or3A_948 = arith.ori %lt3A_944, %and3A_947 : vector<4x4096xi1>
    %and3A_949 = arith.andi %and3A_943, %or3A_948 : vector<4x4096xi1>
    %or3A_950 = arith.ori %or3A_930, %and3A_938 : vector<4x4096xi1>
    %select_n3A_951 = arith.select %and3A_949, %slice3A_921, %slice3A_919 : vector<4x4096xi1>, vector<4x4096xf32>
    %select_n3A_952 = arith.select %or3A_950, %slice3A_917, %select_n3A_951 : vector<4x4096xi1>, vector<4x4096xf32>
    %or3A_953 = arith.ori %or3A_930, %and3A_938 : vector<4x4096xi1>
    %select_n3A_954 = arith.select %and3A_949, %slice3A_922, %slice3A_920 : vector<4x4096xi1>, vector<4x4096xf32>
    %select_n3A_955 = arith.select %or3A_953, %slice3A_918, %select_n3A_954 : vector<4x4096xi1>, vector<4x4096xf32>
    %select_n3A_956 = arith.select %and3A_938, %slice3A_921, %slice3A_917 : vector<4x4096xi1>, vector<4x4096xf32>
    %select_n3A_957 = arith.select %or3A_930, %slice3A_915, %select_n3A_956 : vector<4x4096xi1>, vector<4x4096xf32>
    %select_n3A_958 = arith.select %and3A_938, %slice3A_922, %slice3A_918 : vector<4x4096xi1>, vector<4x4096xf32>
    %select_n3A_959 = arith.select %or3A_930, %slice3A_916, %select_n3A_958 : vector<4x4096xi1>, vector<4x4096xf32>
    %select_n3A_960 = arith.select %or3A_930, %slice3A_921, %slice3A_915 : vector<4x4096xi1>, vector<4x4096xf32>
    %select_n3A_961 = arith.select %or3A_930, %slice3A_922, %slice3A_916 : vector<4x4096xi1>, vector<4x4096xf32>
    %lt3A_962 = arith.cmpf olt, %slice3A_923, %select_n3A_960 : vector<4x4096xf32>
    %eq3A_963 = arith.cmpf oeq, %slice3A_923, %select_n3A_960 : vector<4x4096xf32>
    %lt3A_964 = arith.cmpf olt, %slice3A_924, %select_n3A_961 : vector<4x4096xf32>
    %and3A_965 = arith.andi %eq3A_963, %lt3A_964 : vector<4x4096xi1>
    %or3A_966 = arith.ori %lt3A_962, %and3A_965 : vector<4x4096xi1>
    %not3A_967 = arith.constant dense<true> : vector<4x4096xi1>
    %not3A_968 = arith.xori %or3A_966, %not3A_967 : vector<4x4096xi1>
    %lt3A_969 = arith.cmpf olt, %slice3A_923, %select_n3A_957 : vector<4x4096xf32>
    %eq3A_970 = arith.cmpf oeq, %slice3A_923, %select_n3A_957 : vector<4x4096xf32>
    %lt3A_971 = arith.cmpf olt, %slice3A_924, %select_n3A_959 : vector<4x4096xf32>
    %and3A_972 = arith.andi %eq3A_970, %lt3A_971 : vector<4x4096xi1>
    %or3A_973 = arith.ori %lt3A_969, %and3A_972 : vector<4x4096xi1>
    %and3A_974 = arith.andi %not3A_968, %or3A_973 : vector<4x4096xi1>
    %not3A_975 = arith.constant dense<true> : vector<4x4096xi1>
    %not3A_976 = arith.xori %or3A_966, %not3A_975 : vector<4x4096xi1>
    %not3A_977 = arith.constant dense<true> : vector<4x4096xi1>
    %not3A_978 = arith.xori %and3A_974, %not3A_977 : vector<4x4096xi1>
    %and3A_979 = arith.andi %not3A_976, %not3A_978 : vector<4x4096xi1>
    %lt3A_980 = arith.cmpf olt, %slice3A_923, %select_n3A_952 : vector<4x4096xf32>
    %eq3A_981 = arith.cmpf oeq, %slice3A_923, %select_n3A_952 : vector<4x4096xf32>
    %lt3A_982 = arith.cmpf olt, %slice3A_924, %select_n3A_955 : vector<4x4096xf32>
    %and3A_983 = arith.andi %eq3A_981, %lt3A_982 : vector<4x4096xi1>
    %or3A_984 = arith.ori %lt3A_980, %and3A_983 : vector<4x4096xi1>
    %and3A_985 = arith.andi %and3A_979, %or3A_984 : vector<4x4096xi1>
    %or3A_986 = arith.ori %or3A_966, %and3A_974 : vector<4x4096xi1>
    %select_n3A_987 = arith.select %and3A_985, %slice3A_923, %select_n3A_952 : vector<4x4096xi1>, vector<4x4096xf32>
    %select_n3A_988 = arith.select %or3A_986, %select_n3A_957, %select_n3A_987 : vector<4x4096xi1>, vector<4x4096xf32>
    %or3A_989 = arith.ori %or3A_966, %and3A_974 : vector<4x4096xi1>
    %select_n3A_990 = arith.select %and3A_985, %slice3A_924, %select_n3A_955 : vector<4x4096xi1>, vector<4x4096xf32>
    %select_n3A_991 = arith.select %or3A_989, %select_n3A_959, %select_n3A_990 : vector<4x4096xi1>, vector<4x4096xf32>
    %select_n3A_992 = arith.select %and3A_974, %slice3A_923, %select_n3A_957 : vector<4x4096xi1>, vector<4x4096xf32>
    %select_n3A_993 = arith.select %or3A_966, %select_n3A_960, %select_n3A_992 : vector<4x4096xi1>, vector<4x4096xf32>
    %select_n3A_994 = arith.select %and3A_974, %slice3A_924, %select_n3A_959 : vector<4x4096xi1>, vector<4x4096xf32>
    %select_n3A_995 = arith.select %or3A_966, %select_n3A_961, %select_n3A_994 : vector<4x4096xi1>, vector<4x4096xf32>
    %select_n3A_996 = arith.select %or3A_966, %slice3A_923, %select_n3A_960 : vector<4x4096xi1>, vector<4x4096xf32>
    %select_n3A_997 = arith.select %or3A_966, %slice3A_924, %select_n3A_961 : vector<4x4096xi1>, vector<4x4096xf32>
    %lt3A_998 = arith.cmpf olt, %slice3A_925, %select_n3A_996 : vector<4x4096xf32>
    %eq3A_999 = arith.cmpf oeq, %slice3A_925, %select_n3A_996 : vector<4x4096xf32>
    %lt3A_1000 = arith.cmpf olt, %slice3A_926, %select_n3A_997 : vector<4x4096xf32>
    %and3A_1001 = arith.andi %eq3A_999, %lt3A_1000 : vector<4x4096xi1>
    %or3A_1002 = arith.ori %lt3A_998, %and3A_1001 : vector<4x4096xi1>
    %not3A_1003 = arith.constant dense<true> : vector<4x4096xi1>
    %not3A_1004 = arith.xori %or3A_1002, %not3A_1003 : vector<4x4096xi1>
    %lt3A_1005 = arith.cmpf olt, %slice3A_925, %select_n3A_993 : vector<4x4096xf32>
    %eq3A_1006 = arith.cmpf oeq, %slice3A_925, %select_n3A_993 : vector<4x4096xf32>
    %lt3A_1007 = arith.cmpf olt, %slice3A_926, %select_n3A_995 : vector<4x4096xf32>
    %and3A_1008 = arith.andi %eq3A_1006, %lt3A_1007 : vector<4x4096xi1>
    %or3A_1009 = arith.ori %lt3A_1005, %and3A_1008 : vector<4x4096xi1>
    %and3A_1010 = arith.andi %not3A_1004, %or3A_1009 : vector<4x4096xi1>
    %not3A_1011 = arith.constant dense<true> : vector<4x4096xi1>
    %not3A_1012 = arith.xori %or3A_1002, %not3A_1011 : vector<4x4096xi1>
    %not3A_1013 = arith.constant dense<true> : vector<4x4096xi1>
    %not3A_1014 = arith.xori %and3A_1010, %not3A_1013 : vector<4x4096xi1>
    %and3A_1015 = arith.andi %not3A_1012, %not3A_1014 : vector<4x4096xi1>
    %lt3A_1016 = arith.cmpf olt, %slice3A_925, %select_n3A_988 : vector<4x4096xf32>
    %eq3A_1017 = arith.cmpf oeq, %slice3A_925, %select_n3A_988 : vector<4x4096xf32>
    %lt3A_1018 = arith.cmpf olt, %slice3A_926, %select_n3A_991 : vector<4x4096xf32>
    %and3A_1019 = arith.andi %eq3A_1017, %lt3A_1018 : vector<4x4096xi1>
    %or3A_1020 = arith.ori %lt3A_1016, %and3A_1019 : vector<4x4096xi1>
    %and3A_1021 = arith.andi %and3A_1015, %or3A_1020 : vector<4x4096xi1>
    %or3A_1022 = arith.ori %or3A_1002, %and3A_1010 : vector<4x4096xi1>
    %select_n3A_1023 = arith.select %and3A_1021, %slice3A_925, %select_n3A_988 : vector<4x4096xi1>, vector<4x4096xf32>
    %select_n3A_1024 = arith.select %or3A_1022, %select_n3A_993, %select_n3A_1023 : vector<4x4096xi1>, vector<4x4096xf32>
    %or3A_1025 = arith.ori %or3A_1002, %and3A_1010 : vector<4x4096xi1>
    %select_n3A_1026 = arith.select %and3A_1021, %slice3A_926, %select_n3A_991 : vector<4x4096xi1>, vector<4x4096xf32>
    %select_n3A_1027 = arith.select %or3A_1025, %select_n3A_995, %select_n3A_1026 : vector<4x4096xi1>, vector<4x4096xf32>
    %select_n3A_1028 = arith.select %and3A_1010, %slice3A_925, %select_n3A_993 : vector<4x4096xi1>, vector<4x4096xf32>
    %select_n3A_1029 = arith.select %or3A_1002, %select_n3A_996, %select_n3A_1028 : vector<4x4096xi1>, vector<4x4096xf32>
    %select_n3A_1030 = arith.select %and3A_1010, %slice3A_926, %select_n3A_995 : vector<4x4096xi1>, vector<4x4096xf32>
    %select_n3A_1031 = arith.select %or3A_1002, %select_n3A_997, %select_n3A_1030 : vector<4x4096xi1>, vector<4x4096xf32>
    %select_n3A_1032 = arith.select %or3A_1002, %slice3A_925, %select_n3A_996 : vector<4x4096xi1>, vector<4x4096xf32>
    %select_n3A_1033 = arith.select %or3A_1002, %slice3A_926, %select_n3A_997 : vector<4x4096xi1>, vector<4x4096xf32>
    %slice3A_1034 = vector.extract_strided_slice %select_n3A_1032 {offsets = [0, 0], sizes = [2, 4096], strides = [1, 1]} : vector<4x4096xf32> to vector<2x4096xf32>
    %slice3A_1035 = vector.extract_strided_slice %select_n3A_1033 {offsets = [0, 0], sizes = [2, 4096], strides = [1, 1]} : vector<4x4096xf32> to vector<2x4096xf32>
    %slice3A_1036 = vector.extract_strided_slice %select_n3A_1029 {offsets = [0, 0], sizes = [2, 4096], strides = [1, 1]} : vector<4x4096xf32> to vector<2x4096xf32>
    %slice3A_1037 = vector.extract_strided_slice %select_n3A_1031 {offsets = [0, 0], sizes = [2, 4096], strides = [1, 1]} : vector<4x4096xf32> to vector<2x4096xf32>
    %slice3A_1038 = vector.extract_strided_slice %select_n3A_1024 {offsets = [0, 0], sizes = [2, 4096], strides = [1, 1]} : vector<4x4096xf32> to vector<2x4096xf32>
    %slice3A_1039 = vector.extract_strided_slice %select_n3A_1027 {offsets = [0, 0], sizes = [2, 4096], strides = [1, 1]} : vector<4x4096xf32> to vector<2x4096xf32>
    %slice3A_1040 = vector.extract_strided_slice %select_n3A_1032 {offsets = [2, 0], sizes = [2, 4096], strides = [1, 1]} : vector<4x4096xf32> to vector<2x4096xf32>
    %slice3A_1041 = vector.extract_strided_slice %select_n3A_1033 {offsets = [2, 0], sizes = [2, 4096], strides = [1, 1]} : vector<4x4096xf32> to vector<2x4096xf32>
    %slice3A_1042 = vector.extract_strided_slice %select_n3A_1029 {offsets = [2, 0], sizes = [2, 4096], strides = [1, 1]} : vector<4x4096xf32> to vector<2x4096xf32>
    %slice3A_1043 = vector.extract_strided_slice %select_n3A_1031 {offsets = [2, 0], sizes = [2, 4096], strides = [1, 1]} : vector<4x4096xf32> to vector<2x4096xf32>
    %slice3A_1044 = vector.extract_strided_slice %select_n3A_1024 {offsets = [2, 0], sizes = [2, 4096], strides = [1, 1]} : vector<4x4096xf32> to vector<2x4096xf32>
    %slice3A_1045 = vector.extract_strided_slice %select_n3A_1027 {offsets = [2, 0], sizes = [2, 4096], strides = [1, 1]} : vector<4x4096xf32> to vector<2x4096xf32>
    %lt3A_1046 = arith.cmpf olt, %slice3A_1040, %slice3A_1034 : vector<2x4096xf32>
    %eq3A_1047 = arith.cmpf oeq, %slice3A_1040, %slice3A_1034 : vector<2x4096xf32>
    %lt3A_1048 = arith.cmpf olt, %slice3A_1041, %slice3A_1035 : vector<2x4096xf32>
    %and3A_1049 = arith.andi %eq3A_1047, %lt3A_1048 : vector<2x4096xi1>
    %or3A_1050 = arith.ori %lt3A_1046, %and3A_1049 : vector<2x4096xi1>
    %not3A_1051 = arith.constant dense<true> : vector<2x4096xi1>
    %not3A_1052 = arith.xori %or3A_1050, %not3A_1051 : vector<2x4096xi1>
    %lt3A_1053 = arith.cmpf olt, %slice3A_1040, %slice3A_1036 : vector<2x4096xf32>
    %eq3A_1054 = arith.cmpf oeq, %slice3A_1040, %slice3A_1036 : vector<2x4096xf32>
    %lt3A_1055 = arith.cmpf olt, %slice3A_1041, %slice3A_1037 : vector<2x4096xf32>
    %and3A_1056 = arith.andi %eq3A_1054, %lt3A_1055 : vector<2x4096xi1>
    %or3A_1057 = arith.ori %lt3A_1053, %and3A_1056 : vector<2x4096xi1>
    %and3A_1058 = arith.andi %not3A_1052, %or3A_1057 : vector<2x4096xi1>
    %not3A_1059 = arith.constant dense<true> : vector<2x4096xi1>
    %not3A_1060 = arith.xori %or3A_1050, %not3A_1059 : vector<2x4096xi1>
    %not3A_1061 = arith.constant dense<true> : vector<2x4096xi1>
    %not3A_1062 = arith.xori %and3A_1058, %not3A_1061 : vector<2x4096xi1>
    %and3A_1063 = arith.andi %not3A_1060, %not3A_1062 : vector<2x4096xi1>
    %lt3A_1064 = arith.cmpf olt, %slice3A_1040, %slice3A_1038 : vector<2x4096xf32>
    %eq3A_1065 = arith.cmpf oeq, %slice3A_1040, %slice3A_1038 : vector<2x4096xf32>
    %lt3A_1066 = arith.cmpf olt, %slice3A_1041, %slice3A_1039 : vector<2x4096xf32>
    %and3A_1067 = arith.andi %eq3A_1065, %lt3A_1066 : vector<2x4096xi1>
    %or3A_1068 = arith.ori %lt3A_1064, %and3A_1067 : vector<2x4096xi1>
    %and3A_1069 = arith.andi %and3A_1063, %or3A_1068 : vector<2x4096xi1>
    %or3A_1070 = arith.ori %or3A_1050, %and3A_1058 : vector<2x4096xi1>
    %select_n3A_1071 = arith.select %and3A_1069, %slice3A_1040, %slice3A_1038 : vector<2x4096xi1>, vector<2x4096xf32>
    %select_n3A_1072 = arith.select %or3A_1070, %slice3A_1036, %select_n3A_1071 : vector<2x4096xi1>, vector<2x4096xf32>
    %or3A_1073 = arith.ori %or3A_1050, %and3A_1058 : vector<2x4096xi1>
    %select_n3A_1074 = arith.select %and3A_1069, %slice3A_1041, %slice3A_1039 : vector<2x4096xi1>, vector<2x4096xf32>
    %select_n3A_1075 = arith.select %or3A_1073, %slice3A_1037, %select_n3A_1074 : vector<2x4096xi1>, vector<2x4096xf32>
    %select_n3A_1076 = arith.select %and3A_1058, %slice3A_1040, %slice3A_1036 : vector<2x4096xi1>, vector<2x4096xf32>
    %select_n3A_1077 = arith.select %or3A_1050, %slice3A_1034, %select_n3A_1076 : vector<2x4096xi1>, vector<2x4096xf32>
    %select_n3A_1078 = arith.select %and3A_1058, %slice3A_1041, %slice3A_1037 : vector<2x4096xi1>, vector<2x4096xf32>
    %select_n3A_1079 = arith.select %or3A_1050, %slice3A_1035, %select_n3A_1078 : vector<2x4096xi1>, vector<2x4096xf32>
    %select_n3A_1080 = arith.select %or3A_1050, %slice3A_1040, %slice3A_1034 : vector<2x4096xi1>, vector<2x4096xf32>
    %select_n3A_1081 = arith.select %or3A_1050, %slice3A_1041, %slice3A_1035 : vector<2x4096xi1>, vector<2x4096xf32>
    %lt3A_1082 = arith.cmpf olt, %slice3A_1042, %select_n3A_1080 : vector<2x4096xf32>
    %eq3A_1083 = arith.cmpf oeq, %slice3A_1042, %select_n3A_1080 : vector<2x4096xf32>
    %lt3A_1084 = arith.cmpf olt, %slice3A_1043, %select_n3A_1081 : vector<2x4096xf32>
    %and3A_1085 = arith.andi %eq3A_1083, %lt3A_1084 : vector<2x4096xi1>
    %or3A_1086 = arith.ori %lt3A_1082, %and3A_1085 : vector<2x4096xi1>
    %not3A_1087 = arith.constant dense<true> : vector<2x4096xi1>
    %not3A_1088 = arith.xori %or3A_1086, %not3A_1087 : vector<2x4096xi1>
    %lt3A_1089 = arith.cmpf olt, %slice3A_1042, %select_n3A_1077 : vector<2x4096xf32>
    %eq3A_1090 = arith.cmpf oeq, %slice3A_1042, %select_n3A_1077 : vector<2x4096xf32>
    %lt3A_1091 = arith.cmpf olt, %slice3A_1043, %select_n3A_1079 : vector<2x4096xf32>
    %and3A_1092 = arith.andi %eq3A_1090, %lt3A_1091 : vector<2x4096xi1>
    %or3A_1093 = arith.ori %lt3A_1089, %and3A_1092 : vector<2x4096xi1>
    %and3A_1094 = arith.andi %not3A_1088, %or3A_1093 : vector<2x4096xi1>
    %not3A_1095 = arith.constant dense<true> : vector<2x4096xi1>
    %not3A_1096 = arith.xori %or3A_1086, %not3A_1095 : vector<2x4096xi1>
    %not3A_1097 = arith.constant dense<true> : vector<2x4096xi1>
    %not3A_1098 = arith.xori %and3A_1094, %not3A_1097 : vector<2x4096xi1>
    %and3A_1099 = arith.andi %not3A_1096, %not3A_1098 : vector<2x4096xi1>
    %lt3A_1100 = arith.cmpf olt, %slice3A_1042, %select_n3A_1072 : vector<2x4096xf32>
    %eq3A_1101 = arith.cmpf oeq, %slice3A_1042, %select_n3A_1072 : vector<2x4096xf32>
    %lt3A_1102 = arith.cmpf olt, %slice3A_1043, %select_n3A_1075 : vector<2x4096xf32>
    %and3A_1103 = arith.andi %eq3A_1101, %lt3A_1102 : vector<2x4096xi1>
    %or3A_1104 = arith.ori %lt3A_1100, %and3A_1103 : vector<2x4096xi1>
    %and3A_1105 = arith.andi %and3A_1099, %or3A_1104 : vector<2x4096xi1>
    %or3A_1106 = arith.ori %or3A_1086, %and3A_1094 : vector<2x4096xi1>
    %select_n3A_1107 = arith.select %and3A_1105, %slice3A_1042, %select_n3A_1072 : vector<2x4096xi1>, vector<2x4096xf32>
    %select_n3A_1108 = arith.select %or3A_1106, %select_n3A_1077, %select_n3A_1107 : vector<2x4096xi1>, vector<2x4096xf32>
    %or3A_1109 = arith.ori %or3A_1086, %and3A_1094 : vector<2x4096xi1>
    %select_n3A_1110 = arith.select %and3A_1105, %slice3A_1043, %select_n3A_1075 : vector<2x4096xi1>, vector<2x4096xf32>
    %select_n3A_1111 = arith.select %or3A_1109, %select_n3A_1079, %select_n3A_1110 : vector<2x4096xi1>, vector<2x4096xf32>
    %select_n3A_1112 = arith.select %and3A_1094, %slice3A_1042, %select_n3A_1077 : vector<2x4096xi1>, vector<2x4096xf32>
    %select_n3A_1113 = arith.select %or3A_1086, %select_n3A_1080, %select_n3A_1112 : vector<2x4096xi1>, vector<2x4096xf32>
    %select_n3A_1114 = arith.select %and3A_1094, %slice3A_1043, %select_n3A_1079 : vector<2x4096xi1>, vector<2x4096xf32>
    %select_n3A_1115 = arith.select %or3A_1086, %select_n3A_1081, %select_n3A_1114 : vector<2x4096xi1>, vector<2x4096xf32>
    %select_n3A_1116 = arith.select %or3A_1086, %slice3A_1042, %select_n3A_1080 : vector<2x4096xi1>, vector<2x4096xf32>
    %select_n3A_1117 = arith.select %or3A_1086, %slice3A_1043, %select_n3A_1081 : vector<2x4096xi1>, vector<2x4096xf32>
    %lt3A_1118 = arith.cmpf olt, %slice3A_1044, %select_n3A_1116 : vector<2x4096xf32>
    %eq3A_1119 = arith.cmpf oeq, %slice3A_1044, %select_n3A_1116 : vector<2x4096xf32>
    %lt3A_1120 = arith.cmpf olt, %slice3A_1045, %select_n3A_1117 : vector<2x4096xf32>
    %and3A_1121 = arith.andi %eq3A_1119, %lt3A_1120 : vector<2x4096xi1>
    %or3A_1122 = arith.ori %lt3A_1118, %and3A_1121 : vector<2x4096xi1>
    %not3A_1123 = arith.constant dense<true> : vector<2x4096xi1>
    %not3A_1124 = arith.xori %or3A_1122, %not3A_1123 : vector<2x4096xi1>
    %lt3A_1125 = arith.cmpf olt, %slice3A_1044, %select_n3A_1113 : vector<2x4096xf32>
    %eq3A_1126 = arith.cmpf oeq, %slice3A_1044, %select_n3A_1113 : vector<2x4096xf32>
    %lt3A_1127 = arith.cmpf olt, %slice3A_1045, %select_n3A_1115 : vector<2x4096xf32>
    %and3A_1128 = arith.andi %eq3A_1126, %lt3A_1127 : vector<2x4096xi1>
    %or3A_1129 = arith.ori %lt3A_1125, %and3A_1128 : vector<2x4096xi1>
    %and3A_1130 = arith.andi %not3A_1124, %or3A_1129 : vector<2x4096xi1>
    %not3A_1131 = arith.constant dense<true> : vector<2x4096xi1>
    %not3A_1132 = arith.xori %or3A_1122, %not3A_1131 : vector<2x4096xi1>
    %not3A_1133 = arith.constant dense<true> : vector<2x4096xi1>
    %not3A_1134 = arith.xori %and3A_1130, %not3A_1133 : vector<2x4096xi1>
    %and3A_1135 = arith.andi %not3A_1132, %not3A_1134 : vector<2x4096xi1>
    %lt3A_1136 = arith.cmpf olt, %slice3A_1044, %select_n3A_1108 : vector<2x4096xf32>
    %eq3A_1137 = arith.cmpf oeq, %slice3A_1044, %select_n3A_1108 : vector<2x4096xf32>
    %lt3A_1138 = arith.cmpf olt, %slice3A_1045, %select_n3A_1111 : vector<2x4096xf32>
    %and3A_1139 = arith.andi %eq3A_1137, %lt3A_1138 : vector<2x4096xi1>
    %or3A_1140 = arith.ori %lt3A_1136, %and3A_1139 : vector<2x4096xi1>
    %and3A_1141 = arith.andi %and3A_1135, %or3A_1140 : vector<2x4096xi1>
    %or3A_1142 = arith.ori %or3A_1122, %and3A_1130 : vector<2x4096xi1>
    %select_n3A_1143 = arith.select %and3A_1141, %slice3A_1044, %select_n3A_1108 : vector<2x4096xi1>, vector<2x4096xf32>
    %select_n3A_1144 = arith.select %or3A_1142, %select_n3A_1113, %select_n3A_1143 : vector<2x4096xi1>, vector<2x4096xf32>
    %or3A_1145 = arith.ori %or3A_1122, %and3A_1130 : vector<2x4096xi1>
    %select_n3A_1146 = arith.select %and3A_1141, %slice3A_1045, %select_n3A_1111 : vector<2x4096xi1>, vector<2x4096xf32>
    %select_n3A_1147 = arith.select %or3A_1145, %select_n3A_1115, %select_n3A_1146 : vector<2x4096xi1>, vector<2x4096xf32>
    %select_n3A_1148 = arith.select %and3A_1130, %slice3A_1044, %select_n3A_1113 : vector<2x4096xi1>, vector<2x4096xf32>
    %select_n3A_1149 = arith.select %or3A_1122, %select_n3A_1116, %select_n3A_1148 : vector<2x4096xi1>, vector<2x4096xf32>
    %select_n3A_1150 = arith.select %and3A_1130, %slice3A_1045, %select_n3A_1115 : vector<2x4096xi1>, vector<2x4096xf32>
    %select_n3A_1151 = arith.select %or3A_1122, %select_n3A_1117, %select_n3A_1150 : vector<2x4096xi1>, vector<2x4096xf32>
    %select_n3A_1152 = arith.select %or3A_1122, %slice3A_1044, %select_n3A_1116 : vector<2x4096xi1>, vector<2x4096xf32>
    %select_n3A_1153 = arith.select %or3A_1122, %slice3A_1045, %select_n3A_1117 : vector<2x4096xi1>, vector<2x4096xf32>
    %slice3A_1154 = vector.extract_strided_slice %select_n3A_1152 {offsets = [0, 0], sizes = [1, 4096], strides = [1, 1]} : vector<2x4096xf32> to vector<1x4096xf32>
    %slice3A_1155 = vector.extract_strided_slice %select_n3A_1153 {offsets = [0, 0], sizes = [1, 4096], strides = [1, 1]} : vector<2x4096xf32> to vector<1x4096xf32>
    %slice3A_1156 = vector.extract_strided_slice %select_n3A_1149 {offsets = [0, 0], sizes = [1, 4096], strides = [1, 1]} : vector<2x4096xf32> to vector<1x4096xf32>
    %slice3A_1157 = vector.extract_strided_slice %select_n3A_1151 {offsets = [0, 0], sizes = [1, 4096], strides = [1, 1]} : vector<2x4096xf32> to vector<1x4096xf32>
    %slice3A_1158 = vector.extract_strided_slice %select_n3A_1144 {offsets = [0, 0], sizes = [1, 4096], strides = [1, 1]} : vector<2x4096xf32> to vector<1x4096xf32>
    %slice3A_1159 = vector.extract_strided_slice %select_n3A_1147 {offsets = [0, 0], sizes = [1, 4096], strides = [1, 1]} : vector<2x4096xf32> to vector<1x4096xf32>
    %slice3A_1160 = vector.extract_strided_slice %select_n3A_1152 {offsets = [1, 0], sizes = [1, 4096], strides = [1, 1]} : vector<2x4096xf32> to vector<1x4096xf32>
    %slice3A_1161 = vector.extract_strided_slice %select_n3A_1153 {offsets = [1, 0], sizes = [1, 4096], strides = [1, 1]} : vector<2x4096xf32> to vector<1x4096xf32>
    %slice3A_1162 = vector.extract_strided_slice %select_n3A_1149 {offsets = [1, 0], sizes = [1, 4096], strides = [1, 1]} : vector<2x4096xf32> to vector<1x4096xf32>
    %slice3A_1163 = vector.extract_strided_slice %select_n3A_1151 {offsets = [1, 0], sizes = [1, 4096], strides = [1, 1]} : vector<2x4096xf32> to vector<1x4096xf32>
    %slice3A_1164 = vector.extract_strided_slice %select_n3A_1144 {offsets = [1, 0], sizes = [1, 4096], strides = [1, 1]} : vector<2x4096xf32> to vector<1x4096xf32>
    %slice3A_1165 = vector.extract_strided_slice %select_n3A_1147 {offsets = [1, 0], sizes = [1, 4096], strides = [1, 1]} : vector<2x4096xf32> to vector<1x4096xf32>
    %lt3A_1166 = arith.cmpf olt, %slice3A_1160, %slice3A_1154 : vector<1x4096xf32>
    %eq3A_1167 = arith.cmpf oeq, %slice3A_1160, %slice3A_1154 : vector<1x4096xf32>
    %lt3A_1168 = arith.cmpf olt, %slice3A_1161, %slice3A_1155 : vector<1x4096xf32>
    %and3A_1169 = arith.andi %eq3A_1167, %lt3A_1168 : vector<1x4096xi1>
    %or3A_1170 = arith.ori %lt3A_1166, %and3A_1169 : vector<1x4096xi1>
    %not3A_1171 = arith.constant dense<true> : vector<1x4096xi1>
    %not3A_1172 = arith.xori %or3A_1170, %not3A_1171 : vector<1x4096xi1>
    %lt3A_1173 = arith.cmpf olt, %slice3A_1160, %slice3A_1156 : vector<1x4096xf32>
    %eq3A_1174 = arith.cmpf oeq, %slice3A_1160, %slice3A_1156 : vector<1x4096xf32>
    %lt3A_1175 = arith.cmpf olt, %slice3A_1161, %slice3A_1157 : vector<1x4096xf32>
    %and3A_1176 = arith.andi %eq3A_1174, %lt3A_1175 : vector<1x4096xi1>
    %or3A_1177 = arith.ori %lt3A_1173, %and3A_1176 : vector<1x4096xi1>
    %and3A_1178 = arith.andi %not3A_1172, %or3A_1177 : vector<1x4096xi1>
    %not3A_1179 = arith.constant dense<true> : vector<1x4096xi1>
    %not3A_1180 = arith.xori %or3A_1170, %not3A_1179 : vector<1x4096xi1>
    %not3A_1181 = arith.constant dense<true> : vector<1x4096xi1>
    %not3A_1182 = arith.xori %and3A_1178, %not3A_1181 : vector<1x4096xi1>
    %and3A_1183 = arith.andi %not3A_1180, %not3A_1182 : vector<1x4096xi1>
    %lt3A_1184 = arith.cmpf olt, %slice3A_1160, %slice3A_1158 : vector<1x4096xf32>
    %eq3A_1185 = arith.cmpf oeq, %slice3A_1160, %slice3A_1158 : vector<1x4096xf32>
    %lt3A_1186 = arith.cmpf olt, %slice3A_1161, %slice3A_1159 : vector<1x4096xf32>
    %and3A_1187 = arith.andi %eq3A_1185, %lt3A_1186 : vector<1x4096xi1>
    %or3A_1188 = arith.ori %lt3A_1184, %and3A_1187 : vector<1x4096xi1>
    %and3A_1189 = arith.andi %and3A_1183, %or3A_1188 : vector<1x4096xi1>
    %or3A_1190 = arith.ori %or3A_1170, %and3A_1178 : vector<1x4096xi1>
    %select_n3A_1191 = arith.select %and3A_1189, %slice3A_1160, %slice3A_1158 : vector<1x4096xi1>, vector<1x4096xf32>
    %select_n3A_1192 = arith.select %or3A_1190, %slice3A_1156, %select_n3A_1191 : vector<1x4096xi1>, vector<1x4096xf32>
    %or3A_1193 = arith.ori %or3A_1170, %and3A_1178 : vector<1x4096xi1>
    %select_n3A_1194 = arith.select %and3A_1189, %slice3A_1161, %slice3A_1159 : vector<1x4096xi1>, vector<1x4096xf32>
    %select_n3A_1195 = arith.select %or3A_1193, %slice3A_1157, %select_n3A_1194 : vector<1x4096xi1>, vector<1x4096xf32>
    %select_n3A_1196 = arith.select %and3A_1178, %slice3A_1160, %slice3A_1156 : vector<1x4096xi1>, vector<1x4096xf32>
    %select_n3A_1197 = arith.select %or3A_1170, %slice3A_1154, %select_n3A_1196 : vector<1x4096xi1>, vector<1x4096xf32>
    %select_n3A_1198 = arith.select %and3A_1178, %slice3A_1161, %slice3A_1157 : vector<1x4096xi1>, vector<1x4096xf32>
    %select_n3A_1199 = arith.select %or3A_1170, %slice3A_1155, %select_n3A_1198 : vector<1x4096xi1>, vector<1x4096xf32>
    %select_n3A_1200 = arith.select %or3A_1170, %slice3A_1160, %slice3A_1154 : vector<1x4096xi1>, vector<1x4096xf32>
    %select_n3A_1201 = arith.select %or3A_1170, %slice3A_1161, %slice3A_1155 : vector<1x4096xi1>, vector<1x4096xf32>
    %lt3A_1202 = arith.cmpf olt, %slice3A_1162, %select_n3A_1200 : vector<1x4096xf32>
    %eq3A_1203 = arith.cmpf oeq, %slice3A_1162, %select_n3A_1200 : vector<1x4096xf32>
    %lt3A_1204 = arith.cmpf olt, %slice3A_1163, %select_n3A_1201 : vector<1x4096xf32>
    %and3A_1205 = arith.andi %eq3A_1203, %lt3A_1204 : vector<1x4096xi1>
    %or3A_1206 = arith.ori %lt3A_1202, %and3A_1205 : vector<1x4096xi1>
    %not3A_1207 = arith.constant dense<true> : vector<1x4096xi1>
    %not3A_1208 = arith.xori %or3A_1206, %not3A_1207 : vector<1x4096xi1>
    %lt3A_1209 = arith.cmpf olt, %slice3A_1162, %select_n3A_1197 : vector<1x4096xf32>
    %eq3A_1210 = arith.cmpf oeq, %slice3A_1162, %select_n3A_1197 : vector<1x4096xf32>
    %lt3A_1211 = arith.cmpf olt, %slice3A_1163, %select_n3A_1199 : vector<1x4096xf32>
    %and3A_1212 = arith.andi %eq3A_1210, %lt3A_1211 : vector<1x4096xi1>
    %or3A_1213 = arith.ori %lt3A_1209, %and3A_1212 : vector<1x4096xi1>
    %and3A_1214 = arith.andi %not3A_1208, %or3A_1213 : vector<1x4096xi1>
    %not3A_1215 = arith.constant dense<true> : vector<1x4096xi1>
    %not3A_1216 = arith.xori %or3A_1206, %not3A_1215 : vector<1x4096xi1>
    %not3A_1217 = arith.constant dense<true> : vector<1x4096xi1>
    %not3A_1218 = arith.xori %and3A_1214, %not3A_1217 : vector<1x4096xi1>
    %and3A_1219 = arith.andi %not3A_1216, %not3A_1218 : vector<1x4096xi1>
    %lt3A_1220 = arith.cmpf olt, %slice3A_1162, %select_n3A_1192 : vector<1x4096xf32>
    %eq3A_1221 = arith.cmpf oeq, %slice3A_1162, %select_n3A_1192 : vector<1x4096xf32>
    %lt3A_1222 = arith.cmpf olt, %slice3A_1163, %select_n3A_1195 : vector<1x4096xf32>
    %and3A_1223 = arith.andi %eq3A_1221, %lt3A_1222 : vector<1x4096xi1>
    %or3A_1224 = arith.ori %lt3A_1220, %and3A_1223 : vector<1x4096xi1>
    %and3A_1225 = arith.andi %and3A_1219, %or3A_1224 : vector<1x4096xi1>
    %or3A_1226 = arith.ori %or3A_1206, %and3A_1214 : vector<1x4096xi1>
    %select_n3A_1227 = arith.select %and3A_1225, %slice3A_1162, %select_n3A_1192 : vector<1x4096xi1>, vector<1x4096xf32>
    %select_n3A_1228 = arith.select %or3A_1226, %select_n3A_1197, %select_n3A_1227 : vector<1x4096xi1>, vector<1x4096xf32>
    %or3A_1229 = arith.ori %or3A_1206, %and3A_1214 : vector<1x4096xi1>
    %select_n3A_1230 = arith.select %and3A_1225, %slice3A_1163, %select_n3A_1195 : vector<1x4096xi1>, vector<1x4096xf32>
    %select_n3A_1231 = arith.select %or3A_1229, %select_n3A_1199, %select_n3A_1230 : vector<1x4096xi1>, vector<1x4096xf32>
    %select_n3A_1232 = arith.select %and3A_1214, %slice3A_1162, %select_n3A_1197 : vector<1x4096xi1>, vector<1x4096xf32>
    %select_n3A_1233 = arith.select %or3A_1206, %select_n3A_1200, %select_n3A_1232 : vector<1x4096xi1>, vector<1x4096xf32>
    %select_n3A_1234 = arith.select %and3A_1214, %slice3A_1163, %select_n3A_1199 : vector<1x4096xi1>, vector<1x4096xf32>
    %select_n3A_1235 = arith.select %or3A_1206, %select_n3A_1201, %select_n3A_1234 : vector<1x4096xi1>, vector<1x4096xf32>
    %select_n3A_1236 = arith.select %or3A_1206, %slice3A_1162, %select_n3A_1200 : vector<1x4096xi1>, vector<1x4096xf32>
    %select_n3A_1237 = arith.select %or3A_1206, %slice3A_1163, %select_n3A_1201 : vector<1x4096xi1>, vector<1x4096xf32>
    %lt3A_1238 = arith.cmpf olt, %slice3A_1164, %select_n3A_1236 : vector<1x4096xf32>
    %eq3A_1239 = arith.cmpf oeq, %slice3A_1164, %select_n3A_1236 : vector<1x4096xf32>
    %lt3A_1240 = arith.cmpf olt, %slice3A_1165, %select_n3A_1237 : vector<1x4096xf32>
    %and3A_1241 = arith.andi %eq3A_1239, %lt3A_1240 : vector<1x4096xi1>
    %or3A_1242 = arith.ori %lt3A_1238, %and3A_1241 : vector<1x4096xi1>
    %not3A_1243 = arith.constant dense<true> : vector<1x4096xi1>
    %not3A_1244 = arith.xori %or3A_1242, %not3A_1243 : vector<1x4096xi1>
    %lt3A_1245 = arith.cmpf olt, %slice3A_1164, %select_n3A_1233 : vector<1x4096xf32>
    %eq3A_1246 = arith.cmpf oeq, %slice3A_1164, %select_n3A_1233 : vector<1x4096xf32>
    %lt3A_1247 = arith.cmpf olt, %slice3A_1165, %select_n3A_1235 : vector<1x4096xf32>
    %and3A_1248 = arith.andi %eq3A_1246, %lt3A_1247 : vector<1x4096xi1>
    %or3A_1249 = arith.ori %lt3A_1245, %and3A_1248 : vector<1x4096xi1>
    %and3A_1250 = arith.andi %not3A_1244, %or3A_1249 : vector<1x4096xi1>
    %not3A_1251 = arith.constant dense<true> : vector<1x4096xi1>
    %not3A_1252 = arith.xori %or3A_1242, %not3A_1251 : vector<1x4096xi1>
    %not3A_1253 = arith.constant dense<true> : vector<1x4096xi1>
    %not3A_1254 = arith.xori %and3A_1250, %not3A_1253 : vector<1x4096xi1>
    %and3A_1255 = arith.andi %not3A_1252, %not3A_1254 : vector<1x4096xi1>
    %lt3A_1256 = arith.cmpf olt, %slice3A_1164, %select_n3A_1228 : vector<1x4096xf32>
    %eq3A_1257 = arith.cmpf oeq, %slice3A_1164, %select_n3A_1228 : vector<1x4096xf32>
    %lt3A_1258 = arith.cmpf olt, %slice3A_1165, %select_n3A_1231 : vector<1x4096xf32>
    %and3A_1259 = arith.andi %eq3A_1257, %lt3A_1258 : vector<1x4096xi1>
    %or3A_1260 = arith.ori %lt3A_1256, %and3A_1259 : vector<1x4096xi1>
    %and3A_1261 = arith.andi %and3A_1255, %or3A_1260 : vector<1x4096xi1>
    %or3A_1262 = arith.ori %or3A_1242, %and3A_1250 : vector<1x4096xi1>
    %select_n3A_1263 = arith.select %and3A_1261, %slice3A_1164, %select_n3A_1228 : vector<1x4096xi1>, vector<1x4096xf32>
    %select_n3A_1264 = arith.select %or3A_1262, %select_n3A_1233, %select_n3A_1263 : vector<1x4096xi1>, vector<1x4096xf32>
    %or3A_1265 = arith.ori %or3A_1242, %and3A_1250 : vector<1x4096xi1>
    %select_n3A_1266 = arith.select %and3A_1261, %slice3A_1165, %select_n3A_1231 : vector<1x4096xi1>, vector<1x4096xf32>
    %select_n3A_1267 = arith.select %or3A_1265, %select_n3A_1235, %select_n3A_1266 : vector<1x4096xi1>, vector<1x4096xf32>
    %select_n3A_1268 = arith.select %and3A_1250, %slice3A_1164, %select_n3A_1233 : vector<1x4096xi1>, vector<1x4096xf32>
    %select_n3A_1269 = arith.select %or3A_1242, %select_n3A_1236, %select_n3A_1268 : vector<1x4096xi1>, vector<1x4096xf32>
    %select_n3A_1270 = arith.select %and3A_1250, %slice3A_1165, %select_n3A_1235 : vector<1x4096xi1>, vector<1x4096xf32>
    %select_n3A_1271 = arith.select %or3A_1242, %select_n3A_1237, %select_n3A_1270 : vector<1x4096xi1>, vector<1x4096xf32>
    %select_n3A_1272 = arith.select %or3A_1242, %slice3A_1164, %select_n3A_1236 : vector<1x4096xi1>, vector<1x4096xf32>
    %select_n3A_1273 = arith.select %or3A_1242, %slice3A_1165, %select_n3A_1237 : vector<1x4096xi1>, vector<1x4096xf32>
    %add3A_1274 = arith.constant 9.99999993E-9 : f32
    %add3A_1275 = vector.broadcast %add3A_1274 : f32 to vector<1x4096xf32>
    %add3A_1276 = arith.addf %select_n3A_1272, %add3A_1275 : vector<1x4096xf32>
    %div3A = arith.constant 1.000000e+00 : f32
    %div3A_1277 = vector.broadcast %div3A : f32 to vector<1x4096xf32>
    %div3A_1278 = arith.divf %div3A_1277, %add3A_1276 : vector<1x4096xf32>
    %add3A_1279 = arith.constant 9.99999993E-9 : f32
    %add3A_1280 = vector.broadcast %add3A_1279 : f32 to vector<1x4096xf32>
    %add3A_1281 = arith.addf %select_n3A_1269, %add3A_1280 : vector<1x4096xf32>
    %div3A_1282 = arith.constant 1.000000e+00 : f32
    %div3A_1283 = vector.broadcast %div3A_1282 : f32 to vector<1x4096xf32>
    %div3A_1284 = arith.divf %div3A_1283, %add3A_1281 : vector<1x4096xf32>
    %add3A_1285 = arith.constant 9.99999993E-9 : f32
    %add3A_1286 = vector.broadcast %add3A_1285 : f32 to vector<1x4096xf32>
    %add3A_1287 = arith.addf %select_n3A_1264, %add3A_1286 : vector<1x4096xf32>
    %div3A_1288 = arith.constant 1.000000e+00 : f32
    %div3A_1289 = vector.broadcast %div3A_1288 : f32 to vector<1x4096xf32>
    %div3A_1290 = arith.divf %div3A_1289, %add3A_1287 : vector<1x4096xf32>
    %add3A_1291 = arith.addf %div3A_1278, %div3A_1284 : vector<1x4096xf32>
    %add3A_1292 = arith.addf %add3A_1291, %div3A_1290 : vector<1x4096xf32>
    %div3A_1293 = arith.divf %div3A_1278, %add3A_1292 : vector<1x4096xf32>
    %div3A_1294 = arith.divf %div3A_1284, %add3A_1292 : vector<1x4096xf32>
    %div3A_1295 = arith.divf %div3A_1290, %add3A_1292 : vector<1x4096xf32>
    %iota3A_1296 = tpu.iota {dimensions = array<i32: 0>} : vector<256x4096xi32>
    %convert_element_type3A_1297 = arith.sitofp %iota3A_1296 : vector<256x4096xi32> to vector<256x4096xf32>
    %mul3A_1298 = arith.constant 0.000000e+00 : f32
    %mul3A_1299 = vector.broadcast %mul3A_1298 : f32 to vector<256x4096xf32>
    %mul3A_1300 = arith.mulf %transpose3A, %mul3A_1299 : vector<256x4096xf32>
    %add3A_1301 = arith.addf %convert_element_type3A_1297, %mul3A_1300 : vector<256x4096xf32>
    %eq3A_1302 = vector.broadcast %select_n3A_1273 : vector<1x4096xf32> to vector<256x4096xf32>
    %eq3A_1303 = arith.cmpf oeq, %add3A_1301, %eq3A_1302 : vector<256x4096xf32>
    %jit3A = arith.constant 0.000000e+00 : f32
    %broadcast_in_dim3A = vector.shape_cast %div3A_1293 : vector<1x4096xf32> to vector<1x4096xf32>
    %broadcast_in_dim3A_1304 = vector.broadcast %broadcast_in_dim3A : vector<1x4096xf32> to vector<256x4096xf32>
    %broadcast_in_dim3A_1305 = vector.broadcast %jit3A : f32 to vector<256x4096xf32>
    %select_n3A_1306 = arith.select %eq3A_1303, %broadcast_in_dim3A_1304, %broadcast_in_dim3A_1305 : vector<256x4096xi1>, vector<256x4096xf32>
    %eq3A_1307 = vector.broadcast %select_n3A_1271 : vector<1x4096xf32> to vector<256x4096xf32>
    %eq3A_1308 = arith.cmpf oeq, %add3A_1301, %eq3A_1307 : vector<256x4096xf32>
    %jit3A_1309 = arith.constant 0.000000e+00 : f32
    %broadcast_in_dim3A_1310 = vector.shape_cast %div3A_1294 : vector<1x4096xf32> to vector<1x4096xf32>
    %broadcast_in_dim3A_1311 = vector.broadcast %broadcast_in_dim3A_1310 : vector<1x4096xf32> to vector<256x4096xf32>
    %broadcast_in_dim3A_1312 = vector.broadcast %jit3A_1309 : f32 to vector<256x4096xf32>
    %select_n3A_1313 = arith.select %eq3A_1308, %broadcast_in_dim3A_1311, %broadcast_in_dim3A_1312 : vector<256x4096xi1>, vector<256x4096xf32>
    %add3A_1314 = arith.addf %select_n3A_1306, %select_n3A_1313 : vector<256x4096xf32>
    %eq3A_1315 = vector.broadcast %select_n3A_1267 : vector<1x4096xf32> to vector<256x4096xf32>
    %eq3A_1316 = arith.cmpf oeq, %add3A_1301, %eq3A_1315 : vector<256x4096xf32>
    %jit3A_1317 = arith.constant 0.000000e+00 : f32
    %broadcast_in_dim3A_1318 = vector.shape_cast %div3A_1295 : vector<1x4096xf32> to vector<1x4096xf32>
    %broadcast_in_dim3A_1319 = vector.broadcast %broadcast_in_dim3A_1318 : vector<1x4096xf32> to vector<256x4096xf32>
    %broadcast_in_dim3A_1320 = vector.broadcast %jit3A_1317 : f32 to vector<256x4096xf32>
    %select_n3A_1321 = arith.select %eq3A_1316, %broadcast_in_dim3A_1319, %broadcast_in_dim3A_1320 : vector<256x4096xi1>, vector<256x4096xf32>
    %add3A_1322 = arith.addf %add3A_1314, %select_n3A_1321 : vector<256x4096xf32>
    %get3A_1323 = arith.constant 0 : index
    %get3A_1324 = arith.constant 0 : index
    %get3A_1325 = arith.constant 0 : index
    %get3A_1326 = vector.load %arg2[%get3A_1323, %get3A_1324, %get3A_1325] : memref<1x256x128xf32, #tpu.memory_space<vmem>>, vector<1x256x128xf32>
    %get3A_1327 = vector.shape_cast %get3A_1326 : vector<1x256x128xf32> to vector<256x128xf32>
    %dot_general3A = arith.constant dense<0.000000e+00> : vector<4096x128xf32>
    %dot_general3A_1328 = tpu.matmul %add3A_1322, %get3A_1327, %dot_general3A {dimension_numbers = #tpu.dot_dimension_numbers<[0], [0], [1], [1], [0, 1, 1, 1], [], []>, precision = #tpu.contract_precision<fp32>, transpose_lhs_hint = false} : vector<256x4096xf32>, vector<256x128xf32>, vector<4096x128xf32> -> vector<4096x128xf32>
    %get3A_1329 = arith.constant 0 : index
    %get3A_1330 = arith.constant 0 : index
    %get3A_1331 = vector.load %arg3[%get3A_1329, %get3A_1330] : memref<128x128xf32, #tpu.memory_space<vmem>>, vector<128x128xf32>
    %get3A_1332 = arith.constant 0 : index
    %get3A_1333 = arith.constant 0 : index
    %get3A_1334 = vector.load %arg4[%get3A_1332, %get3A_1333] : memref<1x128xf32, #tpu.memory_space<vmem>>, vector<1x128xf32>
    %get3A_1335 = arith.constant 0 : index
    %get3A_1336 = arith.constant 0 : index
    %get3A_1337 = vector.load %arg5[%get3A_1335, %get3A_1336] : memref<1x128xf32, #tpu.memory_space<vmem>>, vector<1x128xf32>
    %get3A_1338 = arith.constant 0 : index
    %get3A_1339 = arith.constant 0 : index
    %get3A_1340 = vector.load %arg6[%get3A_1338, %get3A_1339] : memref<1x128xf32, #tpu.memory_space<vmem>>, vector<1x128xf32>
    %get3A_1341 = arith.constant 0 : index
    %get3A_1342 = arith.constant 0 : index
    %get3A_1343 = vector.load %arg7[%get3A_1341, %get3A_1342] : memref<1x128xf32, #tpu.memory_space<vmem>>, vector<1x128xf32>
    %get3A_1344 = arith.constant 0 : index
    %get3A_1345 = arith.constant 0 : index
    %get3A_1346 = vector.load %arg8[%get3A_1344, %get3A_1345] : memref<1x128xf32, #tpu.memory_space<vmem>>, vector<1x128xf32>
    %dot_general3A_1347 = arith.constant dense<0.000000e+00> : vector<4096x128xf32>
    %dot_general3A_1348 = tpu.matmul %dot_general3A_1328, %get3A_1331, %dot_general3A_1347 {dimension_numbers = #tpu.dot_dimension_numbers<[1], [0], [0], [1], [0, 0, 1, 1], [], []>, transpose_lhs_hint = false} : vector<4096x128xf32>, vector<128x128xf32>, vector<4096x128xf32> -> vector<4096x128xf32>
    %add3A_1349 = vector.broadcast %get3A_1334 : vector<1x128xf32> to vector<4096x128xf32>
    %add3A_1350 = arith.addf %dot_general3A_1348, %add3A_1349 : vector<4096x128xf32>
    %sub3A = vector.broadcast %get3A_1337 : vector<1x128xf32> to vector<4096x128xf32>
    %sub3A_1351 = arith.subf %add3A_1350, %sub3A : vector<4096x128xf32>
    %div3A_1352 = vector.broadcast %get3A_1340 : vector<1x128xf32> to vector<4096x128xf32>
    %div3A_1353 = arith.divf %sub3A_1351, %div3A_1352 : vector<4096x128xf32>
    %mul3A_1354 = vector.broadcast %get3A_1343 : vector<1x128xf32> to vector<4096x128xf32>
    %mul3A_1355 = arith.mulf %div3A_1353, %mul3A_1354 : vector<4096x128xf32>
    %add3A_1356 = vector.broadcast %get3A_1346 : vector<1x128xf32> to vector<4096x128xf32>
    %add3A_1357 = arith.addf %mul3A_1355, %add3A_1356 : vector<4096x128xf32>
    %max3A = arith.constant 0.000000e+00 : f32
    %max3A_1358 = vector.broadcast %max3A : f32 to vector<4096x128xf32>
    %max3A_1359 = arith.maximumf %add3A_1357, %max3A_1358 : vector<4096x128xf32>
    %get3A_1360 = arith.constant 0 : index
    %get3A_1361 = arith.constant 0 : index
    %get3A_1362 = vector.load %arg9[%get3A_1360, %get3A_1361] : memref<128x128xf32, #tpu.memory_space<vmem>>, vector<128x128xf32>
    %get3A_1363 = arith.constant 0 : index
    %get3A_1364 = arith.constant 0 : index
    %get3A_1365 = vector.load %arg10[%get3A_1363, %get3A_1364] : memref<1x128xf32, #tpu.memory_space<vmem>>, vector<1x128xf32>
    %get3A_1366 = arith.constant 0 : index
    %get3A_1367 = arith.constant 0 : index
    %get3A_1368 = vector.load %arg11[%get3A_1366, %get3A_1367] : memref<1x128xf32, #tpu.memory_space<vmem>>, vector<1x128xf32>
    %get3A_1369 = arith.constant 0 : index
    %get3A_1370 = arith.constant 0 : index
    %get3A_1371 = vector.load %arg12[%get3A_1369, %get3A_1370] : memref<1x128xf32, #tpu.memory_space<vmem>>, vector<1x128xf32>
    %get3A_1372 = arith.constant 0 : index
    %get3A_1373 = arith.constant 0 : index
    %get3A_1374 = vector.load %arg13[%get3A_1372, %get3A_1373] : memref<1x128xf32, #tpu.memory_space<vmem>>, vector<1x128xf32>
    %get3A_1375 = arith.constant 0 : index
    %get3A_1376 = arith.constant 0 : index
    %get3A_1377 = vector.load %arg14[%get3A_1375, %get3A_1376] : memref<1x128xf32, #tpu.memory_space<vmem>>, vector<1x128xf32>
    %dot_general3A_1378 = arith.constant dense<0.000000e+00> : vector<4096x128xf32>
    %dot_general3A_1379 = tpu.matmul %max3A_1359, %get3A_1362, %dot_general3A_1378 {dimension_numbers = #tpu.dot_dimension_numbers<[1], [0], [0], [1], [0, 0, 1, 1], [], []>, transpose_lhs_hint = false} : vector<4096x128xf32>, vector<128x128xf32>, vector<4096x128xf32> -> vector<4096x128xf32>
    %add3A_1380 = vector.broadcast %get3A_1365 : vector<1x128xf32> to vector<4096x128xf32>
    %add3A_1381 = arith.addf %dot_general3A_1379, %add3A_1380 : vector<4096x128xf32>
    %sub3A_1382 = vector.broadcast %get3A_1368 : vector<1x128xf32> to vector<4096x128xf32>
    %sub3A_1383 = arith.subf %add3A_1381, %sub3A_1382 : vector<4096x128xf32>
    %div3A_1384 = vector.broadcast %get3A_1371 : vector<1x128xf32> to vector<4096x128xf32>
    %div3A_1385 = arith.divf %sub3A_1383, %div3A_1384 : vector<4096x128xf32>
    %mul3A_1386 = vector.broadcast %get3A_1374 : vector<1x128xf32> to vector<4096x128xf32>
    %mul3A_1387 = arith.mulf %div3A_1385, %mul3A_1386 : vector<4096x128xf32>
    %add3A_1388 = vector.broadcast %get3A_1377 : vector<1x128xf32> to vector<4096x128xf32>
    %add3A_1389 = arith.addf %mul3A_1387, %add3A_1388 : vector<4096x128xf32>
    %max3A_1390 = arith.constant 0.000000e+00 : f32
    %max3A_1391 = vector.broadcast %max3A_1390 : f32 to vector<4096x128xf32>
    %max3A_1392 = arith.maximumf %add3A_1389, %max3A_1391 : vector<4096x128xf32>
    %get3A_1393 = arith.constant 0 : index
    %get3A_1394 = arith.constant 0 : index
    %get3A_1395 = vector.load %arg15[%get3A_1393, %get3A_1394] : memref<128x128xf32, #tpu.memory_space<vmem>>, vector<128x128xf32>
    %get3A_1396 = arith.constant 0 : index
    %get3A_1397 = arith.constant 0 : index
    %get3A_1398 = vector.load %arg16[%get3A_1396, %get3A_1397] : memref<1x128xf32, #tpu.memory_space<vmem>>, vector<1x128xf32>
    %get3A_1399 = arith.constant 0 : index
    %get3A_1400 = arith.constant 0 : index
    %get3A_1401 = vector.load %arg17[%get3A_1399, %get3A_1400] : memref<1x128xf32, #tpu.memory_space<vmem>>, vector<1x128xf32>
    %get3A_1402 = arith.constant 0 : index
    %get3A_1403 = arith.constant 0 : index
    %get3A_1404 = vector.load %arg18[%get3A_1402, %get3A_1403] : memref<1x128xf32, #tpu.memory_space<vmem>>, vector<1x128xf32>
    %get3A_1405 = arith.constant 0 : index
    %get3A_1406 = arith.constant 0 : index
    %get3A_1407 = vector.load %arg19[%get3A_1405, %get3A_1406] : memref<1x128xf32, #tpu.memory_space<vmem>>, vector<1x128xf32>
    %get3A_1408 = arith.constant 0 : index
    %get3A_1409 = arith.constant 0 : index
    %get3A_1410 = vector.load %arg20[%get3A_1408, %get3A_1409] : memref<1x128xf32, #tpu.memory_space<vmem>>, vector<1x128xf32>
    %dot_general3A_1411 = arith.constant dense<0.000000e+00> : vector<4096x128xf32>
    %dot_general3A_1412 = tpu.matmul %max3A_1392, %get3A_1395, %dot_general3A_1411 {dimension_numbers = #tpu.dot_dimension_numbers<[1], [0], [0], [1], [0, 0, 1, 1], [], []>, transpose_lhs_hint = false} : vector<4096x128xf32>, vector<128x128xf32>, vector<4096x128xf32> -> vector<4096x128xf32>
    %add3A_1413 = vector.broadcast %get3A_1398 : vector<1x128xf32> to vector<4096x128xf32>
    %add3A_1414 = arith.addf %dot_general3A_1412, %add3A_1413 : vector<4096x128xf32>
    %sub3A_1415 = vector.broadcast %get3A_1401 : vector<1x128xf32> to vector<4096x128xf32>
    %sub3A_1416 = arith.subf %add3A_1414, %sub3A_1415 : vector<4096x128xf32>
    %div3A_1417 = vector.broadcast %get3A_1404 : vector<1x128xf32> to vector<4096x128xf32>
    %div3A_1418 = arith.divf %sub3A_1416, %div3A_1417 : vector<4096x128xf32>
    %mul3A_1419 = vector.broadcast %get3A_1407 : vector<1x128xf32> to vector<4096x128xf32>
    %mul3A_1420 = arith.mulf %div3A_1418, %mul3A_1419 : vector<4096x128xf32>
    %add3A_1421 = vector.broadcast %get3A_1410 : vector<1x128xf32> to vector<4096x128xf32>
    %add3A_1422 = arith.addf %mul3A_1420, %add3A_1421 : vector<4096x128xf32>
    %max3A_1423 = arith.constant 0.000000e+00 : f32
    %max3A_1424 = vector.broadcast %max3A_1423 : f32 to vector<4096x128xf32>
    %max3A_1425 = arith.maximumf %add3A_1422, %max3A_1424 : vector<4096x128xf32>
    %get3A_1426 = arith.constant 0 : index
    %get3A_1427 = arith.constant 0 : index
    %get3A_1428 = vector.load %arg21[%get3A_1426, %get3A_1427] : memref<128x1xf32, #tpu.memory_space<vmem>>, vector<128x1xf32>
    %dot_general3A_1429 = arith.constant dense<0.000000e+00> : vector<4096x1xf32>
    %dot_general3A_1430 = tpu.matmul %max3A_1425, %get3A_1428, %dot_general3A_1429 {dimension_numbers = #tpu.dot_dimension_numbers<[1], [0], [0], [1], [0, 0, 1, 1], [], []>, transpose_lhs_hint = false} : vector<4096x128xf32>, vector<128x1xf32>, vector<4096x1xf32> -> vector<4096x1xf32>
    %get3A_1431 = arith.constant 0 : index
    %get3A_1432 = arith.constant 0 : index
    %get3A_1433 = vector.load %arg22[%get3A_1431, %get3A_1432] : memref<1x1xf32, #tpu.memory_space<vmem>>, vector<1x1xf32>
    %add3A_1434 = vector.broadcast %get3A_1433 : vector<1x1xf32> to vector<4096x1xf32>
    %add3A_1435 = arith.addf %dot_general3A_1430, %add3A_1434 : vector<4096x1xf32>
    %swap3A = arith.constant 0 : index
    %swap3A_1436 = arith.constant 0 : index
    %swap3A_1437 = arith.constant 0 : index
    %swap3A_1438 = vector.load %arg23[%swap3A, %swap3A_1436, %swap3A_1437] : memref<1x4096x1xf32, #tpu.memory_space<vmem>>, vector<1x4096x1xf32>
    %swap3A_1439 = vector.shape_cast %swap3A_1438 : vector<1x4096x1xf32> to vector<4096x1xf32>
    %swap3A_1440 = vector.shape_cast %add3A_1435 : vector<4096x1xf32> to vector<1x4096x1xf32>
    tpu.vector_store %arg23[%swap3A, %swap3A_1436, %swap3A_1437], %swap3A_1440 {strides = array<i32>} : memref<1x4096x1xf32, #tpu.memory_space<vmem>>, vector<1x4096x1xf32>,
    return
  }
  func.func @transform_0(%arg0: i32) -> (i32, i32, i32) {
    %c0_i32 = arith.constant 0 : i32
    %c0_i32_0 = arith.constant 0 : i32
    %c0_i32_1 = arith.constant 0 : i32
    return %arg0, %c0_i32, %c0_i32_0 : i32, i32, i32
  }
  func.func @transform_1(%arg0: i32) -> (i32, i32, i32) {
    %c0_i32 = arith.constant 0 : i32
    %c0_i32_0 = arith.constant 0 : i32
    %c0_i32_1 = arith.constant 0 : i32
    return %arg0, %c0_i32, %c0_i32_0 : i32, i32, i32
  }
  func.func @transform_2(%arg0: i32) -> (i32, i32) {
    %c0_i32 = arith.constant 0 : i32
    %c0_i32_0 = arith.constant 0 : i32
    %c0_i32_1 = arith.constant 0 : i32
    return %c0_i32, %c0_i32_0 : i32, i32
  }
  func.func @transform_3(%arg0: i32) -> (i32, i32) {
    %c0_i32 = arith.constant 0 : i32
    %c0_i32_0 = arith.constant 0 : i32
    %c0_i32_1 = arith.constant 0 : i32
    return %c0_i32, %c0_i32_0 : i32, i32
  }
  func.func @transform_4(%arg0: i32) -> (i32, i32) {
    %c0_i32 = arith.constant 0 : i32
    %c0_i32_0 = arith.constant 0 : i32
    %c0_i32_1 = arith.constant 0 : i32
    return %c0_i32, %c0_i32_0 : i32, i32
  }
  func.func @transform_5(%arg0: i32) -> (i32, i32) {
    %c0_i32 = arith.constant 0 : i32
    %c0_i32_0 = arith.constant 0 : i32
    %c0_i32_1 = arith.constant 0 : i32
    return %c0_i32, %c0_i32_0 : i32, i32
  }
  func.func @transform_6(%arg0: i32) -> (i32, i32) {
    %c0_i32 = arith.constant 0 : i32
    %c0_i32_0 = arith.constant 0 : i32
    %c0_i32_1 = arith.constant 0 : i32
    return %c0_i32, %c0_i32_0 : i32, i32
  }
  func.func @transform_7(%arg0: i32) -> (i32, i32) {
    %c0_i32 = arith.constant 0 : i32
    %c0_i32_0 = arith.constant 0 : i32
    %c0_i32_1 = arith.constant 0 : i32
    return %c0_i32, %c0_i32_0 : i32, i32
  }
  func.func @transform_8(%arg0: i32) -> (i32, i32) {
    %c0_i32 = arith.constant 0 : i32
    %c0_i32_0 = arith.constant 0 : i32
    %c0_i32_1 = arith.constant 0 : i32
    return %c0_i32, %c0_i32_0 : i32, i32
  }
  func.func @transform_9(%arg0: i32) -> (i32, i32) {
    %c0_i32 = arith.constant 0 : i32
    %c0_i32_0 = arith.constant 0 : i32
    %c0_i32_1 = arith.constant 0 : i32
    return %c0_i32, %c0_i32_0 : i32, i32
  }
  func.func @transform_10(%arg0: i32) -> (i32, i32) {
    %c0_i32 = arith.constant 0 : i32
    %c0_i32_0 = arith.constant 0 : i32
    %c0_i32_1 = arith.constant 0 : i32
    return %c0_i32, %c0_i32_0 : i32, i32
  }
  func.func @transform_11(%arg0: i32) -> (i32, i32) {
    %c0_i32 = arith.constant 0 : i32
    %c0_i32_0 = arith.constant 0 : i32
    %c0_i32_1 = arith.constant 0 : i32
    return %c0_i32, %c0_i32_0 : i32, i32
  }
  func.func @transform_12(%arg0: i32) -> (i32, i32) {
    %c0_i32 = arith.constant 0 : i32
    %c0_i32_0 = arith.constant 0 : i32
    %c0_i32_1 = arith.constant 0 : i32
    return %c0_i32, %c0_i32_0 : i32, i32
  }
  func.func @transform_13(%arg0: i32) -> (i32, i32) {
    %c0_i32 = arith.constant 0 : i32
    %c0_i32_0 = arith.constant 0 : i32
    %c0_i32_1 = arith.constant 0 : i32
    return %c0_i32, %c0_i32_0 : i32, i32
  }
  func.func @transform_14(%arg0: i32) -> (i32, i32) {
    %c0_i32 = arith.constant 0 : i32
    %c0_i32_0 = arith.constant 0 : i32
    %c0_i32_1 = arith.constant 0 : i32
    return %c0_i32, %c0_i32_0 : i32, i32
  }
  func.func @transform_15(%arg0: i32) -> (i32, i32) {
    %c0_i32 = arith.constant 0 : i32
    %c0_i32_0 = arith.constant 0 : i32
    %c0_i32_1 = arith.constant 0 : i32
    return %c0_i32, %c0_i32_0 : i32, i32
  }
  func.func @transform_16(%arg0: i32) -> (i32, i32) {
    %c0_i32 = arith.constant 0 : i32
    %c0_i32_0 = arith.constant 0 : i32
    %c0_i32_1 = arith.constant 0 : i32
    return %c0_i32, %c0_i32_0 : i32, i32
  }
  func.func @transform_17(%arg0: i32) -> (i32, i32) {
    %c0_i32 = arith.constant 0 : i32
    %c0_i32_0 = arith.constant 0 : i32
    %c0_i32_1 = arith.constant 0 : i32
    return %c0_i32, %c0_i32_0 : i32, i32
  }
  func.func @transform_18(%arg0: i32) -> (i32, i32) {
    %c0_i32 = arith.constant 0 : i32
    %c0_i32_0 = arith.constant 0 : i32
    %c0_i32_1 = arith.constant 0 : i32
    return %c0_i32, %c0_i32_0 : i32, i32
  }
  func.func @transform_19(%arg0: i32) -> (i32, i32) {
    %c0_i32 = arith.constant 0 : i32
    %c0_i32_0 = arith.constant 0 : i32
    %c0_i32_1 = arith.constant 0 : i32
    return %c0_i32, %c0_i32_0 : i32, i32
  }
  func.func @transform_20(%arg0: i32) -> (i32, i32) {
    %c0_i32 = arith.constant 0 : i32
    %c0_i32_0 = arith.constant 0 : i32
    %c0_i32_1 = arith.constant 0 : i32
    return %c0_i32, %c0_i32_0 : i32, i32
  }
  func.func @transform_21(%arg0: i32) -> (i32, i32) {
    %c0_i32 = arith.constant 0 : i32
    %c0_i32_0 = arith.constant 0 : i32
    %c0_i32_1 = arith.constant 0 : i32
    return %c0_i32, %c0_i32_0 : i32, i32
  }
  func.func @transform_22(%arg0: i32) -> (i32, i32, i32) {
    %c0_i32 = arith.constant 0 : i32
    %c0_i32_0 = arith.constant 0 : i32
    %c0_i32_1 = arith.constant 0 : i32
    return %arg0, %c0_i32, %c0_i32_0 : i32, i32, i32
  }
}

</mosaic_0001>

<sc_bundles>
// kernel: sparse-core-data-format-call.cloned.1.call-start
scs
called_computation_lowered:
.L_overlay_start_0:
0x0: {  	s1 =	sld [smem:$0x3FD9]  }
0x1: {  	s2 =	sld [smem:$0x3FFE];
	_ =	sdelay $0x1  }
0x2: {  	s3 =	srdreg.scid  }
0x3: {  	s0 =	sand.u32 $0x1, s3  }
0x4: {  	s17 =	sshll.u32 s0, $0xA;
	s1 =	sadd.s32 s2, s1  }
0x5: {  	s1 =	sadd.s32 s1, s17  }
0x6: {  	[smem:$0x3F83] =	sst s1  }
0x7: {  	_ = 	snop  }
0x8: {  	(tm) =	ssettm $0x1  }
0x9: {  	s18 =	sld [smem:$0x3FFB];
	_ =	sdelay $0x3  }
0xa: {  	_ =	strace s18  }
0xb: {  	s1 =	sld [smem:$0x3FFC];
	_ =	sdelay $0x3  }
0xc: {  	_ =	strace s1  }
0xd: {  	s1 =	sld [smem:$0x3FFD];
	_ =	sdelay $0x3  }
0xe: {  	_ =	strace s1  }
0xf: {  	_ =	strace $0x8FFFFFFF  }
0x10: {  	s19 =	sld [smem:$0x3FDB];
	_ =	sdelay $0x1  }
0x11: {  	s20 =	simm.s32 $_scs_section_size  }
0x12: {  	s4 =	simm.s32 $_size__tile_overlayer_lowered;
	s5 =	simm.s32 $_tile_overlayer_lowered  }
0x13: {  	s23 =	simm.s32 $0x1BFF;
	s22 =	sshll.u32 s5, $0x1;
	s1 =	sadd.s32 s20, s19  }
0x14: {  	s6 =	simm.s32 $0x0;
	s21 =	sshll.u32 s4, $0x1;
	s4 =	sadd.s32 s22, s1  }
0x15: {  	[timem:s6], [sflag:s23] =	dma.local [hbm:s4], s21  }
0x16: {  	_ =	swait.ge [sflag:s23], s21  }
0x17: {  	s2 =	ssub.s32 $0x0, s21;
	[sflag:s23] =	ssyncset.done $0x0  }
0x18: {  	[sflag:s23] =	ssyncadd.s32 s2;
	_ =	sdelay $0x1  }
0x19: {  	s24 =	simm.s32 $0x1B8B  }
0x1a: {  	_ =	swait.ge [sflag:s24], $0x1  }
0x1b: {  	[sflag:s24] =	ssyncset.done $0x0  }
0x1c: {  	s26 =	simm.s32 $0x1B8E;
	s25 =	sld [smem:$0x3FFE];
	[sflag:s24] =	ssyncadd.s32 $0xFFFFFFFF  }
0x1d: {  	s27 =	simm.s32 $execute0_lowered;
	[smem:$0x3FD2] =	sst s26  }
0x1e: {  	s4 =	sshll.u32 s27, $0x1;
	_ =	strace $0x80000046;
	[dreg:$0x1] =	wrdreg $0xFFFFFFFF  }
0x1f: {  	s28 =	simm.s32 $_size_execute0_lowered;
	s1 =	sadd.s32 s1, s4;
	[dreg:$0x0] =	wrdreg $0x0  }
0x20: {  	s4 =	sshll.u32 s28, $0x1;
	[dreg:$0x2] =	wrdreg s1  }
0x21: {  	[dreg:$0x3] =	wrdreg s4  }
0x22: {  	[dreg:$0x4] =	wrdreg $0xC0  }
0x23: {  	_ =	task [dreg:s6], $0x5FFFF  }
0x24: {  	[dreg:$0x1] =	wrdreg $0xFFFFFFFF  }
0x25: {  	[dreg:$0x0] =	wrdreg $0x60  }
0x26: {  	[dreg:$0x2] =	wrdreg s25  }
0x27: {  	[dreg:$0x3] =	wrdreg $0x9  }
0x28: {  	_ =	task.clear_ibuf [dreg:s6], $0x4FFFF;
	_ =	strace $0x90000046  }
0x29: {  	s29 =	simm.s32 $0x9;
	_ =	strace $0x80000048  }
0x2a: {  	_ =	swait.ge [sflag:s29], $0x1  }
0x2b: {  	[sflag:s29] =	ssyncadd.s32 $0xFFFFFFFF  }
0x2c: {  	_ =	strace $0x90000048  }
0x2d: {  	_ =	sfence  }
0x2e: {  	s30 =	sld [smem:$0x0];
	_ =	sdelay $0x2  }
0x2f: {  	s31 =	sshll.u32 s3, $0xD;
	s3 =	sshrl.u32 s3, $0x2  }
0x30: {  	s2 =	sand.u32 $0x4000, s31;
	s1 =	sadd.s32 s3, s30  }
0x31: {  	s0 =	sor.u32 s2, s0;
	s1 =	sshll.u32 s1, $0x11  }
0x32: {  	s0 =	sor.u32 s1, s0  }
0x33: {  	s0 =	sadd.s32 $0x8F2B, s0  }
0x34: {  	[sflag:s0] =	ssyncadd.remote.s32 $0x1  }
0x35: {  	_ =	sfence.sel $0xFFFF  }
0x36: {  	[dreg:$0x0] =	wrdreg $0xFFFFFFFF;
	(pc) =	sbr.abs _section_cstart, $3  }
0x37: {  	[dreg:$0x1] =	wrdreg $0xFFFFFFFF  }
0x38: {  	_ =	task.clear_ibuf [dreg:s6], $0x2FFFF;
	_ =	strace $0x9FFFFFFF  }
0x39: {  	(tm) =	ssettm $0x7FFFFFFF  }
tec
execute0_lowered:
.L_overlay_start_1:
0x0: {  	(tag) =	ssettag $0x1  }
0x1: {  	s0 =	srdreg.scid;
	s3 =	rddreg [dreg:$0x0];
	s5 =	simm.s32 $0x1  }
0x2: {  	s7 =	simm.s32 $0x2;
	s15 =	simm.s32 $0x0;
	p0 =	por $0x0, $0x0  }
0x3: {  	s8 =	simm.s32 $0x800;
	s13 =	simm.s32 $0x0;
	s1 =	sshll.u32 s0, $0x7  }
0x4: {  	s14 =	simm.s32 $0x0;
	s9 =	simm.s32 $0x0;
	s1 =	sand.u32 $0x80, s1  }
0x5: {  	s0 =	rddreg [dreg:$0x1];
	_ =	strace $0x80000047;
	s6 =	ssub.s32 $0x100, s1  }
.Ltmp0:
0x6: {  	s2 =	sadd.s32 $0x18A00, s3;
	s31 =	sshrl.u32 s6, $0x7;
	(pc) =	sbr.rel .LBB1_1-.Ltmp0, $4  }
0x7: {  	s4 =	sadd.s32 $0x218A00, s3;
	s6 =	sshrl.u32 s6, $0x8;
	s3 =	sand.u32 $0x1, s31  }
0x8: {  	s11 =	stileid.u32;
	[sflag:s5] =	ssyncpa.u1 $0x0;
	s6 =	sadd.s32 s6, s3  }
0x9: {  	s12 =	simm.s32 $0x0;
	[sflag:s7] =	ssyncpa.u1 $0x0;
	s6 =	sshll.u32 s6, $0x5  }
0xa: {  	s10 =	smov.u32 s1;
	s3 =	stileid.u32;
	s7 =	sor.u32 $0x1, s6  }
.LBB1_4:
0xb: {  	v5 =	vld [tilespmem:s18+$0xFFFFFFD0];
	[tilespmem:s19+$0x2040 ss:$0x81] =	vst.msk $0xffff, v1  }
0xc: {  	v58 =	vld [tilespmem:s18+$0xFFFFFFE0];
	[tilespmem:s19+$0x2850 ss:$0x81] =	vst.msk $0xffff, v2  }
0xd: {  	s20 =	sshra.s32 s20, $0x2;
	v59 =	vld [tilespmem:s18+$0xFFFFFFF0];
	[tilespmem:s19+$0x3060 ss:$0x81] =	vst.msk $0xffff, v3  }
0xe: {  	v60 =	vld [tilespmem:s18+$0x0];
	[tilespmem:s19+$0x0 ss:$0x81] =	vst.msk $0xffff, v0;
	s17 =	sadd.s32 s20, s17  }
0xf: {  	v61 =	vld [tilespmem:s18+$0x10];
	s25 =	sshll.u32 s15, $0x8;
	[tilespmem:s17+$0x3870 ss:$0x81] =	vst.msk $0xffff, v4  }
0x10: {  	s26 =	sshll.u32 s13, $0x3;
	v62 =	vld [tilespmem:s18+$0x20];
	s27 =	sshll.u32 s15, $0x7;
	s30 =	sand.u32 $0x78, s13;
	[tilespmem:s17+$0x810 ss:$0x81] =	vst.msk $0xffff, v5  }
0x11: {  	v63 =	vld [tilespmem:s18+$0xFFFFFFC0];
	s14 =	sshll.u32 s14, $0x11;
	s19 =	sand.u32 $0xFF800, s25;
	s20 =	sand.u32 $0xFFC00, s26;
	[tilespmem:s17+$0x1020 ss:$0x81] =	vst.msk $0xffff, v58  }
0x12: {  	s29 =	sand.u32 $0x300, s27;
	s15 =	sand.u32 $0x80, s27;
	s28 =	sadd.s32 s20, s19;
	[tilespmem:s17+$0x1830 ss:$0x81] =	vst.msk $0xffff, v59  }
0x13: {  	s31 =	sand.u32 $0x7, s13;
	s15 =	sor.u32 s30, s15;
	s18 =	sor.u32 s29, s28;
	[tilespmem:s17+$0x2040 ss:$0x81] =	vst.msk $0xffff, v60  }
0x14: {  	s14 =	sadd.s32 s4, s14;
	s15 =	sshrl.u32 s15, $0x3;
	s18 =	sshrl.u32 s18, $0x3;
	[tilespmem:s17+$0x2850 ss:$0x81] =	vst.msk $0xffff, v61  }
0x15: {  	s13 =	sshll.u32 s31, $0x12;
	s14 =	sadd.s32 s15, s14;
	[tilespmem:s17+$0x3060 ss:$0x81] =	vst.msk $0xffff, v62;
	s18 =	sand.u32 $0x1FFE0, s18  }
0x16: {  	s13 =	sor.u32 $0x400, s13;
	[tilespmem:s17+$0x0 ss:$0x81] =	vst.msk $0xffff, v63;
	s14 =	sadd.s32 s18, s14  }
0x17: {  	[hbm4b:s14+s13] =	stream.strided.scatter [tilespmem:s16], [sflag:$0x2], $0x4000, s8, s13, $0x20;
	[tilespmem:$0x10100] =	vst v63  }
.LBB1_5:
0x18: {  	s16 =	sadd.s32 $0x80, s9  }
0x19: {  	s13 =	sadd.s32 $0x100, s10;
	s17 =	smov.u32 s10;
	p2 =	sgt.s32 s16, $0xFFF  }
0x1a: {  	s17 =	smov.u32 @p2 s13  }
0x1b: {  	s19 =	smov.u32 s11;
	s13 =	sadd.s32 $0x10, s11;
	p3 =	sgt.s32 s17, $0xFF  }
0x1c: {  	s19 =	smov.u32 @p3 s13  }
0x1d: {  	s16 =	simm.s32 @p2 $0x0;
	p2 =	sgt.s32 s19, $0xF  }
0x1e: {  	p1 =	slt.u32 s12, $0x2;
	s19 =	smov.u32 @p2 s3;
	p2 =	sne.s32 s12, s7  }
.Ltmp1:
0x1f: {  	s18 =	simm.s32 @!p1 $0x2;
	(pc) =	sbr.rel @!p2 .LBB1_6-.Ltmp1, $4  }
0x20: {  	s15 =	smov.u32 s9;
	s14 =	smov.u32 s11;
	_ =	swait.ge @!p1 [sflag:s18], $0x4000  }
0x21: {  	p0 =	por !p0, !p0;
	[sflag:s18] =	ssyncset.done @!p1 $0x0;
	s9 =	smov.u32 s16  }
0x22: {  	s17 =	smov.u32 @p3 s1;
	s13 =	smov.u32 s10;
	[sflag:s18] =	ssyncadd.s32 @!p1 $0xFFFFC000  }
0x23: {  	s10 =	smov.u32 s17;
	s12 =	sadd.s32 $0x1, s12;
	s11 =	smov.u32 s19  }
.LBB1_1:
0x24: {  	p1 =	sge.u32 s12, s6;
	s31 =	sadd.s32 $0xFFFFFFFF, s12  }
0x25: {  	s16 =	sxor.u32 @!p1 $0xFFFFFFFF, s12;
	s17 =	sand.u32 @!p1 $0x78, s9;
	s18 =	sshll.u32 @!p1 s10, $0xC  }
0x26: {  	s19 =	sshll.u32 @!p1 s10, $0x7;
	s20 =	sshll.u32 @!p1 s9, $0x3;
	s16 =	sshll.u32 @!p1 s16, $0xE  }
0x27: {  	s18 =	sand.u32 @!p1 $0xF8000, s18;
	s19 =	sand.u32 @!p1 $0x380, s19;
	s16 =	sand.u32 @!p1 $0x4000, s16  }
0x28: {  	s18 =	sadd.s32 @!p1 s18, s20;
	s20 =	sand.u32 @!p1 $0xC00, s20;
	s17 =	sor.u32 @!p1 s19, s17  }
0x29: {  	s19 =	sshll.u32 @!p1 s11, $0x11;
	s17 =	sor.u32 @!p1 s20, s17;
	s18 =	sshrl.u32 @!p1 s18, $0x3  }
0x2a: {  	s19 =	sadd.s32 @!p1 s2, s19;
	s20 =	sand.u32 @!p1 $0x7, s9;
	s18 =	sand.u32 @!p1 $0x1FE00, s18  }
0x2b: {  	s17 =	sshrl.u32 @!p1 s17, $0x3;
	s18 =	sadd.s32 @!p1 s18, s19;
	s19 =	sshll.u32 @!p1 s20, $0x12  }
0x2c: {  	s17 =	sadd.s32 @!p1 s17, s18;
	s18 =	sor.u32 @!p1 $0x400, s19;
	s19 =	simm.s32 @!p1 $0x8000  }
0x2d: {  	[tilespmem:s16], [sflag:$0x1] =	stream.strided.gather @!p1 [hbm4b:s17+s18], $0x4000, s19, s18, $0x38;
	[tilespmem:$0x10100] =	vst v63  }
0x2e: {  	p1 =	sge.u32 s31, s6  }
.Ltmp2:
0x2f: {  	_ = 	snop;
	(pc) =	sbr.rel @p1 .LBB1_5-.Ltmp2, $1  }
0x30: {  	_ =	sdelay $0x3  }
0x31: {  	s16 =	simm.s32 $0x1  }
0x32: {  	_ =	swait.ge [sflag:s5], $0x4000;
	s16 =	simm.s32 @!p0 $0x0  }
0x33: {  	[sflag:s5] =	ssyncset.done $0x0;
	s17 =	sshll.u32 s16, $0xE  }
0x34: {  	[sflag:s5] =	ssyncadd.s32 $0xFFFFC000;
	s18 =	sor.u32 $0x40, s17  }
0x35: {  	s16 =	smul.u32 $0x10200, s16;
	v0 =	vld [tilespmem:s18+$0x30]  }
0x36: {  	v3 =	vld [tilespmem:s18+$0xFFFFFFD0]  }
0x37: {  	s16 =	sshrl.u32 s16, $0x2;
	v4 =	vld [tilespmem:s18+$0xFFFFFFE0]  }
0x38: {  	v5 =	vld [tilespmem:s18+$0xFFFFFFF0];
	s17 =	sor.u32 $0x8000, s16  }
0x39: {  	s31 =	sand.u32 $0x1, s12;
	v1 =	vld [tilespmem:s18+$0x0];
	s19 =	sadd.s32 $0x0, s17  }
0x3a: {  	v2 =	vld [tilespmem:s18+$0x10];
	s16 =	smul.u32 $0x10200, s31;
	[tilespmem:s19+$0x3870 ss:$0x81] =	vst.msk $0xffff, v0  }
0x3b: {  	[tilespmem:s19+$0x810 ss:$0x81] =	vst.msk $0xffff, v3;
	v3 =	vld [tilespmem:s18+$0x20]  }
0x3c: {  	s16 =	sshrl.u32 s16, $0x2;
	v0 =	vld [tilespmem:s18+$0xFFFFFFC0];
	[tilespmem:s19+$0x1020 ss:$0x81] =	vst.msk $0xffff, v4;
	s18 =	sadd.s32 $0x80, s18  }
0x3d: {  	s20 =	simm.s32 $0x4;
	s21 =	simm.s32 $0x8;
	s16 =	sor.u32 $0x8000, s16;
	[tilespmem:s19+$0x1830 ss:$0x81] =	vst.msk $0xffff, v5;
	v4 =	vld [tilespmem:s18+$0x30]  }
.LBB1_3:
0x3e: {  	p1 =	sne.s32 s21, $0x1FC;
	v5 =	vld [tilespmem:s18+$0xFFFFFFD0];
	[tilespmem:s19+$0x2040 ss:$0x81] =	vst.msk $0xffff, v1  }
0x3f: {  	v6 =	vld [tilespmem:s18+$0xFFFFFFE0];
	[tilespmem:s19+$0x2850 ss:$0x81] =	vst.msk $0xffff, v2  }
0x40: {  	s22 =	sshra.s32 s20, $0x2;
	s20 =	smov.u32 s21;
	v7 =	vld [tilespmem:s18+$0xFFFFFFF0];
	[tilespmem:s19+$0x3060 ss:$0x81] =	vst.msk $0xffff, v3  }
.Ltmp3:
0x41: {  	v1 =	vld [tilespmem:s18+$0x0];
	[tilespmem:s19+$0x0 ss:$0x81] =	vst.msk $0xffff, v0;
	s19 =	sadd.s32 s22, s17;
	(pc) =	sbr.rel @p1 .LBB1_3-.Ltmp3, $4  }
0x42: {  	v2 =	vld [tilespmem:s18+$0x10];
	[tilespmem:s19+$0x3870 ss:$0x81] =	vst.msk $0xffff, v4  }
0x43: {  	[tilespmem:s19+$0x810 ss:$0x81] =	vst.msk $0xffff, v5;
	v3 =	vld [tilespmem:s18+$0x20]  }
0x44: {  	v0 =	vld [tilespmem:s18+$0xFFFFFFC0];
	[tilespmem:s19+$0x1020 ss:$0x81] =	vst.msk $0xffff, v6;
	s18 =	sadd.s32 $0x80, s18  }
0x45: {  	s21 =	sadd.s32 $0x4, s21;
	v4 =	vld [tilespmem:s18+$0x30];
	[tilespmem:s19+$0x1830 ss:$0x81] =	vst.msk $0xffff, v7  }
.Ltmp4:
0x46: {  	_ = 	snop;
	(pc) =	sbr.rel .LBB1_4-.Ltmp4, $1  }
0x47: {  	_ =	sdelay $0x3  }
.LBB1_6:
0x48: {  	_ =	sfence.sel $0x180000  }
0x49: {  	s1 =	simm.s32 $0x1;
	[bflag:$0x0] =	sbarrier.arrive $0xFFFF  }
0x4a: {  	s31 =	simm.s32 $0x2;
	[sflag:s1] =	ssyncpa.u1 $0x1  }
0x4b: {  	[sflag:s31] =	ssyncpa.u1 $0x1  }
0x4c: {  	p0 =	sne.s32 s3, $0x0;
	_ =	strace $0x90000047  }
0x4d: {  	s0 =	sadd.s32 @!p0 $0x100000, s0;
	[bflag:$0x2] =	sbarrier.arrive $0xFFFF  }
0x4e: {  	[sflag:s0] =	ssyncadd.tile.s32 @!p0 $0x1;
	_ =	shalt  }
.Lfunc_end1:
_tile_overlayer_lowered:
.L_overlay_start_2:
0x4f: {  	(tag) =	ssettag $0x2  }
0x50: {  	s0 =	rddreg [dreg:$0x0];
	s2 =	stileid.u32  }
0x51: {  	s1 =	rddreg [dreg:$0x1];
	p0 =	sne.s32 s2, $0x0  }
0x52: {  	s3 =	rddreg [dreg:$0x2];
	[bflag:$0x3] =	sbarrier.arrive $0xFFFF;
	s2 =	simm.s32 @!p0 $0x1C01  }
0x53: {  	[timem:s3], [sflag:s2] =	dma.local @!p0 [hbm:s0], s1  }
0x54: {  	s0 =	simm.s32 @!p0 $0x1  }
0x55: {  	_ =	swait.ge @!p0 [sflag:s0], s1  }
0x56: {  	s1 =	ssub.s32 @!p0 $0x0, s1;
	[sflag:s0] =	ssyncset.done @!p0 $0x0  }
0x57: {  	[sflag:s0] =	ssyncadd.s32 @!p0 s1  }
0x58: {  	[bflag:$0x3] =	sbarrier.arrive $0xFFFF  }
0x59: {  	_ =	shalt  }

</sc_bundles>
